<compile_context>
chip_gen: v7x
topology: tpu7x:2x2x1
jax: 0.10.2.dev20260603
libtpu: 0.0.44.dev20260713+nightly
codegen_flags: <defaults>
</compile_context>

<pallas_src>
import functools

import jax
import jax.numpy as jnp
from jax import lax
from jax.experimental import pallas as pl
from jax.experimental.pallas import tpu as pltpu
from jax.experimental.pallas import tpu_sc as plsc

NN = 10000
EE = 320000
DD = 128
GG = 64
CC = 10

NC = 2
NS = 16
NW = NC * NS
CH = 112
NCHUNK = 96
E_PAD = NW * NCHUNK * CH
N_PAD = 10112
RPT = N_PAD // NS
NBUF = 3
SUP = 6
NSUP = NCHUNK // SUP

BLK = 400
NBLK = NN // BLK


def _segment_sum_sc(feat, idx4, zeros):
    mesh = plsc.VectorSubcoreMesh(core_axis_name="c", subcore_axis_name="s")

    @functools.partial(
        pl.kernel,
        out_type=jax.ShapeDtypeStruct((NC, N_PAD, DD), jnp.float32),
        mesh=mesh,
        scratch_types=[
            [pltpu.VMEM((2 * SUP, CH), jnp.int32) for _ in range(2)],
            [pltpu.VMEM((CH, DD), jnp.float32) for _ in range(NBUF)],
            pltpu.VMEM_SHARED((N_PAD, DD), jnp.float32),
            [pltpu.SemaphoreType.DMA for _ in range(2)],
            [pltpu.SemaphoreType.DMA for _ in range(NBUF)],
        ],
    )
    def sc_kernel(x_hbm, idx_hbm, zero_hbm, out_hbm,
                  ibuf, rows_v, acc_sh, isems, rsems):
        cid = lax.axis_index("c")
        sid = lax.axis_index("s")
        wid = cid * NS + sid
        pltpu.sync_copy(zero_hbm, acc_sh.at[pl.ds(sid * RPT, RPT)])
        pltpu.sync_copy(idx_hbm.at[wid, 0], ibuf[0])
        pltpu.async_copy(idx_hbm.at[wid, 1], ibuf[1], isems[1])
        plsc.subcore_barrier()

        for b in range(NBUF):
            pltpu.async_copy(x_hbm.at[ibuf[0].at[b]], rows_v[b], rsems[b])

        @pl.loop(0, NSUP, step=2)
        def _(s):
            for q in range(2):
                t = s + q
                for j in range(SUP):
                    b = j % NBUF
                    pltpu.make_async_copy(
                        x_hbm.at[ibuf[q].at[j]], rows_v[b], rsems[b]).wait()
                    pltpu.sync_copy(rows_v[b], acc_sh.at[ibuf[q].at[SUP + j]],
                                    add=True)
                    if j < SUP - NBUF:
                        pltpu.async_copy(x_hbm.at[ibuf[q].at[j + NBUF]],
                                         rows_v[b], rsems[b])
                    else:
                        if j == SUP - NBUF:
                            @pl.when(t + 1 < NSUP)
                            def _():
                                pltpu.make_async_copy(
                                    idx_hbm.at[wid, t + 1], ibuf[1 - q],
                                    isems[1 - q]).wait()

                        @pl.when(t + 1 < NSUP)
                        def _():
                            pltpu.async_copy(
                                x_hbm.at[ibuf[1 - q].at[j + NBUF - SUP]],
                                rows_v[b], rsems[b])
                @pl.when(t + 2 < NSUP)
                def _():
                    pltpu.async_copy(idx_hbm.at[wid, t + 2], ibuf[q], isems[q])

        plsc.subcore_barrier()
        pltpu.sync_copy(acc_sh.at[pl.ds(sid * RPT, RPT)],
                        out_hbm.at[cid, pl.ds(sid * RPT, RPT)])

    return sc_kernel(feat, idx4, zeros)


def _mlp1_tc(x, parts, W1, b1, W2, b2):

    def body(x_ref, p0_ref, p1_ref, w1_ref, b1_ref, w2_ref, b2_ref, o_ref):
        u = x_ref[...] + p0_ref[0] + p1_ref[0]
        t = jnp.dot(u, w1_ref[...], preferred_element_type=jnp.float32)
        t = jnp.maximum(t + b1_ref[...], 0.0)
        h = jnp.dot(t, w2_ref[...], preferred_element_type=jnp.float32)
        o_ref[...] = jnp.maximum(h + b2_ref[...], 0.0)

    return pl.pallas_call(
        body,
        grid=(NBLK,),
        in_specs=[
            pl.BlockSpec((BLK, DD), lambda i: (i, 0)),
            pl.BlockSpec((1, BLK, DD), lambda i: (0, i, 0)),
            pl.BlockSpec((1, BLK, DD), lambda i: (1, i, 0)),
            pl.BlockSpec((DD, DD), lambda i: (0, 0)),
            pl.BlockSpec((1, DD), lambda i: (0, 0)),
            pl.BlockSpec((DD, DD), lambda i: (0, 0)),
            pl.BlockSpec((1, DD), lambda i: (0, 0)),
        ],
        out_specs=pl.BlockSpec((BLK, DD), lambda i: (i, 0)),
        out_shape=jax.ShapeDtypeStruct((NN, DD), jnp.float32),
    )(x, parts, parts, W1, b1.reshape(1, DD), W2, b2.reshape(1, DD))


def _mlp2_pool_tc(h, parts, batch2d, W3, b3, W4, b4, Wl1, bl1, Wl2, bl2):

    def body(h_ref, p0_ref, p1_ref, b_ref, w3_ref, b3_ref, w4_ref, b4_ref,
             wl1_ref, bl1_ref, wl2_ref, bl2_ref, o_ref, acc_ref, cnt_ref):
        i = pl.program_id(0)

        @pl.when(i == 0)
        def _():
            acc_ref[...] = jnp.zeros_like(acc_ref)
            cnt_ref[...] = jnp.zeros_like(cnt_ref)

        u = h_ref[...] + p0_ref[0] + p1_ref[0]
        t = jnp.dot(u, w3_ref[...], preferred_element_type=jnp.float32)
        t = jnp.maximum(t + b3_ref[...], 0.0)
        h2 = jnp.dot(t, w4_ref[...], preferred_element_type=jnp.float32)
        h2 = h2 + b4_ref[...]

        gids = lax.broadcasted_iota(jnp.int32, (1, GG), 1)
        onehot = (b_ref[...] == gids).astype(jnp.float32)
        acc_ref[...] += lax.dot_general(
            onehot, h2, (((0,), (0,)), ((), ())),
            preferred_element_type=jnp.float32)
        cnt_ref[...] += lax.dot_general(
            onehot, jnp.ones((BLK, DD), jnp.float32), (((0,), (0,)), ((), ())),
            preferred_element_type=jnp.float32)

        @pl.when(i == NBLK - 1)
        def _():
            pooled = acc_ref[...] / jnp.maximum(cnt_ref[...], 1.0)
            r = jnp.dot(pooled, wl1_ref[...],
                        preferred_element_type=jnp.float32) + bl1_ref[...]
            o_ref[...] = jnp.dot(r, wl2_ref[...],
                                 preferred_element_type=jnp.float32) + bl2_ref[...]

    return pl.pallas_call(
        body,
        grid=(NBLK,),
        in_specs=[
            pl.BlockSpec((BLK, DD), lambda i: (i, 0)),
            pl.BlockSpec((1, BLK, DD), lambda i: (0, i, 0)),
            pl.BlockSpec((1, BLK, DD), lambda i: (1, i, 0)),
            pl.BlockSpec((BLK, 1), lambda i: (i, 0)),
            pl.BlockSpec((DD, DD), lambda i: (0, 0)),
            pl.BlockSpec((1, DD), lambda i: (0, 0)),
            pl.BlockSpec((DD, DD), lambda i: (0, 0)),
            pl.BlockSpec((1, DD), lambda i: (0, 0)),
            pl.BlockSpec((DD, DD // 2), lambda i: (0, 0)),
            pl.BlockSpec((1, DD // 2), lambda i: (0, 0)),
            pl.BlockSpec((DD // 2, CC), lambda i: (0, 0)),
            pl.BlockSpec((1, CC), lambda i: (0, 0)),
        ],
        out_specs=pl.BlockSpec((GG, CC), lambda i: (0, 0)),
        out_shape=jax.ShapeDtypeStruct((GG, CC), jnp.float32),
        scratch_shapes=[
            pltpu.VMEM((GG, DD), jnp.float32),
            pltpu.VMEM((GG, DD), jnp.float32),
        ],
    )(h, parts, parts, batch2d, W3, b3.reshape(1, DD), W4, b4.reshape(1, DD),
      Wl1, bl1.reshape(1, DD // 2), Wl2, bl2.reshape(1, CC))


def kernel(x, edge_index, batch, W1, b1, W2, b2, W3, b3, W4, b4,
           Wl1, bl1, Wl2, bl2):
    ppt = (E_PAD - EE) // NW
    pad_src = (jnp.arange(NW, dtype=jnp.int32)[:, None] * ppt
               + jnp.arange(ppt, dtype=jnp.int32)[None, :]) % NN
    src_p = jnp.concatenate(
        [edge_index[0].reshape(NW, EE // NW), pad_src], axis=1)
    rows_per_tile = (N_PAD - NN) // NS
    pad_dst = (NN
               + (jnp.arange(NW, dtype=jnp.int32) % NS)[:, None] * rows_per_tile
               + (jnp.arange(ppt, dtype=jnp.int32) % rows_per_tile)[None, :])
    dst_p = jnp.concatenate(
        [edge_index[1].reshape(NW, EE // NW), pad_dst], axis=1)
    src4 = src_p.reshape(NW, NSUP, SUP, CH)
    dst4 = dst_p.reshape(NW, NSUP, SUP, CH)
    idx4 = jnp.concatenate([src4, dst4], axis=2)
    zeros = jnp.zeros((RPT, DD), jnp.float32)
    batch2d = batch.reshape(NN, 1)

    parts1 = _segment_sum_sc(x, idx4, zeros)
    h = _mlp1_tc(x, parts1, W1, b1, W2, b2)
    parts2 = _segment_sum_sc(h, idx4, zeros)
    return _mlp2_pool_tc(h, parts2, batch2d, W3, b3, W4, b4, Wl1, bl1, Wl2, bl2)

# --- scband reference (transcript-rebuilt; emitter-appended) ---
"""Pipeline reference for scband-gin-4844723109939 (READ-ONLY COPY).

The authoritative reference and input builder live on the scoring server;
editing this copy changes nothing except your own understanding.
"""

import jax, jax.numpy as jnp
import numpy as np

N = 10000
E = 320000
D = 128
H = 128
O = 128
C = 10
G = 64


def setup_inputs(seed: int = 0) -> dict:
    key = jax.random.key(seed)
    ks = jax.random.split(key, 16)
    x = jax.random.normal(ks[0], (N, D), dtype=jnp.float32)
    edge_index = jax.random.randint(ks[1], (2, E), 0, N, dtype=jnp.int32)
    batch = jnp.sort(jax.random.randint(ks[2], (N,), 0, G, dtype=jnp.int32))
    s = 0.05
    # conv1 MLP: [D -> H -> H]
    W1 = jax.random.normal(ks[3], (D, H), dtype=jnp.float32) * s
    b1 = jnp.zeros((H,), dtype=jnp.float32)
    W2 = jax.random.normal(ks[4], (H, H), dtype=jnp.float32) * s
    b2 = jnp.zeros((H,), dtype=jnp.float32)
    # conv2 MLP: [H -> H -> O]
    W3 = jax.random.normal(ks[5], (H, H), dtype=jnp.float32) * s
    b3 = jnp.zeros((H,), dtype=jnp.float32)
    W4 = jax.random.normal(ks[6], (H, O), dtype=jnp.float32) * s
    b4 = jnp.zeros((O,), dtype=jnp.float32)
    # lin1: O -> O//2, lin2: O//2 -> C
    Wl1 = jax.random.normal(ks[7], (O, O // 2), dtype=jnp.float32) * s
    bl1 = jnp.zeros((O // 2,), dtype=jnp.float32)
    Wl2 = jax.random.normal(ks[8], (O // 2, C), dtype=jnp.float32) * s
    bl2 = jnp.zeros((C,), dtype=jnp.float32)
    return {"x": x, "edge_index": edge_index, "batch": batch,
            "W1": W1, "b1": b1, "W2": W2, "b2": b2,
            "W3": W3, "b3": b3, "W4": W4, "b4": b4,
            "Wl1": Wl1, "bl1": bl1, "Wl2": Wl2, "bl2": bl2}


def _mlp(h, Wa, ba, Wb, bb):
    return jax.nn.relu(h @ Wa + ba) @ Wb + bb


def reference(x, edge_index, batch, W1, b1, W2, b2, W3, b3, W4, b4, Wl1, bl1, Wl2, bl2):
    src = edge_index[0]
    dst = edge_index[1]
    # GINConv 1: (1 + eps) * x + sum_{j in N(i)} x_j, eps = 0
    agg1 = jax.ops.segment_sum(x[src], dst, num_segments=N)
    h = jax.nn.relu(_mlp(x + agg1, W1, b1, W2, b2))
    # dropout (p=0.5) is identity in eval / deterministic reference
    # GINConv 2
    agg2 = jax.ops.segment_sum(h[src], dst, num_segments=N)
    h2 = _mlp(h + agg2, W3, b3, W4, b4)
    # global_mean_pool over batch ids
    sums = jax.ops.segment_sum(h2, batch, num_segments=G)
    counts = jax.ops.segment_sum(jnp.ones((N, 1), dtype=jnp.float32), batch, num_segments=G)
    pooled = sums / jnp.maximum(counts, 1.0)
    out = pooled @ Wl1 + bl1
    out = out @ Wl2 + bl2
    return out

if __name__ == "__main__":
    import jax
    _d = setup_inputs()
    print(jax.jit(kernel)(*tuple(_d.values())))

</pallas_src>

<mosaic_0001>
#map = affine_map<(d0, d1) -> (0, 0)>
#map1 = affine_map<(d0, d1) -> (0, 0, 0, 0)>
#map2 = affine_map<(d0, d1) -> (0, 0, 0)>
module attributes {stable_mosaic.version = 14 : i64} {
  func.func @sc_kernel(%arg0: i32, %arg1: i32, %arg2: memref<10000x128xf32, #tpu.memory_space<hbm>>, %arg3: memref<32x16x12x112xi32, #tpu.memory_space<hbm>>, %arg4: memref<632x128xf32, #tpu.memory_space<hbm>>, %arg5: memref<2x10112x128xf32, #tpu.memory_space<hbm>>, %arg6: memref<12x112xi32, #tpu.memory_space<vmem>>, %arg7: memref<12x112xi32, #tpu.memory_space<vmem>>, %arg8: memref<112x128xf32, #tpu.memory_space<vmem>>, %arg9: memref<112x128xf32, #tpu.memory_space<vmem>>, %arg10: memref<112x128xf32, #tpu.memory_space<vmem>>, %arg11: memref<10112x128xf32, #tpu.memory_space<vmem_shared>>, %arg12: memref<!tpu.dma_semaphore, #tpu.memory_space<semaphore_mem>>, %arg13: memref<!tpu.dma_semaphore, #tpu.memory_space<semaphore_mem>>, %arg14: memref<!tpu.dma_semaphore, #tpu.memory_space<semaphore_mem>>, %arg15: memref<!tpu.dma_semaphore, #tpu.memory_space<semaphore_mem>>, %arg16: memref<!tpu.dma_semaphore, #tpu.memory_space<semaphore_mem>>) attributes {dimension_semantics = [#tpu.dimension_semantics<core_parallel>, #tpu.dimension_semantics<subcore_parallel>], iteration_bounds = array<i64: 2, 16>, scalar_prefetch = 0 : i64, scratch_operands = 11 : i64, tpu.core_type = #tpu.core_type<sc_vector_subcore>, window_params = [{transform_indices = #map}, {transform_indices = #map1}, {transform_indices = #map}, {transform_indices = #map2}]} {
    %mul3A = arith.constant 16 : i32
    %mul3A_0 = arith.muli %arg0, %mul3A : i32
    %add3A = arith.addi %mul3A_0, %arg1 : i32
    %mul3A_1 = arith.constant 632 : i32
    %mul3A_2 = arith.muli %arg1, %mul3A_1 : i32
    "tpu.region"() ({
      %run_scoped3A_41 = tpu.sem_alloc : memref<!tpu.dma_semaphore, #tpu.memory_space<semaphore_mem>>
      %dma_start3A_42 = arith.constant 0 : i32
      %dma_start3A_43 = tpu.memref_slice %arg11[%mul3A_2, %dma_start3A_42] : memref<10112x128xf32, #tpu.memory_space<vmem_shared>> -> memref<632x128xf32, #tpu.memory_space<vmem_shared>>
      tpu.enqueue_dma source(%arg4 : memref<632x128xf32, #tpu.memory_space<hbm>>) target(%dma_start3A_43 : memref<632x128xf32, #tpu.memory_space<vmem_shared>>) target_semaphore(%run_scoped3A_41 : memref<!tpu.dma_semaphore, #tpu.memory_space<semaphore_mem>>)
      %dma_wait3A = arith.constant 0 : i32
      %dma_wait3A_44 = tpu.memref_slice %arg11[%mul3A_2, %dma_wait3A] : memref<10112x128xf32, #tpu.memory_space<vmem_shared>> -> memref<632x128xf32, #tpu.memory_space<vmem_shared>>
      tpu.wait_dma2 semaphore(%run_scoped3A_41 : memref<!tpu.dma_semaphore, #tpu.memory_space<semaphore_mem>>) src(%arg4 : memref<632x128xf32, #tpu.memory_space<hbm>>) dst(%dma_wait3A_44 : memref<632x128xf32, #tpu.memory_space<vmem_shared>>)
      tpu.yield
    }) : () -> ()
    %run_scoped3A = arith.constant 0 : i32
    "tpu.region"() ({
      %run_scoped3A_41 = tpu.sem_alloc : memref<!tpu.dma_semaphore, #tpu.memory_space<semaphore_mem>>
      %dma_start3A_42 = arith.constant 0 : i32
      %dma_start3A_43 = arith.constant 0 : i32
      %dma_start3A_44 = tpu.memref_slice %arg3[%add3A, %run_scoped3A, %dma_start3A_42, %dma_start3A_43] : memref<32x16x12x112xi32, #tpu.memory_space<hbm>> -> memref<1x1x12x112xi32, #tpu.memory_space<hbm>>
      %dma_start3A_45 = tpu.memref_squeeze %dma_start3A_44 : memref<1x1x12x112xi32, #tpu.memory_space<hbm>> -> memref<12x112xi32, #tpu.memory_space<hbm>>
      %dma_start3A_46 = arith.constant 0 : i32
      %dma_start3A_47 = arith.constant 0 : i32
      %dma_start3A_48 = tpu.memref_slice %arg3[%add3A, %run_scoped3A, %dma_start3A_46, %dma_start3A_47] : memref<32x16x12x112xi32, #tpu.memory_space<hbm>> -> memref<1x1x12x112xi32, #tpu.memory_space<hbm>>
      %dma_start3A_49 = tpu.memref_squeeze %dma_start3A_48 : memref<1x1x12x112xi32, #tpu.memory_space<hbm>> -> memref<12x112xi32, #tpu.memory_space<hbm>>
      tpu.enqueue_dma source(%dma_start3A_49 : memref<12x112xi32, #tpu.memory_space<hbm>>) target(%arg6 : memref<12x112xi32, #tpu.memory_space<vmem>>) target_semaphore(%run_scoped3A_41 : memref<!tpu.dma_semaphore, #tpu.memory_space<semaphore_mem>>)
      %dma_wait3A = arith.constant 0 : i32
      %dma_wait3A_50 = arith.constant 0 : i32
      %dma_wait3A_51 = tpu.memref_slice %arg3[%add3A, %run_scoped3A, %dma_wait3A, %dma_wait3A_50] : memref<32x16x12x112xi32, #tpu.memory_space<hbm>> -> memref<1x1x12x112xi32, #tpu.memory_space<hbm>>
      %dma_wait3A_52 = tpu.memref_squeeze %dma_wait3A_51 : memref<1x1x12x112xi32, #tpu.memory_space<hbm>> -> memref<12x112xi32, #tpu.memory_space<hbm>>
      %dma_wait3A_53 = arith.constant 0 : i32
      %dma_wait3A_54 = arith.constant 0 : i32
      %dma_wait3A_55 = tpu.memref_slice %arg3[%add3A, %run_scoped3A, %dma_wait3A_53, %dma_wait3A_54] : memref<32x16x12x112xi32, #tpu.memory_space<hbm>> -> memref<1x1x12x112xi32, #tpu.memory_space<hbm>>
      %dma_wait3A_56 = tpu.memref_squeeze %dma_wait3A_55 : memref<1x1x12x112xi32, #tpu.memory_space<hbm>> -> memref<12x112xi32, #tpu.memory_space<hbm>>
      tpu.wait_dma2 semaphore(%run_scoped3A_41 : memref<!tpu.dma_semaphore, #tpu.memory_space<semaphore_mem>>) src(%dma_wait3A_56 : memref<12x112xi32, #tpu.memory_space<hbm>>) dst(%arg6 : memref<12x112xi32, #tpu.memory_space<vmem>>)
      tpu.yield
    }) : () -> ()
    %dma_start3A = arith.constant 1 : i32
    %dma_start3A_3 = arith.constant 0 : i32
    %dma_start3A_4 = arith.constant 0 : i32
    %dma_start3A_5 = tpu.memref_slice %arg3[%add3A, %dma_start3A, %dma_start3A_3, %dma_start3A_4] : memref<32x16x12x112xi32, #tpu.memory_space<hbm>> -> memref<1x1x12x112xi32, #tpu.memory_space<hbm>>
    %dma_start3A_6 = tpu.memref_squeeze %dma_start3A_5 : memref<1x1x12x112xi32, #tpu.memory_space<hbm>> -> memref<12x112xi32, #tpu.memory_space<hbm>>
    %dma_start3A_7 = arith.constant 0 : i32
    %dma_start3A_8 = arith.constant 0 : i32
    %dma_start3A_9 = tpu.memref_slice %arg3[%add3A, %dma_start3A, %dma_start3A_7, %dma_start3A_8] : memref<32x16x12x112xi32, #tpu.memory_space<hbm>> -> memref<1x1x12x112xi32, #tpu.memory_space<hbm>>
    %dma_start3A_10 = tpu.memref_squeeze %dma_start3A_9 : memref<1x1x12x112xi32, #tpu.memory_space<hbm>> -> memref<12x112xi32, #tpu.memory_space<hbm>>
    tpu.enqueue_dma source(%dma_start3A_10 : memref<12x112xi32, #tpu.memory_space<hbm>>) target(%arg7 : memref<12x112xi32, #tpu.memory_space<vmem>>) target_semaphore(%arg13 : memref<!tpu.dma_semaphore, #tpu.memory_space<semaphore_mem>>)
    %barrier3A = arith.constant 0 : index
    tpu.barrier barrier_id(%barrier3A)
    %dma_start3A_11 = arith.constant 0 : i32
    %dma_start3A_12 = arith.constant 0 : i32
    %dma_start3A_13 = tpu.memref_slice %arg6[%dma_start3A_11, %dma_start3A_12] : memref<12x112xi32, #tpu.memory_space<vmem>> -> memref<1x112xi32, #tpu.memory_space<vmem>>
    %dma_start3A_14 = tpu.memref_squeeze %dma_start3A_13 : memref<1x112xi32, #tpu.memory_space<vmem>> -> memref<112xi32, #tpu.memory_space<vmem>>
    %dma_start3A_15 = arith.constant 0 : i32
    %dma_start3A_16 = arith.constant 0 : i32
    %dma_start3A_17 = tpu.memref_slice %arg2[%dma_start3A_15, %dma_start3A_16] : memref<10000x128xf32, #tpu.memory_space<hbm>> -> memref<10000x128xf32, #tpu.memory_space<hbm>>
    tpu.enqueue_indirect_dma source(%dma_start3A_17 : memref<10000x128xf32, #tpu.memory_space<hbm>>) target(%arg8 : memref<112x128xf32, #tpu.memory_space<vmem>>) offsets(%dma_start3A_14 : memref<112xi32, #tpu.memory_space<vmem>>) semaphore(%arg14 : memref<!tpu.dma_semaphore, #tpu.memory_space<semaphore_mem>>)
    %dma_start3A_18 = arith.constant 1 : i32
    %dma_start3A_19 = arith.constant 0 : i32
    %dma_start3A_20 = tpu.memref_slice %arg6[%dma_start3A_18, %dma_start3A_19] : memref<12x112xi32, #tpu.memory_space<vmem>> -> memref<1x112xi32, #tpu.memory_space<vmem>>
    %dma_start3A_21 = tpu.memref_squeeze %dma_start3A_20 : memref<1x112xi32, #tpu.memory_space<vmem>> -> memref<112xi32, #tpu.memory_space<vmem>>
    %dma_start3A_22 = arith.constant 0 : i32
    %dma_start3A_23 = arith.constant 0 : i32
    %dma_start3A_24 = tpu.memref_slice %arg2[%dma_start3A_22, %dma_start3A_23] : memref<10000x128xf32, #tpu.memory_space<hbm>> -> memref<10000x128xf32, #tpu.memory_space<hbm>>
    tpu.enqueue_indirect_dma source(%dma_start3A_24 : memref<10000x128xf32, #tpu.memory_space<hbm>>) target(%arg9 : memref<112x128xf32, #tpu.memory_space<vmem>>) offsets(%dma_start3A_21 : memref<112xi32, #tpu.memory_space<vmem>>) semaphore(%arg15 : memref<!tpu.dma_semaphore, #tpu.memory_space<semaphore_mem>>)
    %dma_start3A_25 = arith.constant 2 : i32
    %dma_start3A_26 = arith.constant 0 : i32
    %dma_start3A_27 = tpu.memref_slice %arg6[%dma_start3A_25, %dma_start3A_26] : memref<12x112xi32, #tpu.memory_space<vmem>> -> memref<1x112xi32, #tpu.memory_space<vmem>>
    %dma_start3A_28 = tpu.memref_squeeze %dma_start3A_27 : memref<1x112xi32, #tpu.memory_space<vmem>> -> memref<112xi32, #tpu.memory_space<vmem>>
    %dma_start3A_29 = arith.constant 0 : i32
    %dma_start3A_30 = arith.constant 0 : i32
    %dma_start3A_31 = tpu.memref_slice %arg2[%dma_start3A_29, %dma_start3A_30] : memref<10000x128xf32, #tpu.memory_space<hbm>> -> memref<10000x128xf32, #tpu.memory_space<hbm>>
    tpu.enqueue_indirect_dma source(%dma_start3A_31 : memref<10000x128xf32, #tpu.memory_space<hbm>>) target(%arg10 : memref<112x128xf32, #tpu.memory_space<vmem>>) offsets(%dma_start3A_28 : memref<112xi32, #tpu.memory_space<vmem>>) semaphore(%arg16 : memref<!tpu.dma_semaphore, #tpu.memory_space<semaphore_mem>>)
    %scan3A = arith.constant 0 : i32
    %scan3A_32 = arith.constant 8 : i32
    %scan3A_33 = arith.addi %scan3A, %scan3A_32 : i32
    %scan3A_34 = arith.constant 1 : i32
    scf.for %scan3A_41 = %scan3A to %scan3A_33 step %scan3A_34  : i32 {
      %mul3A_42 = arith.constant 2 : i32
      %mul3A_43 = arith.muli %scan3A_41, %mul3A_42 : i32
      %add3A_44 = arith.constant 0 : i32
      %add3A_45 = arith.addi %add3A_44, %mul3A_43 : i32
      %add3A_46 = arith.constant 0 : i32
      %add3A_47 = arith.addi %add3A_45, %add3A_46 : i32
      %dma_wait3A = arith.constant 0 : i32
      %dma_wait3A_48 = arith.constant 0 : i32
      %dma_wait3A_49 = tpu.memref_slice %arg6[%dma_wait3A, %dma_wait3A_48] : memref<12x112xi32, #tpu.memory_space<vmem>> -> memref<1x112xi32, #tpu.memory_space<vmem>>
      %dma_wait3A_50 = tpu.memref_squeeze %dma_wait3A_49 : memref<1x112xi32, #tpu.memory_space<vmem>> -> memref<112xi32, #tpu.memory_space<vmem>>
      %dma_wait3A_51 = arith.constant 0 : i32
      %dma_wait3A_52 = arith.constant 0 : i32
      %dma_wait3A_53 = tpu.memref_slice %arg2[%dma_wait3A_51, %dma_wait3A_52] : memref<10000x128xf32, #tpu.memory_space<hbm>> -> memref<10000x128xf32, #tpu.memory_space<hbm>>
      tpu.wait_indirect_dma semaphore(%arg14 : memref<!tpu.dma_semaphore, #tpu.memory_space<semaphore_mem>>) src(%dma_wait3A_53 : memref<10000x128xf32, #tpu.memory_space<hbm>>) dst(%arg8 : memref<112x128xf32, #tpu.memory_space<vmem>>)
      %run_scoped3A_54 = arith.constant 6 : i32
      "tpu.region"() ({
        %run_scoped3A_254 = tpu.sem_alloc : memref<!tpu.dma_semaphore, #tpu.memory_space<semaphore_mem>>
        %dma_start3A_255 = arith.constant 0 : i32
        %dma_start3A_256 = tpu.memref_slice %arg6[%run_scoped3A_54, %dma_start3A_255] : memref<12x112xi32, #tpu.memory_space<vmem>> -> memref<1x112xi32, #tpu.memory_space<vmem>>
        %dma_start3A_257 = tpu.memref_squeeze %dma_start3A_256 : memref<1x112xi32, #tpu.memory_space<vmem>> -> memref<112xi32, #tpu.memory_space<vmem>>
        %dma_start3A_258 = arith.constant 0 : i32
        %dma_start3A_259 = arith.constant 0 : i32
        %dma_start3A_260 = tpu.memref_slice %arg11[%dma_start3A_258, %dma_start3A_259] : memref<10112x128xf32, #tpu.memory_space<vmem_shared>> -> memref<10112x128xf32, #tpu.memory_space<vmem_shared>>
        tpu.enqueue_indirect_dma source(%arg8 : memref<112x128xf32, #tpu.memory_space<vmem>>) target(%dma_start3A_260 : memref<10112x128xf32, #tpu.memory_space<vmem_shared>>) offsets(%dma_start3A_257 : memref<112xi32, #tpu.memory_space<vmem>>) semaphore(%run_scoped3A_254 : memref<!tpu.dma_semaphore, #tpu.memory_space<semaphore_mem>>) {add = true}
        %dma_wait3A_261 = arith.constant 0 : i32
        %dma_wait3A_262 = tpu.memref_slice %arg6[%run_scoped3A_54, %dma_wait3A_261] : memref<12x112xi32, #tpu.memory_space<vmem>> -> memref<1x112xi32, #tpu.memory_space<vmem>>
        %dma_wait3A_263 = tpu.memref_squeeze %dma_wait3A_262 : memref<1x112xi32, #tpu.memory_space<vmem>> -> memref<112xi32, #tpu.memory_space<vmem>>
        %dma_wait3A_264 = arith.constant 0 : i32
        %dma_wait3A_265 = arith.constant 0 : i32
        %dma_wait3A_266 = tpu.memref_slice %arg11[%dma_wait3A_264, %dma_wait3A_265] : memref<10112x128xf32, #tpu.memory_space<vmem_shared>> -> memref<10112x128xf32, #tpu.memory_space<vmem_shared>>
        tpu.wait_indirect_dma semaphore(%run_scoped3A_254 : memref<!tpu.dma_semaphore, #tpu.memory_space<semaphore_mem>>) src(%arg8 : memref<112x128xf32, #tpu.memory_space<vmem>>) dst(%dma_wait3A_266 : memref<10112x128xf32, #tpu.memory_space<vmem_shared>>)
        tpu.yield
      }) : () -> ()
      %dma_start3A_55 = arith.constant 3 : i32
      %dma_start3A_56 = arith.constant 0 : i32
      %dma_start3A_57 = tpu.memref_slice %arg6[%dma_start3A_55, %dma_start3A_56] : memref<12x112xi32, #tpu.memory_space<vmem>> -> memref<1x112xi32, #tpu.memory_space<vmem>>
      %dma_start3A_58 = tpu.memref_squeeze %dma_start3A_57 : memref<1x112xi32, #tpu.memory_space<vmem>> -> memref<112xi32, #tpu.memory_space<vmem>>
      %dma_start3A_59 = arith.constant 0 : i32
      %dma_start3A_60 = arith.constant 0 : i32
      %dma_start3A_61 = tpu.memref_slice %arg2[%dma_start3A_59, %dma_start3A_60] : memref<10000x128xf32, #tpu.memory_space<hbm>> -> memref<10000x128xf32, #tpu.memory_space<hbm>>
      tpu.enqueue_indirect_dma source(%dma_start3A_61 : memref<10000x128xf32, #tpu.memory_space<hbm>>) target(%arg8 : memref<112x128xf32, #tpu.memory_space<vmem>>) offsets(%dma_start3A_58 : memref<112xi32, #tpu.memory_space<vmem>>) semaphore(%arg14 : memref<!tpu.dma_semaphore, #tpu.memory_space<semaphore_mem>>)
      %dma_wait3A_62 = arith.constant 1 : i32
      %dma_wait3A_63 = arith.constant 0 : i32
      %dma_wait3A_64 = tpu.memref_slice %arg6[%dma_wait3A_62, %dma_wait3A_63] : memref<12x112xi32, #tpu.memory_space<vmem>> -> memref<1x112xi32, #tpu.memory_space<vmem>>
      %dma_wait3A_65 = tpu.memref_squeeze %dma_wait3A_64 : memref<1x112xi32, #tpu.memory_space<vmem>> -> memref<112xi32, #tpu.memory_space<vmem>>
      %dma_wait3A_66 = arith.constant 0 : i32
      %dma_wait3A_67 = arith.constant 0 : i32
      %dma_wait3A_68 = tpu.memref_slice %arg2[%dma_wait3A_66, %dma_wait3A_67] : memref<10000x128xf32, #tpu.memory_space<hbm>> -> memref<10000x128xf32, #tpu.memory_space<hbm>>
      tpu.wait_indirect_dma semaphore(%arg15 : memref<!tpu.dma_semaphore, #tpu.memory_space<semaphore_mem>>) src(%dma_wait3A_68 : memref<10000x128xf32, #tpu.memory_space<hbm>>) dst(%arg9 : memref<112x128xf32, #tpu.memory_space<vmem>>)
      %run_scoped3A_69 = arith.constant 7 : i32
      "tpu.region"() ({
        %run_scoped3A_254 = tpu.sem_alloc : memref<!tpu.dma_semaphore, #tpu.memory_space<semaphore_mem>>
        %dma_start3A_255 = arith.constant 0 : i32
        %dma_start3A_256 = tpu.memref_slice %arg6[%run_scoped3A_69, %dma_start3A_255] : memref<12x112xi32, #tpu.memory_space<vmem>> -> memref<1x112xi32, #tpu.memory_space<vmem>>
        %dma_start3A_257 = tpu.memref_squeeze %dma_start3A_256 : memref<1x112xi32, #tpu.memory_space<vmem>> -> memref<112xi32, #tpu.memory_space<vmem>>
        %dma_start3A_258 = arith.constant 0 : i32
        %dma_start3A_259 = arith.constant 0 : i32
        %dma_start3A_260 = tpu.memref_slice %arg11[%dma_start3A_258, %dma_start3A_259] : memref<10112x128xf32, #tpu.memory_space<vmem_shared>> -> memref<10112x128xf32, #tpu.memory_space<vmem_shared>>
        tpu.enqueue_indirect_dma source(%arg9 : memref<112x128xf32, #tpu.memory_space<vmem>>) target(%dma_start3A_260 : memref<10112x128xf32, #tpu.memory_space<vmem_shared>>) offsets(%dma_start3A_257 : memref<112xi32, #tpu.memory_space<vmem>>) semaphore(%run_scoped3A_254 : memref<!tpu.dma_semaphore, #tpu.memory_space<semaphore_mem>>) {add = true}
        %dma_wait3A_261 = arith.constant 0 : i32
        %dma_wait3A_262 = tpu.memref_slice %arg6[%run_scoped3A_69, %dma_wait3A_261] : memref<12x112xi32, #tpu.memory_space<vmem>> -> memref<1x112xi32, #tpu.memory_space<vmem>>
        %dma_wait3A_263 = tpu.memref_squeeze %dma_wait3A_262 : memref<1x112xi32, #tpu.memory_space<vmem>> -> memref<112xi32, #tpu.memory_space<vmem>>
        %dma_wait3A_264 = arith.constant 0 : i32
        %dma_wait3A_265 = arith.constant 0 : i32
        %dma_wait3A_266 = tpu.memref_slice %arg11[%dma_wait3A_264, %dma_wait3A_265] : memref<10112x128xf32, #tpu.memory_space<vmem_shared>> -> memref<10112x128xf32, #tpu.memory_space<vmem_shared>>
        tpu.wait_indirect_dma semaphore(%run_scoped3A_254 : memref<!tpu.dma_semaphore, #tpu.memory_space<semaphore_mem>>) src(%arg9 : memref<112x128xf32, #tpu.memory_space<vmem>>) dst(%dma_wait3A_266 : memref<10112x128xf32, #tpu.memory_space<vmem_shared>>)
        tpu.yield
      }) : () -> ()
      %dma_start3A_70 = arith.constant 4 : i32
      %dma_start3A_71 = arith.constant 0 : i32
      %dma_start3A_72 = tpu.memref_slice %arg6[%dma_start3A_70, %dma_start3A_71] : memref<12x112xi32, #tpu.memory_space<vmem>> -> memref<1x112xi32, #tpu.memory_space<vmem>>
      %dma_start3A_73 = tpu.memref_squeeze %dma_start3A_72 : memref<1x112xi32, #tpu.memory_space<vmem>> -> memref<112xi32, #tpu.memory_space<vmem>>
      %dma_start3A_74 = arith.constant 0 : i32
      %dma_start3A_75 = arith.constant 0 : i32
      %dma_start3A_76 = tpu.memref_slice %arg2[%dma_start3A_74, %dma_start3A_75] : memref<10000x128xf32, #tpu.memory_space<hbm>> -> memref<10000x128xf32, #tpu.memory_space<hbm>>
      tpu.enqueue_indirect_dma source(%dma_start3A_76 : memref<10000x128xf32, #tpu.memory_space<hbm>>) target(%arg9 : memref<112x128xf32, #tpu.memory_space<vmem>>) offsets(%dma_start3A_73 : memref<112xi32, #tpu.memory_space<vmem>>) semaphore(%arg15 : memref<!tpu.dma_semaphore, #tpu.memory_space<semaphore_mem>>)
      %dma_wait3A_77 = arith.constant 2 : i32
      %dma_wait3A_78 = arith.constant 0 : i32
      %dma_wait3A_79 = tpu.memref_slice %arg6[%dma_wait3A_77, %dma_wait3A_78] : memref<12x112xi32, #tpu.memory_space<vmem>> -> memref<1x112xi32, #tpu.memory_space<vmem>>
      %dma_wait3A_80 = tpu.memref_squeeze %dma_wait3A_79 : memref<1x112xi32, #tpu.memory_space<vmem>> -> memref<112xi32, #tpu.memory_space<vmem>>
      %dma_wait3A_81 = arith.constant 0 : i32
      %dma_wait3A_82 = arith.constant 0 : i32
      %dma_wait3A_83 = tpu.memref_slice %arg2[%dma_wait3A_81, %dma_wait3A_82] : memref<10000x128xf32, #tpu.memory_space<hbm>> -> memref<10000x128xf32, #tpu.memory_space<hbm>>
      tpu.wait_indirect_dma semaphore(%arg16 : memref<!tpu.dma_semaphore, #tpu.memory_space<semaphore_mem>>) src(%dma_wait3A_83 : memref<10000x128xf32, #tpu.memory_space<hbm>>) dst(%arg10 : memref<112x128xf32, #tpu.memory_space<vmem>>)
      %run_scoped3A_84 = arith.constant 8 : i32
      "tpu.region"() ({
        %run_scoped3A_254 = tpu.sem_alloc : memref<!tpu.dma_semaphore, #tpu.memory_space<semaphore_mem>>
        %dma_start3A_255 = arith.constant 0 : i32
        %dma_start3A_256 = tpu.memref_slice %arg6[%run_scoped3A_84, %dma_start3A_255] : memref<12x112xi32, #tpu.memory_space<vmem>> -> memref<1x112xi32, #tpu.memory_space<vmem>>
        %dma_start3A_257 = tpu.memref_squeeze %dma_start3A_256 : memref<1x112xi32, #tpu.memory_space<vmem>> -> memref<112xi32, #tpu.memory_space<vmem>>
        %dma_start3A_258 = arith.constant 0 : i32
        %dma_start3A_259 = arith.constant 0 : i32
        %dma_start3A_260 = tpu.memref_slice %arg11[%dma_start3A_258, %dma_start3A_259] : memref<10112x128xf32, #tpu.memory_space<vmem_shared>> -> memref<10112x128xf32, #tpu.memory_space<vmem_shared>>
        tpu.enqueue_indirect_dma source(%arg10 : memref<112x128xf32, #tpu.memory_space<vmem>>) target(%dma_start3A_260 : memref<10112x128xf32, #tpu.memory_space<vmem_shared>>) offsets(%dma_start3A_257 : memref<112xi32, #tpu.memory_space<vmem>>) semaphore(%run_scoped3A_254 : memref<!tpu.dma_semaphore, #tpu.memory_space<semaphore_mem>>) {add = true}
        %dma_wait3A_261 = arith.constant 0 : i32
        %dma_wait3A_262 = tpu.memref_slice %arg6[%run_scoped3A_84, %dma_wait3A_261] : memref<12x112xi32, #tpu.memory_space<vmem>> -> memref<1x112xi32, #tpu.memory_space<vmem>>
        %dma_wait3A_263 = tpu.memref_squeeze %dma_wait3A_262 : memref<1x112xi32, #tpu.memory_space<vmem>> -> memref<112xi32, #tpu.memory_space<vmem>>
        %dma_wait3A_264 = arith.constant 0 : i32
        %dma_wait3A_265 = arith.constant 0 : i32
        %dma_wait3A_266 = tpu.memref_slice %arg11[%dma_wait3A_264, %dma_wait3A_265] : memref<10112x128xf32, #tpu.memory_space<vmem_shared>> -> memref<10112x128xf32, #tpu.memory_space<vmem_shared>>
        tpu.wait_indirect_dma semaphore(%run_scoped3A_254 : memref<!tpu.dma_semaphore, #tpu.memory_space<semaphore_mem>>) src(%arg10 : memref<112x128xf32, #tpu.memory_space<vmem>>) dst(%dma_wait3A_266 : memref<10112x128xf32, #tpu.memory_space<vmem_shared>>)
        tpu.yield
      }) : () -> ()
      %dma_start3A_85 = arith.constant 5 : i32
      %dma_start3A_86 = arith.constant 0 : i32
      %dma_start3A_87 = tpu.memref_slice %arg6[%dma_start3A_85, %dma_start3A_86] : memref<12x112xi32, #tpu.memory_space<vmem>> -> memref<1x112xi32, #tpu.memory_space<vmem>>
      %dma_start3A_88 = tpu.memref_squeeze %dma_start3A_87 : memref<1x112xi32, #tpu.memory_space<vmem>> -> memref<112xi32, #tpu.memory_space<vmem>>
      %dma_start3A_89 = arith.constant 0 : i32
      %dma_start3A_90 = arith.constant 0 : i32
      %dma_start3A_91 = tpu.memref_slice %arg2[%dma_start3A_89, %dma_start3A_90] : memref<10000x128xf32, #tpu.memory_space<hbm>> -> memref<10000x128xf32, #tpu.memory_space<hbm>>
      tpu.enqueue_indirect_dma source(%dma_start3A_91 : memref<10000x128xf32, #tpu.memory_space<hbm>>) target(%arg10 : memref<112x128xf32, #tpu.memory_space<vmem>>) offsets(%dma_start3A_88 : memref<112xi32, #tpu.memory_space<vmem>>) semaphore(%arg16 : memref<!tpu.dma_semaphore, #tpu.memory_space<semaphore_mem>>)
      %dma_wait3A_92 = arith.constant 3 : i32
      %dma_wait3A_93 = arith.constant 0 : i32
      %dma_wait3A_94 = tpu.memref_slice %arg6[%dma_wait3A_92, %dma_wait3A_93] : memref<12x112xi32, #tpu.memory_space<vmem>> -> memref<1x112xi32, #tpu.memory_space<vmem>>
      %dma_wait3A_95 = tpu.memref_squeeze %dma_wait3A_94 : memref<1x112xi32, #tpu.memory_space<vmem>> -> memref<112xi32, #tpu.memory_space<vmem>>
      %dma_wait3A_96 = arith.constant 0 : i32
      %dma_wait3A_97 = arith.constant 0 : i32
      %dma_wait3A_98 = tpu.memref_slice %arg2[%dma_wait3A_96, %dma_wait3A_97] : memref<10000x128xf32, #tpu.memory_space<hbm>> -> memref<10000x128xf32, #tpu.memory_space<hbm>>
      tpu.wait_indirect_dma semaphore(%arg14 : memref<!tpu.dma_semaphore, #tpu.memory_space<semaphore_mem>>) src(%dma_wait3A_98 : memref<10000x128xf32, #tpu.memory_space<hbm>>) dst(%arg8 : memref<112x128xf32, #tpu.memory_space<vmem>>)
      %run_scoped3A_99 = arith.constant 9 : i32
      "tpu.region"() ({
        %run_scoped3A_254 = tpu.sem_alloc : memref<!tpu.dma_semaphore, #tpu.memory_space<semaphore_mem>>
        %dma_start3A_255 = arith.constant 0 : i32
        %dma_start3A_256 = tpu.memref_slice %arg6[%run_scoped3A_99, %dma_start3A_255] : memref<12x112xi32, #tpu.memory_space<vmem>> -> memref<1x112xi32, #tpu.memory_space<vmem>>
        %dma_start3A_257 = tpu.memref_squeeze %dma_start3A_256 : memref<1x112xi32, #tpu.memory_space<vmem>> -> memref<112xi32, #tpu.memory_space<vmem>>
        %dma_start3A_258 = arith.constant 0 : i32
        %dma_start3A_259 = arith.constant 0 : i32
        %dma_start3A_260 = tpu.memref_slice %arg11[%dma_start3A_258, %dma_start3A_259] : memref<10112x128xf32, #tpu.memory_space<vmem_shared>> -> memref<10112x128xf32, #tpu.memory_space<vmem_shared>>
        tpu.enqueue_indirect_dma source(%arg8 : memref<112x128xf32, #tpu.memory_space<vmem>>) target(%dma_start3A_260 : memref<10112x128xf32, #tpu.memory_space<vmem_shared>>) offsets(%dma_start3A_257 : memref<112xi32, #tpu.memory_space<vmem>>) semaphore(%run_scoped3A_254 : memref<!tpu.dma_semaphore, #tpu.memory_space<semaphore_mem>>) {add = true}
        %dma_wait3A_261 = arith.constant 0 : i32
        %dma_wait3A_262 = tpu.memref_slice %arg6[%run_scoped3A_99, %dma_wait3A_261] : memref<12x112xi32, #tpu.memory_space<vmem>> -> memref<1x112xi32, #tpu.memory_space<vmem>>
        %dma_wait3A_263 = tpu.memref_squeeze %dma_wait3A_262 : memref<1x112xi32, #tpu.memory_space<vmem>> -> memref<112xi32, #tpu.memory_space<vmem>>
        %dma_wait3A_264 = arith.constant 0 : i32
        %dma_wait3A_265 = arith.constant 0 : i32
        %dma_wait3A_266 = tpu.memref_slice %arg11[%dma_wait3A_264, %dma_wait3A_265] : memref<10112x128xf32, #tpu.memory_space<vmem_shared>> -> memref<10112x128xf32, #tpu.memory_space<vmem_shared>>
        tpu.wait_indirect_dma semaphore(%run_scoped3A_254 : memref<!tpu.dma_semaphore, #tpu.memory_space<semaphore_mem>>) src(%arg8 : memref<112x128xf32, #tpu.memory_space<vmem>>) dst(%dma_wait3A_266 : memref<10112x128xf32, #tpu.memory_space<vmem_shared>>)
        tpu.yield
      }) : () -> ()
      %add3A_100 = arith.constant 1 : i32
      %add3A_101 = arith.addi %add3A_47, %add3A_100 : i32
      %lt3A = arith.constant 16 : i32
      %lt3A_102 = arith.cmpi slt, %add3A_101, %lt3A : i32
      %convert_element_type3A = arith.extui %lt3A_102 : i1 to i32
      %cond3A = arith.constant 0 : i32
      %cond3A_103 = arith.cmpi ne, %convert_element_type3A, %cond3A : i32
      scf.if %cond3A_103 {
        %add3A_254 = arith.constant 1 : i32
        %add3A_255 = arith.addi %add3A_47, %add3A_254 : i32
        %dma_wait3A_256 = arith.constant 0 : i32
        %dma_wait3A_257 = arith.constant 0 : i32
        %dma_wait3A_258 = tpu.memref_slice %arg3[%add3A, %add3A_255, %dma_wait3A_256, %dma_wait3A_257] : memref<32x16x12x112xi32, #tpu.memory_space<hbm>> -> memref<1x1x12x112xi32, #tpu.memory_space<hbm>>
        %dma_wait3A_259 = tpu.memref_squeeze %dma_wait3A_258 : memref<1x1x12x112xi32, #tpu.memory_space<hbm>> -> memref<12x112xi32, #tpu.memory_space<hbm>>
        %dma_wait3A_260 = arith.constant 0 : i32
        %dma_wait3A_261 = arith.constant 0 : i32
        %dma_wait3A_262 = tpu.memref_slice %arg3[%add3A, %add3A_255, %dma_wait3A_260, %dma_wait3A_261] : memref<32x16x12x112xi32, #tpu.memory_space<hbm>> -> memref<1x1x12x112xi32, #tpu.memory_space<hbm>>
        %dma_wait3A_263 = tpu.memref_squeeze %dma_wait3A_262 : memref<1x1x12x112xi32, #tpu.memory_space<hbm>> -> memref<12x112xi32, #tpu.memory_space<hbm>>
        tpu.wait_dma2 semaphore(%arg13 : memref<!tpu.dma_semaphore, #tpu.memory_space<semaphore_mem>>) src(%dma_wait3A_263 : memref<12x112xi32, #tpu.memory_space<hbm>>) dst(%arg7 : memref<12x112xi32, #tpu.memory_space<vmem>>)
      } else {
      }
      %add3A_104 = arith.constant 1 : i32
      %add3A_105 = arith.addi %add3A_47, %add3A_104 : i32
      %lt3A_106 = arith.constant 16 : i32
      %lt3A_107 = arith.cmpi slt, %add3A_105, %lt3A_106 : i32
      %convert_element_type3A_108 = arith.extui %lt3A_107 : i1 to i32
      %cond3A_109 = arith.constant 0 : i32
      %cond3A_110 = arith.cmpi ne, %convert_element_type3A_108, %cond3A_109 : i32
      scf.if %cond3A_110 {
        %dma_start3A_254 = arith.constant 0 : i32
        %dma_start3A_255 = arith.constant 0 : i32
        %dma_start3A_256 = tpu.memref_slice %arg7[%dma_start3A_254, %dma_start3A_255] : memref<12x112xi32, #tpu.memory_space<vmem>> -> memref<1x112xi32, #tpu.memory_space<vmem>>
        %dma_start3A_257 = tpu.memref_squeeze %dma_start3A_256 : memref<1x112xi32, #tpu.memory_space<vmem>> -> memref<112xi32, #tpu.memory_space<vmem>>
        %dma_start3A_258 = arith.constant 0 : i32
        %dma_start3A_259 = arith.constant 0 : i32
        %dma_start3A_260 = tpu.memref_slice %arg2[%dma_start3A_258, %dma_start3A_259] : memref<10000x128xf32, #tpu.memory_space<hbm>> -> memref<10000x128xf32, #tpu.memory_space<hbm>>
        tpu.enqueue_indirect_dma source(%dma_start3A_260 : memref<10000x128xf32, #tpu.memory_space<hbm>>) target(%arg8 : memref<112x128xf32, #tpu.memory_space<vmem>>) offsets(%dma_start3A_257 : memref<112xi32, #tpu.memory_space<vmem>>) semaphore(%arg14 : memref<!tpu.dma_semaphore, #tpu.memory_space<semaphore_mem>>)
      } else {
      }
      %dma_wait3A_111 = arith.constant 4 : i32
      %dma_wait3A_112 = arith.constant 0 : i32
      %dma_wait3A_113 = tpu.memref_slice %arg6[%dma_wait3A_111, %dma_wait3A_112] : memref<12x112xi32, #tpu.memory_space<vmem>> -> memref<1x112xi32, #tpu.memory_space<vmem>>
      %dma_wait3A_114 = tpu.memref_squeeze %dma_wait3A_113 : memref<1x112xi32, #tpu.memory_space<vmem>> -> memref<112xi32, #tpu.memory_space<vmem>>
      %dma_wait3A_115 = arith.constant 0 : i32
      %dma_wait3A_116 = arith.constant 0 : i32
      %dma_wait3A_117 = tpu.memref_slice %arg2[%dma_wait3A_115, %dma_wait3A_116] : memref<10000x128xf32, #tpu.memory_space<hbm>> -> memref<10000x128xf32, #tpu.memory_space<hbm>>
      tpu.wait_indirect_dma semaphore(%arg15 : memref<!tpu.dma_semaphore, #tpu.memory_space<semaphore_mem>>) src(%dma_wait3A_117 : memref<10000x128xf32, #tpu.memory_space<hbm>>) dst(%arg9 : memref<112x128xf32, #tpu.memory_space<vmem>>)
      %run_scoped3A_118 = arith.constant 10 : i32
      "tpu.region"() ({
        %run_scoped3A_254 = tpu.sem_alloc : memref<!tpu.dma_semaphore, #tpu.memory_space<semaphore_mem>>
        %dma_start3A_255 = arith.constant 0 : i32
        %dma_start3A_256 = tpu.memref_slice %arg6[%run_scoped3A_118, %dma_start3A_255] : memref<12x112xi32, #tpu.memory_space<vmem>> -> memref<1x112xi32, #tpu.memory_space<vmem>>
        %dma_start3A_257 = tpu.memref_squeeze %dma_start3A_256 : memref<1x112xi32, #tpu.memory_space<vmem>> -> memref<112xi32, #tpu.memory_space<vmem>>
        %dma_start3A_258 = arith.constant 0 : i32
        %dma_start3A_259 = arith.constant 0 : i32
        %dma_start3A_260 = tpu.memref_slice %arg11[%dma_start3A_258, %dma_start3A_259] : memref<10112x128xf32, #tpu.memory_space<vmem_shared>> -> memref<10112x128xf32, #tpu.memory_space<vmem_shared>>
        tpu.enqueue_indirect_dma source(%arg9 : memref<112x128xf32, #tpu.memory_space<vmem>>) target(%dma_start3A_260 : memref<10112x128xf32, #tpu.memory_space<vmem_shared>>) offsets(%dma_start3A_257 : memref<112xi32, #tpu.memory_space<vmem>>) semaphore(%run_scoped3A_254 : memref<!tpu.dma_semaphore, #tpu.memory_space<semaphore_mem>>) {add = true}
        %dma_wait3A_261 = arith.constant 0 : i32
        %dma_wait3A_262 = tpu.memref_slice %arg6[%run_scoped3A_118, %dma_wait3A_261] : memref<12x112xi32, #tpu.memory_space<vmem>> -> memref<1x112xi32, #tpu.memory_space<vmem>>
        %dma_wait3A_263 = tpu.memref_squeeze %dma_wait3A_262 : memref<1x112xi32, #tpu.memory_space<vmem>> -> memref<112xi32, #tpu.memory_space<vmem>>
        %dma_wait3A_264 = arith.constant 0 : i32
        %dma_wait3A_265 = arith.constant 0 : i32
        %dma_wait3A_266 = tpu.memref_slice %arg11[%dma_wait3A_264, %dma_wait3A_265] : memref<10112x128xf32, #tpu.memory_space<vmem_shared>> -> memref<10112x128xf32, #tpu.memory_space<vmem_shared>>
        tpu.wait_indirect_dma semaphore(%run_scoped3A_254 : memref<!tpu.dma_semaphore, #tpu.memory_space<semaphore_mem>>) src(%arg9 : memref<112x128xf32, #tpu.memory_space<vmem>>) dst(%dma_wait3A_266 : memref<10112x128xf32, #tpu.memory_space<vmem_shared>>)
        tpu.yield
      }) : () -> ()
      %add3A_119 = arith.constant 1 : i32
      %add3A_120 = arith.addi %add3A_47, %add3A_119 : i32
      %lt3A_121 = arith.constant 16 : i32
      %lt3A_122 = arith.cmpi slt, %add3A_120, %lt3A_121 : i32
      %convert_element_type3A_123 = arith.extui %lt3A_122 : i1 to i32
      %cond3A_124 = arith.constant 0 : i32
      %cond3A_125 = arith.cmpi ne, %convert_element_type3A_123, %cond3A_124 : i32
      scf.if %cond3A_125 {
        %dma_start3A_254 = arith.constant 1 : i32
        %dma_start3A_255 = arith.constant 0 : i32
        %dma_start3A_256 = tpu.memref_slice %arg7[%dma_start3A_254, %dma_start3A_255] : memref<12x112xi32, #tpu.memory_space<vmem>> -> memref<1x112xi32, #tpu.memory_space<vmem>>
        %dma_start3A_257 = tpu.memref_squeeze %dma_start3A_256 : memref<1x112xi32, #tpu.memory_space<vmem>> -> memref<112xi32, #tpu.memory_space<vmem>>
        %dma_start3A_258 = arith.constant 0 : i32
        %dma_start3A_259 = arith.constant 0 : i32
        %dma_start3A_260 = tpu.memref_slice %arg2[%dma_start3A_258, %dma_start3A_259] : memref<10000x128xf32, #tpu.memory_space<hbm>> -> memref<10000x128xf32, #tpu.memory_space<hbm>>
        tpu.enqueue_indirect_dma source(%dma_start3A_260 : memref<10000x128xf32, #tpu.memory_space<hbm>>) target(%arg9 : memref<112x128xf32, #tpu.memory_space<vmem>>) offsets(%dma_start3A_257 : memref<112xi32, #tpu.memory_space<vmem>>) semaphore(%arg15 : memref<!tpu.dma_semaphore, #tpu.memory_space<semaphore_mem>>)
      } else {
      }
      %dma_wait3A_126 = arith.constant 5 : i32
      %dma_wait3A_127 = arith.constant 0 : i32
      %dma_wait3A_128 = tpu.memref_slice %arg6[%dma_wait3A_126, %dma_wait3A_127] : memref<12x112xi32, #tpu.memory_space<vmem>> -> memref<1x112xi32, #tpu.memory_space<vmem>>
      %dma_wait3A_129 = tpu.memref_squeeze %dma_wait3A_128 : memref<1x112xi32, #tpu.memory_space<vmem>> -> memref<112xi32, #tpu.memory_space<vmem>>
      %dma_wait3A_130 = arith.constant 0 : i32
      %dma_wait3A_131 = arith.constant 0 : i32
      %dma_wait3A_132 = tpu.memref_slice %arg2[%dma_wait3A_130, %dma_wait3A_131] : memref<10000x128xf32, #tpu.memory_space<hbm>> -> memref<10000x128xf32, #tpu.memory_space<hbm>>
      tpu.wait_indirect_dma semaphore(%arg16 : memref<!tpu.dma_semaphore, #tpu.memory_space<semaphore_mem>>) src(%dma_wait3A_132 : memref<10000x128xf32, #tpu.memory_space<hbm>>) dst(%arg10 : memref<112x128xf32, #tpu.memory_space<vmem>>)
      %run_scoped3A_133 = arith.constant 11 : i32
      "tpu.region"() ({
        %run_scoped3A_254 = tpu.sem_alloc : memref<!tpu.dma_semaphore, #tpu.memory_space<semaphore_mem>>
        %dma_start3A_255 = arith.constant 0 : i32
        %dma_start3A_256 = tpu.memref_slice %arg6[%run_scoped3A_133, %dma_start3A_255] : memref<12x112xi32, #tpu.memory_space<vmem>> -> memref<1x112xi32, #tpu.memory_space<vmem>>
        %dma_start3A_257 = tpu.memref_squeeze %dma_start3A_256 : memref<1x112xi32, #tpu.memory_space<vmem>> -> memref<112xi32, #tpu.memory_space<vmem>>
        %dma_start3A_258 = arith.constant 0 : i32
        %dma_start3A_259 = arith.constant 0 : i32
        %dma_start3A_260 = tpu.memref_slice %arg11[%dma_start3A_258, %dma_start3A_259] : memref<10112x128xf32, #tpu.memory_space<vmem_shared>> -> memref<10112x128xf32, #tpu.memory_space<vmem_shared>>
        tpu.enqueue_indirect_dma source(%arg10 : memref<112x128xf32, #tpu.memory_space<vmem>>) target(%dma_start3A_260 : memref<10112x128xf32, #tpu.memory_space<vmem_shared>>) offsets(%dma_start3A_257 : memref<112xi32, #tpu.memory_space<vmem>>) semaphore(%run_scoped3A_254 : memref<!tpu.dma_semaphore, #tpu.memory_space<semaphore_mem>>) {add = true}
        %dma_wait3A_261 = arith.constant 0 : i32
        %dma_wait3A_262 = tpu.memref_slice %arg6[%run_scoped3A_133, %dma_wait3A_261] : memref<12x112xi32, #tpu.memory_space<vmem>> -> memref<1x112xi32, #tpu.memory_space<vmem>>
        %dma_wait3A_263 = tpu.memref_squeeze %dma_wait3A_262 : memref<1x112xi32, #tpu.memory_space<vmem>> -> memref<112xi32, #tpu.memory_space<vmem>>
        %dma_wait3A_264 = arith.constant 0 : i32
        %dma_wait3A_265 = arith.constant 0 : i32
        %dma_wait3A_266 = tpu.memref_slice %arg11[%dma_wait3A_264, %dma_wait3A_265] : memref<10112x128xf32, #tpu.memory_space<vmem_shared>> -> memref<10112x128xf32, #tpu.memory_space<vmem_shared>>
        tpu.wait_indirect_dma semaphore(%run_scoped3A_254 : memref<!tpu.dma_semaphore, #tpu.memory_space<semaphore_mem>>) src(%arg10 : memref<112x128xf32, #tpu.memory_space<vmem>>) dst(%dma_wait3A_266 : memref<10112x128xf32, #tpu.memory_space<vmem_shared>>)
        tpu.yield
      }) : () -> ()
      %add3A_134 = arith.constant 1 : i32
      %add3A_135 = arith.addi %add3A_47, %add3A_134 : i32
      %lt3A_136 = arith.constant 16 : i32
      %lt3A_137 = arith.cmpi slt, %add3A_135, %lt3A_136 : i32
      %convert_element_type3A_138 = arith.extui %lt3A_137 : i1 to i32
      %cond3A_139 = arith.constant 0 : i32
      %cond3A_140 = arith.cmpi ne, %convert_element_type3A_138, %cond3A_139 : i32
      scf.if %cond3A_140 {
        %dma_start3A_254 = arith.constant 2 : i32
        %dma_start3A_255 = arith.constant 0 : i32
        %dma_start3A_256 = tpu.memref_slice %arg7[%dma_start3A_254, %dma_start3A_255] : memref<12x112xi32, #tpu.memory_space<vmem>> -> memref<1x112xi32, #tpu.memory_space<vmem>>
        %dma_start3A_257 = tpu.memref_squeeze %dma_start3A_256 : memref<1x112xi32, #tpu.memory_space<vmem>> -> memref<112xi32, #tpu.memory_space<vmem>>
        %dma_start3A_258 = arith.constant 0 : i32
        %dma_start3A_259 = arith.constant 0 : i32
        %dma_start3A_260 = tpu.memref_slice %arg2[%dma_start3A_258, %dma_start3A_259] : memref<10000x128xf32, #tpu.memory_space<hbm>> -> memref<10000x128xf32, #tpu.memory_space<hbm>>
        tpu.enqueue_indirect_dma source(%dma_start3A_260 : memref<10000x128xf32, #tpu.memory_space<hbm>>) target(%arg10 : memref<112x128xf32, #tpu.memory_space<vmem>>) offsets(%dma_start3A_257 : memref<112xi32, #tpu.memory_space<vmem>>) semaphore(%arg16 : memref<!tpu.dma_semaphore, #tpu.memory_space<semaphore_mem>>)
      } else {
      }
      %add3A_141 = arith.constant 2 : i32
      %add3A_142 = arith.addi %add3A_47, %add3A_141 : i32
      %lt3A_143 = arith.constant 16 : i32
      %lt3A_144 = arith.cmpi slt, %add3A_142, %lt3A_143 : i32
      %convert_element_type3A_145 = arith.extui %lt3A_144 : i1 to i32
      %cond3A_146 = arith.constant 0 : i32
      %cond3A_147 = arith.cmpi ne, %convert_element_type3A_145, %cond3A_146 : i32
      scf.if %cond3A_147 {
        %add3A_254 = arith.constant 2 : i32
        %add3A_255 = arith.addi %add3A_47, %add3A_254 : i32
        %dma_start3A_256 = arith.constant 0 : i32
        %dma_start3A_257 = arith.constant 0 : i32
        %dma_start3A_258 = tpu.memref_slice %arg3[%add3A, %add3A_255, %dma_start3A_256, %dma_start3A_257] : memref<32x16x12x112xi32, #tpu.memory_space<hbm>> -> memref<1x1x12x112xi32, #tpu.memory_space<hbm>>
        %dma_start3A_259 = tpu.memref_squeeze %dma_start3A_258 : memref<1x1x12x112xi32, #tpu.memory_space<hbm>> -> memref<12x112xi32, #tpu.memory_space<hbm>>
        %dma_start3A_260 = arith.constant 0 : i32
        %dma_start3A_261 = arith.constant 0 : i32
        %dma_start3A_262 = tpu.memref_slice %arg3[%add3A, %add3A_255, %dma_start3A_260, %dma_start3A_261] : memref<32x16x12x112xi32, #tpu.memory_space<hbm>> -> memref<1x1x12x112xi32, #tpu.memory_space<hbm>>
        %dma_start3A_263 = tpu.memref_squeeze %dma_start3A_262 : memref<1x1x12x112xi32, #tpu.memory_space<hbm>> -> memref<12x112xi32, #tpu.memory_space<hbm>>
        tpu.enqueue_dma source(%dma_start3A_263 : memref<12x112xi32, #tpu.memory_space<hbm>>) target(%arg6 : memref<12x112xi32, #tpu.memory_space<vmem>>) target_semaphore(%arg12 : memref<!tpu.dma_semaphore, #tpu.memory_space<semaphore_mem>>)
      } else {
      }
      %add3A_148 = arith.constant 1 : i32
      %add3A_149 = arith.addi %add3A_45, %add3A_148 : i32
      %dma_wait3A_150 = arith.constant 0 : i32
      %dma_wait3A_151 = arith.constant 0 : i32
      %dma_wait3A_152 = tpu.memref_slice %arg7[%dma_wait3A_150, %dma_wait3A_151] : memref<12x112xi32, #tpu.memory_space<vmem>> -> memref<1x112xi32, #tpu.memory_space<vmem>>
      %dma_wait3A_153 = tpu.memref_squeeze %dma_wait3A_152 : memref<1x112xi32, #tpu.memory_space<vmem>> -> memref<112xi32, #tpu.memory_space<vmem>>
      %dma_wait3A_154 = arith.constant 0 : i32
      %dma_wait3A_155 = arith.constant 0 : i32
      %dma_wait3A_156 = tpu.memref_slice %arg2[%dma_wait3A_154, %dma_wait3A_155] : memref<10000x128xf32, #tpu.memory_space<hbm>> -> memref<10000x128xf32, #tpu.memory_space<hbm>>
      tpu.wait_indirect_dma semaphore(%arg14 : memref<!tpu.dma_semaphore, #tpu.memory_space<semaphore_mem>>) src(%dma_wait3A_156 : memref<10000x128xf32, #tpu.memory_space<hbm>>) dst(%arg8 : memref<112x128xf32, #tpu.memory_space<vmem>>)
      %run_scoped3A_157 = arith.constant 6 : i32
      "tpu.region"() ({
        %run_scoped3A_254 = tpu.sem_alloc : memref<!tpu.dma_semaphore, #tpu.memory_space<semaphore_mem>>
        %dma_start3A_255 = arith.constant 0 : i32
        %dma_start3A_256 = tpu.memref_slice %arg7[%run_scoped3A_157, %dma_start3A_255] : memref<12x112xi32, #tpu.memory_space<vmem>> -> memref<1x112xi32, #tpu.memory_space<vmem>>
        %dma_start3A_257 = tpu.memref_squeeze %dma_start3A_256 : memref<1x112xi32, #tpu.memory_space<vmem>> -> memref<112xi32, #tpu.memory_space<vmem>>
        %dma_start3A_258 = arith.constant 0 : i32
        %dma_start3A_259 = arith.constant 0 : i32
        %dma_start3A_260 = tpu.memref_slice %arg11[%dma_start3A_258, %dma_start3A_259] : memref<10112x128xf32, #tpu.memory_space<vmem_shared>> -> memref<10112x128xf32, #tpu.memory_space<vmem_shared>>
        tpu.enqueue_indirect_dma source(%arg8 : memref<112x128xf32, #tpu.memory_space<vmem>>) target(%dma_start3A_260 : memref<10112x128xf32, #tpu.memory_space<vmem_shared>>) offsets(%dma_start3A_257 : memref<112xi32, #tpu.memory_space<vmem>>) semaphore(%run_scoped3A_254 : memref<!tpu.dma_semaphore, #tpu.memory_space<semaphore_mem>>) {add = true}
        %dma_wait3A_261 = arith.constant 0 : i32
        %dma_wait3A_262 = tpu.memref_slice %arg7[%run_scoped3A_157, %dma_wait3A_261] : memref<12x112xi32, #tpu.memory_space<vmem>> -> memref<1x112xi32, #tpu.memory_space<vmem>>
        %dma_wait3A_263 = tpu.memref_squeeze %dma_wait3A_262 : memref<1x112xi32, #tpu.memory_space<vmem>> -> memref<112xi32, #tpu.memory_space<vmem>>
        %dma_wait3A_264 = arith.constant 0 : i32
        %dma_wait3A_265 = arith.constant 0 : i32
        %dma_wait3A_266 = tpu.memref_slice %arg11[%dma_wait3A_264, %dma_wait3A_265] : memref<10112x128xf32, #tpu.memory_space<vmem_shared>> -> memref<10112x128xf32, #tpu.memory_space<vmem_shared>>
        tpu.wait_indirect_dma semaphore(%run_scoped3A_254 : memref<!tpu.dma_semaphore, #tpu.memory_space<semaphore_mem>>) src(%arg8 : memref<112x128xf32, #tpu.memory_space<vmem>>) dst(%dma_wait3A_266 : memref<10112x128xf32, #tpu.memory_space<vmem_shared>>)
        tpu.yield
      }) : () -> ()
      %dma_start3A_158 = arith.constant 3 : i32
      %dma_start3A_159 = arith.constant 0 : i32
      %dma_start3A_160 = tpu.memref_slice %arg7[%dma_start3A_158, %dma_start3A_159] : memref<12x112xi32, #tpu.memory_space<vmem>> -> memref<1x112xi32, #tpu.memory_space<vmem>>
      %dma_start3A_161 = tpu.memref_squeeze %dma_start3A_160 : memref<1x112xi32, #tpu.memory_space<vmem>> -> memref<112xi32, #tpu.memory_space<vmem>>
      %dma_start3A_162 = arith.constant 0 : i32
      %dma_start3A_163 = arith.constant 0 : i32
      %dma_start3A_164 = tpu.memref_slice %arg2[%dma_start3A_162, %dma_start3A_163] : memref<10000x128xf32, #tpu.memory_space<hbm>> -> memref<10000x128xf32, #tpu.memory_space<hbm>>
      tpu.enqueue_indirect_dma source(%dma_start3A_164 : memref<10000x128xf32, #tpu.memory_space<hbm>>) target(%arg8 : memref<112x128xf32, #tpu.memory_space<vmem>>) offsets(%dma_start3A_161 : memref<112xi32, #tpu.memory_space<vmem>>) semaphore(%arg14 : memref<!tpu.dma_semaphore, #tpu.memory_space<semaphore_mem>>)
      %dma_wait3A_165 = arith.constant 1 : i32
      %dma_wait3A_166 = arith.constant 0 : i32
      %dma_wait3A_167 = tpu.memref_slice %arg7[%dma_wait3A_165, %dma_wait3A_166] : memref<12x112xi32, #tpu.memory_space<vmem>> -> memref<1x112xi32, #tpu.memory_space<vmem>>
      %dma_wait3A_168 = tpu.memref_squeeze %dma_wait3A_167 : memref<1x112xi32, #tpu.memory_space<vmem>> -> memref<112xi32, #tpu.memory_space<vmem>>
      %dma_wait3A_169 = arith.constant 0 : i32
      %dma_wait3A_170 = arith.constant 0 : i32
      %dma_wait3A_171 = tpu.memref_slice %arg2[%dma_wait3A_169, %dma_wait3A_170] : memref<10000x128xf32, #tpu.memory_space<hbm>> -> memref<10000x128xf32, #tpu.memory_space<hbm>>
      tpu.wait_indirect_dma semaphore(%arg15 : memref<!tpu.dma_semaphore, #tpu.memory_space<semaphore_mem>>) src(%dma_wait3A_171 : memref<10000x128xf32, #tpu.memory_space<hbm>>) dst(%arg9 : memref<112x128xf32, #tpu.memory_space<vmem>>)
      %run_scoped3A_172 = arith.constant 7 : i32
      "tpu.region"() ({
        %run_scoped3A_254 = tpu.sem_alloc : memref<!tpu.dma_semaphore, #tpu.memory_space<semaphore_mem>>
        %dma_start3A_255 = arith.constant 0 : i32
        %dma_start3A_256 = tpu.memref_slice %arg7[%run_scoped3A_172, %dma_start3A_255] : memref<12x112xi32, #tpu.memory_space<vmem>> -> memref<1x112xi32, #tpu.memory_space<vmem>>
        %dma_start3A_257 = tpu.memref_squeeze %dma_start3A_256 : memref<1x112xi32, #tpu.memory_space<vmem>> -> memref<112xi32, #tpu.memory_space<vmem>>
        %dma_start3A_258 = arith.constant 0 : i32
        %dma_start3A_259 = arith.constant 0 : i32
        %dma_start3A_260 = tpu.memref_slice %arg11[%dma_start3A_258, %dma_start3A_259] : memref<10112x128xf32, #tpu.memory_space<vmem_shared>> -> memref<10112x128xf32, #tpu.memory_space<vmem_shared>>
        tpu.enqueue_indirect_dma source(%arg9 : memref<112x128xf32, #tpu.memory_space<vmem>>) target(%dma_start3A_260 : memref<10112x128xf32, #tpu.memory_space<vmem_shared>>) offsets(%dma_start3A_257 : memref<112xi32, #tpu.memory_space<vmem>>) semaphore(%run_scoped3A_254 : memref<!tpu.dma_semaphore, #tpu.memory_space<semaphore_mem>>) {add = true}
        %dma_wait3A_261 = arith.constant 0 : i32
        %dma_wait3A_262 = tpu.memref_slice %arg7[%run_scoped3A_172, %dma_wait3A_261] : memref<12x112xi32, #tpu.memory_space<vmem>> -> memref<1x112xi32, #tpu.memory_space<vmem>>
        %dma_wait3A_263 = tpu.memref_squeeze %dma_wait3A_262 : memref<1x112xi32, #tpu.memory_space<vmem>> -> memref<112xi32, #tpu.memory_space<vmem>>
        %dma_wait3A_264 = arith.constant 0 : i32
        %dma_wait3A_265 = arith.constant 0 : i32
        %dma_wait3A_266 = tpu.memref_slice %arg11[%dma_wait3A_264, %dma_wait3A_265] : memref<10112x128xf32, #tpu.memory_space<vmem_shared>> -> memref<10112x128xf32, #tpu.memory_space<vmem_shared>>
        tpu.wait_indirect_dma semaphore(%run_scoped3A_254 : memref<!tpu.dma_semaphore, #tpu.memory_space<semaphore_mem>>) src(%arg9 : memref<112x128xf32, #tpu.memory_space<vmem>>) dst(%dma_wait3A_266 : memref<10112x128xf32, #tpu.memory_space<vmem_shared>>)
        tpu.yield
      }) : () -> ()
      %dma_start3A_173 = arith.constant 4 : i32
      %dma_start3A_174 = arith.constant 0 : i32
      %dma_start3A_175 = tpu.memref_slice %arg7[%dma_start3A_173, %dma_start3A_174] : memref<12x112xi32, #tpu.memory_space<vmem>> -> memref<1x112xi32, #tpu.memory_space<vmem>>
      %dma_start3A_176 = tpu.memref_squeeze %dma_start3A_175 : memref<1x112xi32, #tpu.memory_space<vmem>> -> memref<112xi32, #tpu.memory_space<vmem>>
      %dma_start3A_177 = arith.constant 0 : i32
      %dma_start3A_178 = arith.constant 0 : i32
      %dma_start3A_179 = tpu.memref_slice %arg2[%dma_start3A_177, %dma_start3A_178] : memref<10000x128xf32, #tpu.memory_space<hbm>> -> memref<10000x128xf32, #tpu.memory_space<hbm>>
      tpu.enqueue_indirect_dma source(%dma_start3A_179 : memref<10000x128xf32, #tpu.memory_space<hbm>>) target(%arg9 : memref<112x128xf32, #tpu.memory_space<vmem>>) offsets(%dma_start3A_176 : memref<112xi32, #tpu.memory_space<vmem>>) semaphore(%arg15 : memref<!tpu.dma_semaphore, #tpu.memory_space<semaphore_mem>>)
      %dma_wait3A_180 = arith.constant 2 : i32
      %dma_wait3A_181 = arith.constant 0 : i32
      %dma_wait3A_182 = tpu.memref_slice %arg7[%dma_wait3A_180, %dma_wait3A_181] : memref<12x112xi32, #tpu.memory_space<vmem>> -> memref<1x112xi32, #tpu.memory_space<vmem>>
      %dma_wait3A_183 = tpu.memref_squeeze %dma_wait3A_182 : memref<1x112xi32, #tpu.memory_space<vmem>> -> memref<112xi32, #tpu.memory_space<vmem>>
      %dma_wait3A_184 = arith.constant 0 : i32
      %dma_wait3A_185 = arith.constant 0 : i32
      %dma_wait3A_186 = tpu.memref_slice %arg2[%dma_wait3A_184, %dma_wait3A_185] : memref<10000x128xf32, #tpu.memory_space<hbm>> -> memref<10000x128xf32, #tpu.memory_space<hbm>>
      tpu.wait_indirect_dma semaphore(%arg16 : memref<!tpu.dma_semaphore, #tpu.memory_space<semaphore_mem>>) src(%dma_wait3A_186 : memref<10000x128xf32, #tpu.memory_space<hbm>>) dst(%arg10 : memref<112x128xf32, #tpu.memory_space<vmem>>)
      %run_scoped3A_187 = arith.constant 8 : i32
      "tpu.region"() ({
        %run_scoped3A_254 = tpu.sem_alloc : memref<!tpu.dma_semaphore, #tpu.memory_space<semaphore_mem>>
        %dma_start3A_255 = arith.constant 0 : i32
        %dma_start3A_256 = tpu.memref_slice %arg7[%run_scoped3A_187, %dma_start3A_255] : memref<12x112xi32, #tpu.memory_space<vmem>> -> memref<1x112xi32, #tpu.memory_space<vmem>>
        %dma_start3A_257 = tpu.memref_squeeze %dma_start3A_256 : memref<1x112xi32, #tpu.memory_space<vmem>> -> memref<112xi32, #tpu.memory_space<vmem>>
        %dma_start3A_258 = arith.constant 0 : i32
        %dma_start3A_259 = arith.constant 0 : i32
        %dma_start3A_260 = tpu.memref_slice %arg11[%dma_start3A_258, %dma_start3A_259] : memref<10112x128xf32, #tpu.memory_space<vmem_shared>> -> memref<10112x128xf32, #tpu.memory_space<vmem_shared>>
        tpu.enqueue_indirect_dma source(%arg10 : memref<112x128xf32, #tpu.memory_space<vmem>>) target(%dma_start3A_260 : memref<10112x128xf32, #tpu.memory_space<vmem_shared>>) offsets(%dma_start3A_257 : memref<112xi32, #tpu.memory_space<vmem>>) semaphore(%run_scoped3A_254 : memref<!tpu.dma_semaphore, #tpu.memory_space<semaphore_mem>>) {add = true}
        %dma_wait3A_261 = arith.constant 0 : i32
        %dma_wait3A_262 = tpu.memref_slice %arg7[%run_scoped3A_187, %dma_wait3A_261] : memref<12x112xi32, #tpu.memory_space<vmem>> -> memref<1x112xi32, #tpu.memory_space<vmem>>
        %dma_wait3A_263 = tpu.memref_squeeze %dma_wait3A_262 : memref<1x112xi32, #tpu.memory_space<vmem>> -> memref<112xi32, #tpu.memory_space<vmem>>
        %dma_wait3A_264 = arith.constant 0 : i32
        %dma_wait3A_265 = arith.constant 0 : i32
        %dma_wait3A_266 = tpu.memref_slice %arg11[%dma_wait3A_264, %dma_wait3A_265] : memref<10112x128xf32, #tpu.memory_space<vmem_shared>> -> memref<10112x128xf32, #tpu.memory_space<vmem_shared>>
        tpu.wait_indirect_dma semaphore(%run_scoped3A_254 : memref<!tpu.dma_semaphore, #tpu.memory_space<semaphore_mem>>) src(%arg10 : memref<112x128xf32, #tpu.memory_space<vmem>>) dst(%dma_wait3A_266 : memref<10112x128xf32, #tpu.memory_space<vmem_shared>>)
        tpu.yield
      }) : () -> ()
      %dma_start3A_188 = arith.constant 5 : i32
      %dma_start3A_189 = arith.constant 0 : i32
      %dma_start3A_190 = tpu.memref_slice %arg7[%dma_start3A_188, %dma_start3A_189] : memref<12x112xi32, #tpu.memory_space<vmem>> -> memref<1x112xi32, #tpu.memory_space<vmem>>
      %dma_start3A_191 = tpu.memref_squeeze %dma_start3A_190 : memref<1x112xi32, #tpu.memory_space<vmem>> -> memref<112xi32, #tpu.memory_space<vmem>>
      %dma_start3A_192 = arith.constant 0 : i32
      %dma_start3A_193 = arith.constant 0 : i32
      %dma_start3A_194 = tpu.memref_slice %arg2[%dma_start3A_192, %dma_start3A_193] : memref<10000x128xf32, #tpu.memory_space<hbm>> -> memref<10000x128xf32, #tpu.memory_space<hbm>>
      tpu.enqueue_indirect_dma source(%dma_start3A_194 : memref<10000x128xf32, #tpu.memory_space<hbm>>) target(%arg10 : memref<112x128xf32, #tpu.memory_space<vmem>>) offsets(%dma_start3A_191 : memref<112xi32, #tpu.memory_space<vmem>>) semaphore(%arg16 : memref<!tpu.dma_semaphore, #tpu.memory_space<semaphore_mem>>)
      %dma_wait3A_195 = arith.constant 3 : i32
      %dma_wait3A_196 = arith.constant 0 : i32
      %dma_wait3A_197 = tpu.memref_slice %arg7[%dma_wait3A_195, %dma_wait3A_196] : memref<12x112xi32, #tpu.memory_space<vmem>> -> memref<1x112xi32, #tpu.memory_space<vmem>>
      %dma_wait3A_198 = tpu.memref_squeeze %dma_wait3A_197 : memref<1x112xi32, #tpu.memory_space<vmem>> -> memref<112xi32, #tpu.memory_space<vmem>>
      %dma_wait3A_199 = arith.constant 0 : i32
      %dma_wait3A_200 = arith.constant 0 : i32
      %dma_wait3A_201 = tpu.memref_slice %arg2[%dma_wait3A_199, %dma_wait3A_200] : memref<10000x128xf32, #tpu.memory_space<hbm>> -> memref<10000x128xf32, #tpu.memory_space<hbm>>
      tpu.wait_indirect_dma semaphore(%arg14 : memref<!tpu.dma_semaphore, #tpu.memory_space<semaphore_mem>>) src(%dma_wait3A_201 : memref<10000x128xf32, #tpu.memory_space<hbm>>) dst(%arg8 : memref<112x128xf32, #tpu.memory_space<vmem>>)
      %run_scoped3A_202 = arith.constant 9 : i32
      "tpu.region"() ({
        %run_scoped3A_254 = tpu.sem_alloc : memref<!tpu.dma_semaphore, #tpu.memory_space<semaphore_mem>>
        %dma_start3A_255 = arith.constant 0 : i32
        %dma_start3A_256 = tpu.memref_slice %arg7[%run_scoped3A_202, %dma_start3A_255] : memref<12x112xi32, #tpu.memory_space<vmem>> -> memref<1x112xi32, #tpu.memory_space<vmem>>
        %dma_start3A_257 = tpu.memref_squeeze %dma_start3A_256 : memref<1x112xi32, #tpu.memory_space<vmem>> -> memref<112xi32, #tpu.memory_space<vmem>>
        %dma_start3A_258 = arith.constant 0 : i32
        %dma_start3A_259 = arith.constant 0 : i32
        %dma_start3A_260 = tpu.memref_slice %arg11[%dma_start3A_258, %dma_start3A_259] : memref<10112x128xf32, #tpu.memory_space<vmem_shared>> -> memref<10112x128xf32, #tpu.memory_space<vmem_shared>>
        tpu.enqueue_indirect_dma source(%arg8 : memref<112x128xf32, #tpu.memory_space<vmem>>) target(%dma_start3A_260 : memref<10112x128xf32, #tpu.memory_space<vmem_shared>>) offsets(%dma_start3A_257 : memref<112xi32, #tpu.memory_space<vmem>>) semaphore(%run_scoped3A_254 : memref<!tpu.dma_semaphore, #tpu.memory_space<semaphore_mem>>) {add = true}
        %dma_wait3A_261 = arith.constant 0 : i32
        %dma_wait3A_262 = tpu.memref_slice %arg7[%run_scoped3A_202, %dma_wait3A_261] : memref<12x112xi32, #tpu.memory_space<vmem>> -> memref<1x112xi32, #tpu.memory_space<vmem>>
        %dma_wait3A_263 = tpu.memref_squeeze %dma_wait3A_262 : memref<1x112xi32, #tpu.memory_space<vmem>> -> memref<112xi32, #tpu.memory_space<vmem>>
        %dma_wait3A_264 = arith.constant 0 : i32
        %dma_wait3A_265 = arith.constant 0 : i32
        %dma_wait3A_266 = tpu.memref_slice %arg11[%dma_wait3A_264, %dma_wait3A_265] : memref<10112x128xf32, #tpu.memory_space<vmem_shared>> -> memref<10112x128xf32, #tpu.memory_space<vmem_shared>>
        tpu.wait_indirect_dma semaphore(%run_scoped3A_254 : memref<!tpu.dma_semaphore, #tpu.memory_space<semaphore_mem>>) src(%arg8 : memref<112x128xf32, #tpu.memory_space<vmem>>) dst(%dma_wait3A_266 : memref<10112x128xf32, #tpu.memory_space<vmem_shared>>)
        tpu.yield
      }) : () -> ()
      %add3A_203 = arith.constant 1 : i32
      %add3A_204 = arith.addi %add3A_149, %add3A_203 : i32
      %lt3A_205 = arith.constant 16 : i32
      %lt3A_206 = arith.cmpi slt, %add3A_204, %lt3A_205 : i32
      %convert_element_type3A_207 = arith.extui %lt3A_206 : i1 to i32
      %cond3A_208 = arith.constant 0 : i32
      %cond3A_209 = arith.cmpi ne, %convert_element_type3A_207, %cond3A_208 : i32
      scf.if %cond3A_209 {
        %add3A_254 = arith.constant 1 : i32
        %add3A_255 = arith.addi %add3A_149, %add3A_254 : i32
        %dma_wait3A_256 = arith.constant 0 : i32
        %dma_wait3A_257 = arith.constant 0 : i32
        %dma_wait3A_258 = tpu.memref_slice %arg3[%add3A, %add3A_255, %dma_wait3A_256, %dma_wait3A_257] : memref<32x16x12x112xi32, #tpu.memory_space<hbm>> -> memref<1x1x12x112xi32, #tpu.memory_space<hbm>>
        %dma_wait3A_259 = tpu.memref_squeeze %dma_wait3A_258 : memref<1x1x12x112xi32, #tpu.memory_space<hbm>> -> memref<12x112xi32, #tpu.memory_space<hbm>>
        %dma_wait3A_260 = arith.constant 0 : i32
        %dma_wait3A_261 = arith.constant 0 : i32
        %dma_wait3A_262 = tpu.memref_slice %arg3[%add3A, %add3A_255, %dma_wait3A_260, %dma_wait3A_261] : memref<32x16x12x112xi32, #tpu.memory_space<hbm>> -> memref<1x1x12x112xi32, #tpu.memory_space<hbm>>
        %dma_wait3A_263 = tpu.memref_squeeze %dma_wait3A_262 : memref<1x1x12x112xi32, #tpu.memory_space<hbm>> -> memref<12x112xi32, #tpu.memory_space<hbm>>
        tpu.wait_dma2 semaphore(%arg12 : memref<!tpu.dma_semaphore, #tpu.memory_space<semaphore_mem>>) src(%dma_wait3A_263 : memref<12x112xi32, #tpu.memory_space<hbm>>) dst(%arg6 : memref<12x112xi32, #tpu.memory_space<vmem>>)
      } else {
      }
      %add3A_210 = arith.constant 1 : i32
      %add3A_211 = arith.addi %add3A_149, %add3A_210 : i32
      %lt3A_212 = arith.constant 16 : i32
      %lt3A_213 = arith.cmpi slt, %add3A_211, %lt3A_212 : i32
      %convert_element_type3A_214 = arith.extui %lt3A_213 : i1 to i32
      %cond3A_215 = arith.constant 0 : i32
      %cond3A_216 = arith.cmpi ne, %convert_element_type3A_214, %cond3A_215 : i32
      scf.if %cond3A_216 {
        %dma_start3A_254 = arith.constant 0 : i32
        %dma_start3A_255 = arith.constant 0 : i32
        %dma_start3A_256 = tpu.memref_slice %arg6[%dma_start3A_254, %dma_start3A_255] : memref<12x112xi32, #tpu.memory_space<vmem>> -> memref<1x112xi32, #tpu.memory_space<vmem>>
        %dma_start3A_257 = tpu.memref_squeeze %dma_start3A_256 : memref<1x112xi32, #tpu.memory_space<vmem>> -> memref<112xi32, #tpu.memory_space<vmem>>
        %dma_start3A_258 = arith.constant 0 : i32
        %dma_start3A_259 = arith.constant 0 : i32
        %dma_start3A_260 = tpu.memref_slice %arg2[%dma_start3A_258, %dma_start3A_259] : memref<10000x128xf32, #tpu.memory_space<hbm>> -> memref<10000x128xf32, #tpu.memory_space<hbm>>
        tpu.enqueue_indirect_dma source(%dma_start3A_260 : memref<10000x128xf32, #tpu.memory_space<hbm>>) target(%arg8 : memref<112x128xf32, #tpu.memory_space<vmem>>) offsets(%dma_start3A_257 : memref<112xi32, #tpu.memory_space<vmem>>) semaphore(%arg14 : memref<!tpu.dma_semaphore, #tpu.memory_space<semaphore_mem>>)
      } else {
      }
      %dma_wait3A_217 = arith.constant 4 : i32
      %dma_wait3A_218 = arith.constant 0 : i32
      %dma_wait3A_219 = tpu.memref_slice %arg7[%dma_wait3A_217, %dma_wait3A_218] : memref<12x112xi32, #tpu.memory_space<vmem>> -> memref<1x112xi32, #tpu.memory_space<vmem>>
      %dma_wait3A_220 = tpu.memref_squeeze %dma_wait3A_219 : memref<1x112xi32, #tpu.memory_space<vmem>> -> memref<112xi32, #tpu.memory_space<vmem>>
      %dma_wait3A_221 = arith.constant 0 : i32
      %dma_wait3A_222 = arith.constant 0 : i32
      %dma_wait3A_223 = tpu.memref_slice %arg2[%dma_wait3A_221, %dma_wait3A_222] : memref<10000x128xf32, #tpu.memory_space<hbm>> -> memref<10000x128xf32, #tpu.memory_space<hbm>>
      tpu.wait_indirect_dma semaphore(%arg15 : memref<!tpu.dma_semaphore, #tpu.memory_space<semaphore_mem>>) src(%dma_wait3A_223 : memref<10000x128xf32, #tpu.memory_space<hbm>>) dst(%arg9 : memref<112x128xf32, #tpu.memory_space<vmem>>)
      %run_scoped3A_224 = arith.constant 10 : i32
      "tpu.region"() ({
        %run_scoped3A_254 = tpu.sem_alloc : memref<!tpu.dma_semaphore, #tpu.memory_space<semaphore_mem>>
        %dma_start3A_255 = arith.constant 0 : i32
        %dma_start3A_256 = tpu.memref_slice %arg7[%run_scoped3A_224, %dma_start3A_255] : memref<12x112xi32, #tpu.memory_space<vmem>> -> memref<1x112xi32, #tpu.memory_space<vmem>>
        %dma_start3A_257 = tpu.memref_squeeze %dma_start3A_256 : memref<1x112xi32, #tpu.memory_space<vmem>> -> memref<112xi32, #tpu.memory_space<vmem>>
        %dma_start3A_258 = arith.constant 0 : i32
        %dma_start3A_259 = arith.constant 0 : i32
        %dma_start3A_260 = tpu.memref_slice %arg11[%dma_start3A_258, %dma_start3A_259] : memref<10112x128xf32, #tpu.memory_space<vmem_shared>> -> memref<10112x128xf32, #tpu.memory_space<vmem_shared>>
        tpu.enqueue_indirect_dma source(%arg9 : memref<112x128xf32, #tpu.memory_space<vmem>>) target(%dma_start3A_260 : memref<10112x128xf32, #tpu.memory_space<vmem_shared>>) offsets(%dma_start3A_257 : memref<112xi32, #tpu.memory_space<vmem>>) semaphore(%run_scoped3A_254 : memref<!tpu.dma_semaphore, #tpu.memory_space<semaphore_mem>>) {add = true}
        %dma_wait3A_261 = arith.constant 0 : i32
        %dma_wait3A_262 = tpu.memref_slice %arg7[%run_scoped3A_224, %dma_wait3A_261] : memref<12x112xi32, #tpu.memory_space<vmem>> -> memref<1x112xi32, #tpu.memory_space<vmem>>
        %dma_wait3A_263 = tpu.memref_squeeze %dma_wait3A_262 : memref<1x112xi32, #tpu.memory_space<vmem>> -> memref<112xi32, #tpu.memory_space<vmem>>
        %dma_wait3A_264 = arith.constant 0 : i32
        %dma_wait3A_265 = arith.constant 0 : i32
        %dma_wait3A_266 = tpu.memref_slice %arg11[%dma_wait3A_264, %dma_wait3A_265] : memref<10112x128xf32, #tpu.memory_space<vmem_shared>> -> memref<10112x128xf32, #tpu.memory_space<vmem_shared>>
        tpu.wait_indirect_dma semaphore(%run_scoped3A_254 : memref<!tpu.dma_semaphore, #tpu.memory_space<semaphore_mem>>) src(%arg9 : memref<112x128xf32, #tpu.memory_space<vmem>>) dst(%dma_wait3A_266 : memref<10112x128xf32, #tpu.memory_space<vmem_shared>>)
        tpu.yield
      }) : () -> ()
      %add3A_225 = arith.constant 1 : i32
      %add3A_226 = arith.addi %add3A_149, %add3A_225 : i32
      %lt3A_227 = arith.constant 16 : i32
      %lt3A_228 = arith.cmpi slt, %add3A_226, %lt3A_227 : i32
      %convert_element_type3A_229 = arith.extui %lt3A_228 : i1 to i32
      %cond3A_230 = arith.constant 0 : i32
      %cond3A_231 = arith.cmpi ne, %convert_element_type3A_229, %cond3A_230 : i32
      scf.if %cond3A_231 {
        %dma_start3A_254 = arith.constant 1 : i32
        %dma_start3A_255 = arith.constant 0 : i32
        %dma_start3A_256 = tpu.memref_slice %arg6[%dma_start3A_254, %dma_start3A_255] : memref<12x112xi32, #tpu.memory_space<vmem>> -> memref<1x112xi32, #tpu.memory_space<vmem>>
        %dma_start3A_257 = tpu.memref_squeeze %dma_start3A_256 : memref<1x112xi32, #tpu.memory_space<vmem>> -> memref<112xi32, #tpu.memory_space<vmem>>
        %dma_start3A_258 = arith.constant 0 : i32
        %dma_start3A_259 = arith.constant 0 : i32
        %dma_start3A_260 = tpu.memref_slice %arg2[%dma_start3A_258, %dma_start3A_259] : memref<10000x128xf32, #tpu.memory_space<hbm>> -> memref<10000x128xf32, #tpu.memory_space<hbm>>
        tpu.enqueue_indirect_dma source(%dma_start3A_260 : memref<10000x128xf32, #tpu.memory_space<hbm>>) target(%arg9 : memref<112x128xf32, #tpu.memory_space<vmem>>) offsets(%dma_start3A_257 : memref<112xi32, #tpu.memory_space<vmem>>) semaphore(%arg15 : memref<!tpu.dma_semaphore, #tpu.memory_space<semaphore_mem>>)
      } else {
      }
      %dma_wait3A_232 = arith.constant 5 : i32
      %dma_wait3A_233 = arith.constant 0 : i32
      %dma_wait3A_234 = tpu.memref_slice %arg7[%dma_wait3A_232, %dma_wait3A_233] : memref<12x112xi32, #tpu.memory_space<vmem>> -> memref<1x112xi32, #tpu.memory_space<vmem>>
      %dma_wait3A_235 = tpu.memref_squeeze %dma_wait3A_234 : memref<1x112xi32, #tpu.memory_space<vmem>> -> memref<112xi32, #tpu.memory_space<vmem>>
      %dma_wait3A_236 = arith.constant 0 : i32
      %dma_wait3A_237 = arith.constant 0 : i32
      %dma_wait3A_238 = tpu.memref_slice %arg2[%dma_wait3A_236, %dma_wait3A_237] : memref<10000x128xf32, #tpu.memory_space<hbm>> -> memref<10000x128xf32, #tpu.memory_space<hbm>>
      tpu.wait_indirect_dma semaphore(%arg16 : memref<!tpu.dma_semaphore, #tpu.memory_space<semaphore_mem>>) src(%dma_wait3A_238 : memref<10000x128xf32, #tpu.memory_space<hbm>>) dst(%arg10 : memref<112x128xf32, #tpu.memory_space<vmem>>)
      %run_scoped3A_239 = arith.constant 11 : i32
      "tpu.region"() ({
        %run_scoped3A_254 = tpu.sem_alloc : memref<!tpu.dma_semaphore, #tpu.memory_space<semaphore_mem>>
        %dma_start3A_255 = arith.constant 0 : i32
        %dma_start3A_256 = tpu.memref_slice %arg7[%run_scoped3A_239, %dma_start3A_255] : memref<12x112xi32, #tpu.memory_space<vmem>> -> memref<1x112xi32, #tpu.memory_space<vmem>>
        %dma_start3A_257 = tpu.memref_squeeze %dma_start3A_256 : memref<1x112xi32, #tpu.memory_space<vmem>> -> memref<112xi32, #tpu.memory_space<vmem>>
        %dma_start3A_258 = arith.constant 0 : i32
        %dma_start3A_259 = arith.constant 0 : i32
        %dma_start3A_260 = tpu.memref_slice %arg11[%dma_start3A_258, %dma_start3A_259] : memref<10112x128xf32, #tpu.memory_space<vmem_shared>> -> memref<10112x128xf32, #tpu.memory_space<vmem_shared>>
        tpu.enqueue_indirect_dma source(%arg10 : memref<112x128xf32, #tpu.memory_space<vmem>>) target(%dma_start3A_260 : memref<10112x128xf32, #tpu.memory_space<vmem_shared>>) offsets(%dma_start3A_257 : memref<112xi32, #tpu.memory_space<vmem>>) semaphore(%run_scoped3A_254 : memref<!tpu.dma_semaphore, #tpu.memory_space<semaphore_mem>>) {add = true}
        %dma_wait3A_261 = arith.constant 0 : i32
        %dma_wait3A_262 = tpu.memref_slice %arg7[%run_scoped3A_239, %dma_wait3A_261] : memref<12x112xi32, #tpu.memory_space<vmem>> -> memref<1x112xi32, #tpu.memory_space<vmem>>
        %dma_wait3A_263 = tpu.memref_squeeze %dma_wait3A_262 : memref<1x112xi32, #tpu.memory_space<vmem>> -> memref<112xi32, #tpu.memory_space<vmem>>
        %dma_wait3A_264 = arith.constant 0 : i32
        %dma_wait3A_265 = arith.constant 0 : i32
        %dma_wait3A_266 = tpu.memref_slice %arg11[%dma_wait3A_264, %dma_wait3A_265] : memref<10112x128xf32, #tpu.memory_space<vmem_shared>> -> memref<10112x128xf32, #tpu.memory_space<vmem_shared>>
        tpu.wait_indirect_dma semaphore(%run_scoped3A_254 : memref<!tpu.dma_semaphore, #tpu.memory_space<semaphore_mem>>) src(%arg10 : memref<112x128xf32, #tpu.memory_space<vmem>>) dst(%dma_wait3A_266 : memref<10112x128xf32, #tpu.memory_space<vmem_shared>>)
        tpu.yield
      }) : () -> ()
      %add3A_240 = arith.constant 1 : i32
      %add3A_241 = arith.addi %add3A_149, %add3A_240 : i32
      %lt3A_242 = arith.constant 16 : i32
      %lt3A_243 = arith.cmpi slt, %add3A_241, %lt3A_242 : i32
      %convert_element_type3A_244 = arith.extui %lt3A_243 : i1 to i32
      %cond3A_245 = arith.constant 0 : i32
      %cond3A_246 = arith.cmpi ne, %convert_element_type3A_244, %cond3A_245 : i32
      scf.if %cond3A_246 {
        %dma_start3A_254 = arith.constant 2 : i32
        %dma_start3A_255 = arith.constant 0 : i32
        %dma_start3A_256 = tpu.memref_slice %arg6[%dma_start3A_254, %dma_start3A_255] : memref<12x112xi32, #tpu.memory_space<vmem>> -> memref<1x112xi32, #tpu.memory_space<vmem>>
        %dma_start3A_257 = tpu.memref_squeeze %dma_start3A_256 : memref<1x112xi32, #tpu.memory_space<vmem>> -> memref<112xi32, #tpu.memory_space<vmem>>
        %dma_start3A_258 = arith.constant 0 : i32
        %dma_start3A_259 = arith.constant 0 : i32
        %dma_start3A_260 = tpu.memref_slice %arg2[%dma_start3A_258, %dma_start3A_259] : memref<10000x128xf32, #tpu.memory_space<hbm>> -> memref<10000x128xf32, #tpu.memory_space<hbm>>
        tpu.enqueue_indirect_dma source(%dma_start3A_260 : memref<10000x128xf32, #tpu.memory_space<hbm>>) target(%arg10 : memref<112x128xf32, #tpu.memory_space<vmem>>) offsets(%dma_start3A_257 : memref<112xi32, #tpu.memory_space<vmem>>) semaphore(%arg16 : memref<!tpu.dma_semaphore, #tpu.memory_space<semaphore_mem>>)
      } else {
      }
      %add3A_247 = arith.constant 2 : i32
      %add3A_248 = arith.addi %add3A_149, %add3A_247 : i32
      %lt3A_249 = arith.constant 16 : i32
      %lt3A_250 = arith.cmpi slt, %add3A_248, %lt3A_249 : i32
      %convert_element_type3A_251 = arith.extui %lt3A_250 : i1 to i32
      %cond3A_252 = arith.constant 0 : i32
      %cond3A_253 = arith.cmpi ne, %convert_element_type3A_251, %cond3A_252 : i32
      scf.if %cond3A_253 {
        %add3A_254 = arith.constant 2 : i32
        %add3A_255 = arith.addi %add3A_149, %add3A_254 : i32
        %dma_start3A_256 = arith.constant 0 : i32
        %dma_start3A_257 = arith.constant 0 : i32
        %dma_start3A_258 = tpu.memref_slice %arg3[%add3A, %add3A_255, %dma_start3A_256, %dma_start3A_257] : memref<32x16x12x112xi32, #tpu.memory_space<hbm>> -> memref<1x1x12x112xi32, #tpu.memory_space<hbm>>
        %dma_start3A_259 = tpu.memref_squeeze %dma_start3A_258 : memref<1x1x12x112xi32, #tpu.memory_space<hbm>> -> memref<12x112xi32, #tpu.memory_space<hbm>>
        %dma_start3A_260 = arith.constant 0 : i32
        %dma_start3A_261 = arith.constant 0 : i32
        %dma_start3A_262 = tpu.memref_slice %arg3[%add3A, %add3A_255, %dma_start3A_260, %dma_start3A_261] : memref<32x16x12x112xi32, #tpu.memory_space<hbm>> -> memref<1x1x12x112xi32, #tpu.memory_space<hbm>>
        %dma_start3A_263 = tpu.memref_squeeze %dma_start3A_262 : memref<1x1x12x112xi32, #tpu.memory_space<hbm>> -> memref<12x112xi32, #tpu.memory_space<hbm>>
        tpu.enqueue_dma source(%dma_start3A_263 : memref<12x112xi32, #tpu.memory_space<hbm>>) target(%arg7 : memref<12x112xi32, #tpu.memory_space<vmem>>) target_semaphore(%arg13 : memref<!tpu.dma_semaphore, #tpu.memory_space<semaphore_mem>>)
      } else {
      }
    }
    %scan3A_35 = arith.constant 8 : i32
    %barrier3A_36 = arith.constant 0 : index
    tpu.barrier barrier_id(%barrier3A_36)
    %mul3A_37 = arith.constant 632 : i32
    %mul3A_38 = arith.muli %arg1, %mul3A_37 : i32
    %mul3A_39 = arith.constant 632 : i32
    %mul3A_40 = arith.muli %arg1, %mul3A_39 : i32
    "tpu.region"() ({
      %run_scoped3A_41 = tpu.sem_alloc : memref<!tpu.dma_semaphore, #tpu.memory_space<semaphore_mem>>
      %dma_start3A_42 = arith.constant 0 : i32
      %dma_start3A_43 = tpu.memref_slice %arg5[%arg0, %mul3A_40, %dma_start3A_42] : memref<2x10112x128xf32, #tpu.memory_space<hbm>> -> memref<1x632x128xf32, #tpu.memory_space<hbm>>
      %dma_start3A_44 = tpu.memref_squeeze %dma_start3A_43 : memref<1x632x128xf32, #tpu.memory_space<hbm>> -> memref<632x128xf32, #tpu.memory_space<hbm>>
      %dma_start3A_45 = arith.constant 0 : i32
      %dma_start3A_46 = tpu.memref_slice %arg11[%mul3A_38, %dma_start3A_45] : memref<10112x128xf32, #tpu.memory_space<vmem_shared>> -> memref<632x128xf32, #tpu.memory_space<vmem_shared>>
      tpu.enqueue_dma source(%dma_start3A_46 : memref<632x128xf32, #tpu.memory_space<vmem_shared>>) target(%dma_start3A_44 : memref<632x128xf32, #tpu.memory_space<hbm>>) target_semaphore(%run_scoped3A_41 : memref<!tpu.dma_semaphore, #tpu.memory_space<semaphore_mem>>)
      %dma_wait3A = arith.constant 0 : i32
      %dma_wait3A_47 = tpu.memref_slice %arg5[%arg0, %mul3A_40, %dma_wait3A] : memref<2x10112x128xf32, #tpu.memory_space<hbm>> -> memref<1x632x128xf32, #tpu.memory_space<hbm>>
      %dma_wait3A_48 = tpu.memref_squeeze %dma_wait3A_47 : memref<1x632x128xf32, #tpu.memory_space<hbm>> -> memref<632x128xf32, #tpu.memory_space<hbm>>
      %dma_wait3A_49 = arith.constant 0 : i32
      %dma_wait3A_50 = tpu.memref_slice %arg11[%mul3A_38, %dma_wait3A_49] : memref<10112x128xf32, #tpu.memory_space<vmem_shared>> -> memref<632x128xf32, #tpu.memory_space<vmem_shared>>
      tpu.wait_dma2 semaphore(%run_scoped3A_41 : memref<!tpu.dma_semaphore, #tpu.memory_space<semaphore_mem>>) src(%dma_wait3A_50 : memref<632x128xf32, #tpu.memory_space<vmem_shared>>) dst(%dma_wait3A_48 : memref<632x128xf32, #tpu.memory_space<hbm>>)
      tpu.yield
    }) : () -> ()
    return
  }
}

#map = affine_map<(d0, d1) -> (0, 0)>
#map1 = affine_map<(d0, d1) -> (0, 0, 0, 0)>
#map2 = affine_map<(d0, d1) -> (0, 0, 0)>
module attributes {stable_mosaic.version = 14 : i64} {
  func.func @sc_kernel(%arg0: i32, %arg1: i32, %arg2: memref<10000x128xf32, #tpu.memory_space<hbm>>, %arg3: memref<32x16x12x112xi32, #tpu.memory_space<hbm>>, %arg4: memref<632x128xf32, #tpu.memory_space<hbm>>, %arg5: memref<2x10112x128xf32, #tpu.memory_space<hbm>>, %arg6: memref<12x112xi32, #tpu.memory_space<vmem>>, %arg7: memref<12x112xi32, #tpu.memory_space<vmem>>, %arg8: memref<112x128xf32, #tpu.memory_space<vmem>>, %arg9: memref<112x128xf32, #tpu.memory_space<vmem>>, %arg10: memref<112x128xf32, #tpu.memory_space<vmem>>, %arg11: memref<10112x128xf32, #tpu.memory_space<vmem_shared>>, %arg12: memref<!tpu.dma_semaphore, #tpu.memory_space<semaphore_mem>>, %arg13: memref<!tpu.dma_semaphore, #tpu.memory_space<semaphore_mem>>, %arg14: memref<!tpu.dma_semaphore, #tpu.memory_space<semaphore_mem>>, %arg15: memref<!tpu.dma_semaphore, #tpu.memory_space<semaphore_mem>>, %arg16: memref<!tpu.dma_semaphore, #tpu.memory_space<semaphore_mem>>) attributes {dimension_semantics = [#tpu.dimension_semantics<core_parallel>, #tpu.dimension_semantics<subcore_parallel>], iteration_bounds = array<i64: 2, 16>, scalar_prefetch = 0 : i64, scratch_operands = 11 : i64, tpu.core_type = #tpu.core_type<sc_vector_subcore>, window_params = [{transform_indices = #map}, {transform_indices = #map1}, {transform_indices = #map}, {transform_indices = #map2}]} {
    %mul3A = arith.constant 16 : i32
    %mul3A_0 = arith.muli %arg0, %mul3A : i32
    %add3A = arith.addi %mul3A_0, %arg1 : i32
    %mul3A_1 = arith.constant 632 : i32
    %mul3A_2 = arith.muli %arg1, %mul3A_1 : i32
    "tpu.region"() ({
      %run_scoped3A_41 = tpu.sem_alloc : memref<!tpu.dma_semaphore, #tpu.memory_space<semaphore_mem>>
      %dma_start3A_42 = arith.constant 0 : i32
      %dma_start3A_43 = tpu.memref_slice %arg11[%mul3A_2, %dma_start3A_42] : memref<10112x128xf32, #tpu.memory_space<vmem_shared>> -> memref<632x128xf32, #tpu.memory_space<vmem_shared>>
      tpu.enqueue_dma source(%arg4 : memref<632x128xf32, #tpu.memory_space<hbm>>) target(%dma_start3A_43 : memref<632x128xf32, #tpu.memory_space<vmem_shared>>) target_semaphore(%run_scoped3A_41 : memref<!tpu.dma_semaphore, #tpu.memory_space<semaphore_mem>>)
      %dma_wait3A = arith.constant 0 : i32
      %dma_wait3A_44 = tpu.memref_slice %arg11[%mul3A_2, %dma_wait3A] : memref<10112x128xf32, #tpu.memory_space<vmem_shared>> -> memref<632x128xf32, #tpu.memory_space<vmem_shared>>
      tpu.wait_dma2 semaphore(%run_scoped3A_41 : memref<!tpu.dma_semaphore, #tpu.memory_space<semaphore_mem>>) src(%arg4 : memref<632x128xf32, #tpu.memory_space<hbm>>) dst(%dma_wait3A_44 : memref<632x128xf32, #tpu.memory_space<vmem_shared>>)
      tpu.yield
    }) : () -> ()
    %run_scoped3A = arith.constant 0 : i32
    "tpu.region"() ({
      %run_scoped3A_41 = tpu.sem_alloc : memref<!tpu.dma_semaphore, #tpu.memory_space<semaphore_mem>>
      %dma_start3A_42 = arith.constant 0 : i32
      %dma_start3A_43 = arith.constant 0 : i32
      %dma_start3A_44 = tpu.memref_slice %arg3[%add3A, %run_scoped3A, %dma_start3A_42, %dma_start3A_43] : memref<32x16x12x112xi32, #tpu.memory_space<hbm>> -> memref<1x1x12x112xi32, #tpu.memory_space<hbm>>
      %dma_start3A_45 = tpu.memref_squeeze %dma_start3A_44 : memref<1x1x12x112xi32, #tpu.memory_space<hbm>> -> memref<12x112xi32, #tpu.memory_space<hbm>>
      %dma_start3A_46 = arith.constant 0 : i32
      %dma_start3A_47 = arith.constant 0 : i32
      %dma_start3A_48 = tpu.memref_slice %arg3[%add3A, %run_scoped3A, %dma_start3A_46, %dma_start3A_47] : memref<32x16x12x112xi32, #tpu.memory_space<hbm>> -> memref<1x1x12x112xi32, #tpu.memory_space<hbm>>
      %dma_start3A_49 = tpu.memref_squeeze %dma_start3A_48 : memref<1x1x12x112xi32, #tpu.memory_space<hbm>> -> memref<12x112xi32, #tpu.memory_space<hbm>>
      tpu.enqueue_dma source(%dma_start3A_49 : memref<12x112xi32, #tpu.memory_space<hbm>>) target(%arg6 : memref<12x112xi32, #tpu.memory_space<vmem>>) target_semaphore(%run_scoped3A_41 : memref<!tpu.dma_semaphore, #tpu.memory_space<semaphore_mem>>)
      %dma_wait3A = arith.constant 0 : i32
      %dma_wait3A_50 = arith.constant 0 : i32
      %dma_wait3A_51 = tpu.memref_slice %arg3[%add3A, %run_scoped3A, %dma_wait3A, %dma_wait3A_50] : memref<32x16x12x112xi32, #tpu.memory_space<hbm>> -> memref<1x1x12x112xi32, #tpu.memory_space<hbm>>
      %dma_wait3A_52 = tpu.memref_squeeze %dma_wait3A_51 : memref<1x1x12x112xi32, #tpu.memory_space<hbm>> -> memref<12x112xi32, #tpu.memory_space<hbm>>
      %dma_wait3A_53 = arith.constant 0 : i32
      %dma_wait3A_54 = arith.constant 0 : i32
      %dma_wait3A_55 = tpu.memref_slice %arg3[%add3A, %run_scoped3A, %dma_wait3A_53, %dma_wait3A_54] : memref<32x16x12x112xi32, #tpu.memory_space<hbm>> -> memref<1x1x12x112xi32, #tpu.memory_space<hbm>>
      %dma_wait3A_56 = tpu.memref_squeeze %dma_wait3A_55 : memref<1x1x12x112xi32, #tpu.memory_space<hbm>> -> memref<12x112xi32, #tpu.memory_space<hbm>>
      tpu.wait_dma2 semaphore(%run_scoped3A_41 : memref<!tpu.dma_semaphore, #tpu.memory_space<semaphore_mem>>) src(%dma_wait3A_56 : memref<12x112xi32, #tpu.memory_space<hbm>>) dst(%arg6 : memref<12x112xi32, #tpu.memory_space<vmem>>)
      tpu.yield
    }) : () -> ()
    %dma_start3A = arith.constant 1 : i32
    %dma_start3A_3 = arith.constant 0 : i32
    %dma_start3A_4 = arith.constant 0 : i32
    %dma_start3A_5 = tpu.memref_slice %arg3[%add3A, %dma_start3A, %dma_start3A_3, %dma_start3A_4] : memref<32x16x12x112xi32, #tpu.memory_space<hbm>> -> memref<1x1x12x112xi32, #tpu.memory_space<hbm>>
    %dma_start3A_6 = tpu.memref_squeeze %dma_start3A_5 : memref<1x1x12x112xi32, #tpu.memory_space<hbm>> -> memref<12x112xi32, #tpu.memory_space<hbm>>
    %dma_start3A_7 = arith.constant 0 : i32
    %dma_start3A_8 = arith.constant 0 : i32
    %dma_start3A_9 = tpu.memref_slice %arg3[%add3A, %dma_start3A, %dma_start3A_7, %dma_start3A_8] : memref<32x16x12x112xi32, #tpu.memory_space<hbm>> -> memref<1x1x12x112xi32, #tpu.memory_space<hbm>>
    %dma_start3A_10 = tpu.memref_squeeze %dma_start3A_9 : memref<1x1x12x112xi32, #tpu.memory_space<hbm>> -> memref<12x112xi32, #tpu.memory_space<hbm>>
    tpu.enqueue_dma source(%dma_start3A_10 : memref<12x112xi32, #tpu.memory_space<hbm>>) target(%arg7 : memref<12x112xi32, #tpu.memory_space<vmem>>) target_semaphore(%arg13 : memref<!tpu.dma_semaphore, #tpu.memory_space<semaphore_mem>>)
    %barrier3A = arith.constant 0 : index
    tpu.barrier barrier_id(%barrier3A)
    %dma_start3A_11 = arith.constant 0 : i32
    %dma_start3A_12 = arith.constant 0 : i32
    %dma_start3A_13 = tpu.memref_slice %arg6[%dma_start3A_11, %dma_start3A_12] : memref<12x112xi32, #tpu.memory_space<vmem>> -> memref<1x112xi32, #tpu.memory_space<vmem>>
    %dma_start3A_14 = tpu.memref_squeeze %dma_start3A_13 : memref<1x112xi32, #tpu.memory_space<vmem>> -> memref<112xi32, #tpu.memory_space<vmem>>
    %dma_start3A_15 = arith.constant 0 : i32
    %dma_start3A_16 = arith.constant 0 : i32
    %dma_start3A_17 = tpu.memref_slice %arg2[%dma_start3A_15, %dma_start3A_16] : memref<10000x128xf32, #tpu.memory_space<hbm>> -> memref<10000x128xf32, #tpu.memory_space<hbm>>
    tpu.enqueue_indirect_dma source(%dma_start3A_17 : memref<10000x128xf32, #tpu.memory_space<hbm>>) target(%arg8 : memref<112x128xf32, #tpu.memory_space<vmem>>) offsets(%dma_start3A_14 : memref<112xi32, #tpu.memory_space<vmem>>) semaphore(%arg14 : memref<!tpu.dma_semaphore, #tpu.memory_space<semaphore_mem>>)
    %dma_start3A_18 = arith.constant 1 : i32
    %dma_start3A_19 = arith.constant 0 : i32
    %dma_start3A_20 = tpu.memref_slice %arg6[%dma_start3A_18, %dma_start3A_19] : memref<12x112xi32, #tpu.memory_space<vmem>> -> memref<1x112xi32, #tpu.memory_space<vmem>>
    %dma_start3A_21 = tpu.memref_squeeze %dma_start3A_20 : memref<1x112xi32, #tpu.memory_space<vmem>> -> memref<112xi32, #tpu.memory_space<vmem>>
    %dma_start3A_22 = arith.constant 0 : i32
    %dma_start3A_23 = arith.constant 0 : i32
    %dma_start3A_24 = tpu.memref_slice %arg2[%dma_start3A_22, %dma_start3A_23] : memref<10000x128xf32, #tpu.memory_space<hbm>> -> memref<10000x128xf32, #tpu.memory_space<hbm>>
    tpu.enqueue_indirect_dma source(%dma_start3A_24 : memref<10000x128xf32, #tpu.memory_space<hbm>>) target(%arg9 : memref<112x128xf32, #tpu.memory_space<vmem>>) offsets(%dma_start3A_21 : memref<112xi32, #tpu.memory_space<vmem>>) semaphore(%arg15 : memref<!tpu.dma_semaphore, #tpu.memory_space<semaphore_mem>>)
    %dma_start3A_25 = arith.constant 2 : i32
    %dma_start3A_26 = arith.constant 0 : i32
    %dma_start3A_27 = tpu.memref_slice %arg6[%dma_start3A_25, %dma_start3A_26] : memref<12x112xi32, #tpu.memory_space<vmem>> -> memref<1x112xi32, #tpu.memory_space<vmem>>
    %dma_start3A_28 = tpu.memref_squeeze %dma_start3A_27 : memref<1x112xi32, #tpu.memory_space<vmem>> -> memref<112xi32, #tpu.memory_space<vmem>>
    %dma_start3A_29 = arith.constant 0 : i32
    %dma_start3A_30 = arith.constant 0 : i32
    %dma_start3A_31 = tpu.memref_slice %arg2[%dma_start3A_29, %dma_start3A_30] : memref<10000x128xf32, #tpu.memory_space<hbm>> -> memref<10000x128xf32, #tpu.memory_space<hbm>>
    tpu.enqueue_indirect_dma source(%dma_start3A_31 : memref<10000x128xf32, #tpu.memory_space<hbm>>) target(%arg10 : memref<112x128xf32, #tpu.memory_space<vmem>>) offsets(%dma_start3A_28 : memref<112xi32, #tpu.memory_space<vmem>>) semaphore(%arg16 : memref<!tpu.dma_semaphore, #tpu.memory_space<semaphore_mem>>)
    %scan3A = arith.constant 0 : i32
    %scan3A_32 = arith.constant 8 : i32
    %scan3A_33 = arith.addi %scan3A, %scan3A_32 : i32
    %scan3A_34 = arith.constant 1 : i32
    scf.for %scan3A_41 = %scan3A to %scan3A_33 step %scan3A_34  : i32 {
      %mul3A_42 = arith.constant 2 : i32
      %mul3A_43 = arith.muli %scan3A_41, %mul3A_42 : i32
      %add3A_44 = arith.constant 0 : i32
      %add3A_45 = arith.addi %add3A_44, %mul3A_43 : i32
      %add3A_46 = arith.constant 0 : i32
      %add3A_47 = arith.addi %add3A_45, %add3A_46 : i32
      %dma_wait3A = arith.constant 0 : i32
      %dma_wait3A_48 = arith.constant 0 : i32
      %dma_wait3A_49 = tpu.memref_slice %arg6[%dma_wait3A, %dma_wait3A_48] : memref<12x112xi32, #tpu.memory_space<vmem>> -> memref<1x112xi32, #tpu.memory_space<vmem>>
      %dma_wait3A_50 = tpu.memref_squeeze %dma_wait3A_49 : memref<1x112xi32, #tpu.memory_space<vmem>> -> memref<112xi32, #tpu.memory_space<vmem>>
      %dma_wait3A_51 = arith.constant 0 : i32
      %dma_wait3A_52 = arith.constant 0 : i32
      %dma_wait3A_53 = tpu.memref_slice %arg2[%dma_wait3A_51, %dma_wait3A_52] : memref<10000x128xf32, #tpu.memory_space<hbm>> -> memref<10000x128xf32, #tpu.memory_space<hbm>>
      tpu.wait_indirect_dma semaphore(%arg14 : memref<!tpu.dma_semaphore, #tpu.memory_space<semaphore_mem>>) src(%dma_wait3A_53 : memref<10000x128xf32, #tpu.memory_space<hbm>>) dst(%arg8 : memref<112x128xf32, #tpu.memory_space<vmem>>)
      %run_scoped3A_54 = arith.constant 6 : i32
      "tpu.region"() ({
        %run_scoped3A_254 = tpu.sem_alloc : memref<!tpu.dma_semaphore, #tpu.memory_space<semaphore_mem>>
        %dma_start3A_255 = arith.constant 0 : i32
        %dma_start3A_256 = tpu.memref_slice %arg6[%run_scoped3A_54, %dma_start3A_255] : memref<12x112xi32, #tpu.memory_space<vmem>> -> memref<1x112xi32, #tpu.memory_space<vmem>>
        %dma_start3A_257 = tpu.memref_squeeze %dma_start3A_256 : memref<1x112xi32, #tpu.memory_space<vmem>> -> memref<112xi32, #tpu.memory_space<vmem>>
        %dma_start3A_258 = arith.constant 0 : i32
        %dma_start3A_259 = arith.constant 0 : i32
        %dma_start3A_260 = tpu.memref_slice %arg11[%dma_start3A_258, %dma_start3A_259] : memref<10112x128xf32, #tpu.memory_space<vmem_shared>> -> memref<10112x128xf32, #tpu.memory_space<vmem_shared>>
        tpu.enqueue_indirect_dma source(%arg8 : memref<112x128xf32, #tpu.memory_space<vmem>>) target(%dma_start3A_260 : memref<10112x128xf32, #tpu.memory_space<vmem_shared>>) offsets(%dma_start3A_257 : memref<112xi32, #tpu.memory_space<vmem>>) semaphore(%run_scoped3A_254 : memref<!tpu.dma_semaphore, #tpu.memory_space<semaphore_mem>>) {add = true}
        %dma_wait3A_261 = arith.constant 0 : i32
        %dma_wait3A_262 = tpu.memref_slice %arg6[%run_scoped3A_54, %dma_wait3A_261] : memref<12x112xi32, #tpu.memory_space<vmem>> -> memref<1x112xi32, #tpu.memory_space<vmem>>
        %dma_wait3A_263 = tpu.memref_squeeze %dma_wait3A_262 : memref<1x112xi32, #tpu.memory_space<vmem>> -> memref<112xi32, #tpu.memory_space<vmem>>
        %dma_wait3A_264 = arith.constant 0 : i32
        %dma_wait3A_265 = arith.constant 0 : i32
        %dma_wait3A_266 = tpu.memref_slice %arg11[%dma_wait3A_264, %dma_wait3A_265] : memref<10112x128xf32, #tpu.memory_space<vmem_shared>> -> memref<10112x128xf32, #tpu.memory_space<vmem_shared>>
        tpu.wait_indirect_dma semaphore(%run_scoped3A_254 : memref<!tpu.dma_semaphore, #tpu.memory_space<semaphore_mem>>) src(%arg8 : memref<112x128xf32, #tpu.memory_space<vmem>>) dst(%dma_wait3A_266 : memref<10112x128xf32, #tpu.memory_space<vmem_shared>>)
        tpu.yield
      }) : () -> ()
      %dma_start3A_55 = arith.constant 3 : i32
      %dma_start3A_56 = arith.constant 0 : i32
      %dma_start3A_57 = tpu.memref_slice %arg6[%dma_start3A_55, %dma_start3A_56] : memref<12x112xi32, #tpu.memory_space<vmem>> -> memref<1x112xi32, #tpu.memory_space<vmem>>
      %dma_start3A_58 = tpu.memref_squeeze %dma_start3A_57 : memref<1x112xi32, #tpu.memory_space<vmem>> -> memref<112xi32, #tpu.memory_space<vmem>>
      %dma_start3A_59 = arith.constant 0 : i32
      %dma_start3A_60 = arith.constant 0 : i32
      %dma_start3A_61 = tpu.memref_slice %arg2[%dma_start3A_59, %dma_start3A_60] : memref<10000x128xf32, #tpu.memory_space<hbm>> -> memref<10000x128xf32, #tpu.memory_space<hbm>>
      tpu.enqueue_indirect_dma source(%dma_start3A_61 : memref<10000x128xf32, #tpu.memory_space<hbm>>) target(%arg8 : memref<112x128xf32, #tpu.memory_space<vmem>>) offsets(%dma_start3A_58 : memref<112xi32, #tpu.memory_space<vmem>>) semaphore(%arg14 : memref<!tpu.dma_semaphore, #tpu.memory_space<semaphore_mem>>)
      %dma_wait3A_62 = arith.constant 1 : i32
      %dma_wait3A_63 = arith.constant 0 : i32
      %dma_wait3A_64 = tpu.memref_slice %arg6[%dma_wait3A_62, %dma_wait3A_63] : memref<12x112xi32, #tpu.memory_space<vmem>> -> memref<1x112xi32, #tpu.memory_space<vmem>>
      %dma_wait3A_65 = tpu.memref_squeeze %dma_wait3A_64 : memref<1x112xi32, #tpu.memory_space<vmem>> -> memref<112xi32, #tpu.memory_space<vmem>>
      %dma_wait3A_66 = arith.constant 0 : i32
      %dma_wait3A_67 = arith.constant 0 : i32
      %dma_wait3A_68 = tpu.memref_slice %arg2[%dma_wait3A_66, %dma_wait3A_67] : memref<10000x128xf32, #tpu.memory_space<hbm>> -> memref<10000x128xf32, #tpu.memory_space<hbm>>
      tpu.wait_indirect_dma semaphore(%arg15 : memref<!tpu.dma_semaphore, #tpu.memory_space<semaphore_mem>>) src(%dma_wait3A_68 : memref<10000x128xf32, #tpu.memory_space<hbm>>) dst(%arg9 : memref<112x128xf32, #tpu.memory_space<vmem>>)
      %run_scoped3A_69 = arith.constant 7 : i32
      "tpu.region"() ({
        %run_scoped3A_254 = tpu.sem_alloc : memref<!tpu.dma_semaphore, #tpu.memory_space<semaphore_mem>>
        %dma_start3A_255 = arith.constant 0 : i32
        %dma_start3A_256 = tpu.memref_slice %arg6[%run_scoped3A_69, %dma_start3A_255] : memref<12x112xi32, #tpu.memory_space<vmem>> -> memref<1x112xi32, #tpu.memory_space<vmem>>
        %dma_start3A_257 = tpu.memref_squeeze %dma_start3A_256 : memref<1x112xi32, #tpu.memory_space<vmem>> -> memref<112xi32, #tpu.memory_space<vmem>>
        %dma_start3A_258 = arith.constant 0 : i32
        %dma_start3A_259 = arith.constant 0 : i32
        %dma_start3A_260 = tpu.memref_slice %arg11[%dma_start3A_258, %dma_start3A_259] : memref<10112x128xf32, #tpu.memory_space<vmem_shared>> -> memref<10112x128xf32, #tpu.memory_space<vmem_shared>>
        tpu.enqueue_indirect_dma source(%arg9 : memref<112x128xf32, #tpu.memory_space<vmem>>) target(%dma_start3A_260 : memref<10112x128xf32, #tpu.memory_space<vmem_shared>>) offsets(%dma_start3A_257 : memref<112xi32, #tpu.memory_space<vmem>>) semaphore(%run_scoped3A_254 : memref<!tpu.dma_semaphore, #tpu.memory_space<semaphore_mem>>) {add = true}
        %dma_wait3A_261 = arith.constant 0 : i32
        %dma_wait3A_262 = tpu.memref_slice %arg6[%run_scoped3A_69, %dma_wait3A_261] : memref<12x112xi32, #tpu.memory_space<vmem>> -> memref<1x112xi32, #tpu.memory_space<vmem>>
        %dma_wait3A_263 = tpu.memref_squeeze %dma_wait3A_262 : memref<1x112xi32, #tpu.memory_space<vmem>> -> memref<112xi32, #tpu.memory_space<vmem>>
        %dma_wait3A_264 = arith.constant 0 : i32
        %dma_wait3A_265 = arith.constant 0 : i32
        %dma_wait3A_266 = tpu.memref_slice %arg11[%dma_wait3A_264, %dma_wait3A_265] : memref<10112x128xf32, #tpu.memory_space<vmem_shared>> -> memref<10112x128xf32, #tpu.memory_space<vmem_shared>>
        tpu.wait_indirect_dma semaphore(%run_scoped3A_254 : memref<!tpu.dma_semaphore, #tpu.memory_space<semaphore_mem>>) src(%arg9 : memref<112x128xf32, #tpu.memory_space<vmem>>) dst(%dma_wait3A_266 : memref<10112x128xf32, #tpu.memory_space<vmem_shared>>)
        tpu.yield
      }) : () -> ()
      %dma_start3A_70 = arith.constant 4 : i32
      %dma_start3A_71 = arith.constant 0 : i32
      %dma_start3A_72 = tpu.memref_slice %arg6[%dma_start3A_70, %dma_start3A_71] : memref<12x112xi32, #tpu.memory_space<vmem>> -> memref<1x112xi32, #tpu.memory_space<vmem>>
      %dma_start3A_73 = tpu.memref_squeeze %dma_start3A_72 : memref<1x112xi32, #tpu.memory_space<vmem>> -> memref<112xi32, #tpu.memory_space<vmem>>
      %dma_start3A_74 = arith.constant 0 : i32
      %dma_start3A_75 = arith.constant 0 : i32
      %dma_start3A_76 = tpu.memref_slice %arg2[%dma_start3A_74, %dma_start3A_75] : memref<10000x128xf32, #tpu.memory_space<hbm>> -> memref<10000x128xf32, #tpu.memory_space<hbm>>
      tpu.enqueue_indirect_dma source(%dma_start3A_76 : memref<10000x128xf32, #tpu.memory_space<hbm>>) target(%arg9 : memref<112x128xf32, #tpu.memory_space<vmem>>) offsets(%dma_start3A_73 : memref<112xi32, #tpu.memory_space<vmem>>) semaphore(%arg15 : memref<!tpu.dma_semaphore, #tpu.memory_space<semaphore_mem>>)
      %dma_wait3A_77 = arith.constant 2 : i32
      %dma_wait3A_78 = arith.constant 0 : i32
      %dma_wait3A_79 = tpu.memref_slice %arg6[%dma_wait3A_77, %dma_wait3A_78] : memref<12x112xi32, #tpu.memory_space<vmem>> -> memref<1x112xi32, #tpu.memory_space<vmem>>
      %dma_wait3A_80 = tpu.memref_squeeze %dma_wait3A_79 : memref<1x112xi32, #tpu.memory_space<vmem>> -> memref<112xi32, #tpu.memory_space<vmem>>
      %dma_wait3A_81 = arith.constant 0 : i32
      %dma_wait3A_82 = arith.constant 0 : i32
      %dma_wait3A_83 = tpu.memref_slice %arg2[%dma_wait3A_81, %dma_wait3A_82] : memref<10000x128xf32, #tpu.memory_space<hbm>> -> memref<10000x128xf32, #tpu.memory_space<hbm>>
      tpu.wait_indirect_dma semaphore(%arg16 : memref<!tpu.dma_semaphore, #tpu.memory_space<semaphore_mem>>) src(%dma_wait3A_83 : memref<10000x128xf32, #tpu.memory_space<hbm>>) dst(%arg10 : memref<112x128xf32, #tpu.memory_space<vmem>>)
      %run_scoped3A_84 = arith.constant 8 : i32
      "tpu.region"() ({
        %run_scoped3A_254 = tpu.sem_alloc : memref<!tpu.dma_semaphore, #tpu.memory_space<semaphore_mem>>
        %dma_start3A_255 = arith.constant 0 : i32
        %dma_start3A_256 = tpu.memref_slice %arg6[%run_scoped3A_84, %dma_start3A_255] : memref<12x112xi32, #tpu.memory_space<vmem>> -> memref<1x112xi32, #tpu.memory_space<vmem>>
        %dma_start3A_257 = tpu.memref_squeeze %dma_start3A_256 : memref<1x112xi32, #tpu.memory_space<vmem>> -> memref<112xi32, #tpu.memory_space<vmem>>
        %dma_start3A_258 = arith.constant 0 : i32
        %dma_start3A_259 = arith.constant 0 : i32
        %dma_start3A_260 = tpu.memref_slice %arg11[%dma_start3A_258, %dma_start3A_259] : memref<10112x128xf32, #tpu.memory_space<vmem_shared>> -> memref<10112x128xf32, #tpu.memory_space<vmem_shared>>
        tpu.enqueue_indirect_dma source(%arg10 : memref<112x128xf32, #tpu.memory_space<vmem>>) target(%dma_start3A_260 : memref<10112x128xf32, #tpu.memory_space<vmem_shared>>) offsets(%dma_start3A_257 : memref<112xi32, #tpu.memory_space<vmem>>) semaphore(%run_scoped3A_254 : memref<!tpu.dma_semaphore, #tpu.memory_space<semaphore_mem>>) {add = true}
        %dma_wait3A_261 = arith.constant 0 : i32
        %dma_wait3A_262 = tpu.memref_slice %arg6[%run_scoped3A_84, %dma_wait3A_261] : memref<12x112xi32, #tpu.memory_space<vmem>> -> memref<1x112xi32, #tpu.memory_space<vmem>>
        %dma_wait3A_263 = tpu.memref_squeeze %dma_wait3A_262 : memref<1x112xi32, #tpu.memory_space<vmem>> -> memref<112xi32, #tpu.memory_space<vmem>>
        %dma_wait3A_264 = arith.constant 0 : i32
        %dma_wait3A_265 = arith.constant 0 : i32
        %dma_wait3A_266 = tpu.memref_slice %arg11[%dma_wait3A_264, %dma_wait3A_265] : memref<10112x128xf32, #tpu.memory_space<vmem_shared>> -> memref<10112x128xf32, #tpu.memory_space<vmem_shared>>
        tpu.wait_indirect_dma semaphore(%run_scoped3A_254 : memref<!tpu.dma_semaphore, #tpu.memory_space<semaphore_mem>>) src(%arg10 : memref<112x128xf32, #tpu.memory_space<vmem>>) dst(%dma_wait3A_266 : memref<10112x128xf32, #tpu.memory_space<vmem_shared>>)
        tpu.yield
      }) : () -> ()
      %dma_start3A_85 = arith.constant 5 : i32
      %dma_start3A_86 = arith.constant 0 : i32
      %dma_start3A_87 = tpu.memref_slice %arg6[%dma_start3A_85, %dma_start3A_86] : memref<12x112xi32, #tpu.memory_space<vmem>> -> memref<1x112xi32, #tpu.memory_space<vmem>>
      %dma_start3A_88 = tpu.memref_squeeze %dma_start3A_87 : memref<1x112xi32, #tpu.memory_space<vmem>> -> memref<112xi32, #tpu.memory_space<vmem>>
      %dma_start3A_89 = arith.constant 0 : i32
      %dma_start3A_90 = arith.constant 0 : i32
      %dma_start3A_91 = tpu.memref_slice %arg2[%dma_start3A_89, %dma_start3A_90] : memref<10000x128xf32, #tpu.memory_space<hbm>> -> memref<10000x128xf32, #tpu.memory_space<hbm>>
      tpu.enqueue_indirect_dma source(%dma_start3A_91 : memref<10000x128xf32, #tpu.memory_space<hbm>>) target(%arg10 : memref<112x128xf32, #tpu.memory_space<vmem>>) offsets(%dma_start3A_88 : memref<112xi32, #tpu.memory_space<vmem>>) semaphore(%arg16 : memref<!tpu.dma_semaphore, #tpu.memory_space<semaphore_mem>>)
      %dma_wait3A_92 = arith.constant 3 : i32
      %dma_wait3A_93 = arith.constant 0 : i32
      %dma_wait3A_94 = tpu.memref_slice %arg6[%dma_wait3A_92, %dma_wait3A_93] : memref<12x112xi32, #tpu.memory_space<vmem>> -> memref<1x112xi32, #tpu.memory_space<vmem>>
      %dma_wait3A_95 = tpu.memref_squeeze %dma_wait3A_94 : memref<1x112xi32, #tpu.memory_space<vmem>> -> memref<112xi32, #tpu.memory_space<vmem>>
      %dma_wait3A_96 = arith.constant 0 : i32
      %dma_wait3A_97 = arith.constant 0 : i32
      %dma_wait3A_98 = tpu.memref_slice %arg2[%dma_wait3A_96, %dma_wait3A_97] : memref<10000x128xf32, #tpu.memory_space<hbm>> -> memref<10000x128xf32, #tpu.memory_space<hbm>>
      tpu.wait_indirect_dma semaphore(%arg14 : memref<!tpu.dma_semaphore, #tpu.memory_space<semaphore_mem>>) src(%dma_wait3A_98 : memref<10000x128xf32, #tpu.memory_space<hbm>>) dst(%arg8 : memref<112x128xf32, #tpu.memory_space<vmem>>)
      %run_scoped3A_99 = arith.constant 9 : i32
      "tpu.region"() ({
        %run_scoped3A_254 = tpu.sem_alloc : memref<!tpu.dma_semaphore, #tpu.memory_space<semaphore_mem>>
        %dma_start3A_255 = arith.constant 0 : i32
        %dma_start3A_256 = tpu.memref_slice %arg6[%run_scoped3A_99, %dma_start3A_255] : memref<12x112xi32, #tpu.memory_space<vmem>> -> memref<1x112xi32, #tpu.memory_space<vmem>>
        %dma_start3A_257 = tpu.memref_squeeze %dma_start3A_256 : memref<1x112xi32, #tpu.memory_space<vmem>> -> memref<112xi32, #tpu.memory_space<vmem>>
        %dma_start3A_258 = arith.constant 0 : i32
        %dma_start3A_259 = arith.constant 0 : i32
        %dma_start3A_260 = tpu.memref_slice %arg11[%dma_start3A_258, %dma_start3A_259] : memref<10112x128xf32, #tpu.memory_space<vmem_shared>> -> memref<10112x128xf32, #tpu.memory_space<vmem_shared>>
        tpu.enqueue_indirect_dma source(%arg8 : memref<112x128xf32, #tpu.memory_space<vmem>>) target(%dma_start3A_260 : memref<10112x128xf32, #tpu.memory_space<vmem_shared>>) offsets(%dma_start3A_257 : memref<112xi32, #tpu.memory_space<vmem>>) semaphore(%run_scoped3A_254 : memref<!tpu.dma_semaphore, #tpu.memory_space<semaphore_mem>>) {add = true}
        %dma_wait3A_261 = arith.constant 0 : i32
        %dma_wait3A_262 = tpu.memref_slice %arg6[%run_scoped3A_99, %dma_wait3A_261] : memref<12x112xi32, #tpu.memory_space<vmem>> -> memref<1x112xi32, #tpu.memory_space<vmem>>
        %dma_wait3A_263 = tpu.memref_squeeze %dma_wait3A_262 : memref<1x112xi32, #tpu.memory_space<vmem>> -> memref<112xi32, #tpu.memory_space<vmem>>
        %dma_wait3A_264 = arith.constant 0 : i32
        %dma_wait3A_265 = arith.constant 0 : i32
        %dma_wait3A_266 = tpu.memref_slice %arg11[%dma_wait3A_264, %dma_wait3A_265] : memref<10112x128xf32, #tpu.memory_space<vmem_shared>> -> memref<10112x128xf32, #tpu.memory_space<vmem_shared>>
        tpu.wait_indirect_dma semaphore(%run_scoped3A_254 : memref<!tpu.dma_semaphore, #tpu.memory_space<semaphore_mem>>) src(%arg8 : memref<112x128xf32, #tpu.memory_space<vmem>>) dst(%dma_wait3A_266 : memref<10112x128xf32, #tpu.memory_space<vmem_shared>>)
        tpu.yield
      }) : () -> ()
      %add3A_100 = arith.constant 1 : i32
      %add3A_101 = arith.addi %add3A_47, %add3A_100 : i32
      %lt3A = arith.constant 16 : i32
      %lt3A_102 = arith.cmpi slt, %add3A_101, %lt3A : i32
      %convert_element_type3A = arith.extui %lt3A_102 : i1 to i32
      %cond3A = arith.constant 0 : i32
      %cond3A_103 = arith.cmpi ne, %convert_element_type3A, %cond3A : i32
      scf.if %cond3A_103 {
        %add3A_254 = arith.constant 1 : i32
        %add3A_255 = arith.addi %add3A_47, %add3A_254 : i32
        %dma_wait3A_256 = arith.constant 0 : i32
        %dma_wait3A_257 = arith.constant 0 : i32
        %dma_wait3A_258 = tpu.memref_slice %arg3[%add3A, %add3A_255, %dma_wait3A_256, %dma_wait3A_257] : memref<32x16x12x112xi32, #tpu.memory_space<hbm>> -> memref<1x1x12x112xi32, #tpu.memory_space<hbm>>
        %dma_wait3A_259 = tpu.memref_squeeze %dma_wait3A_258 : memref<1x1x12x112xi32, #tpu.memory_space<hbm>> -> memref<12x112xi32, #tpu.memory_space<hbm>>
        %dma_wait3A_260 = arith.constant 0 : i32
        %dma_wait3A_261 = arith.constant 0 : i32
        %dma_wait3A_262 = tpu.memref_slice %arg3[%add3A, %add3A_255, %dma_wait3A_260, %dma_wait3A_261] : memref<32x16x12x112xi32, #tpu.memory_space<hbm>> -> memref<1x1x12x112xi32, #tpu.memory_space<hbm>>
        %dma_wait3A_263 = tpu.memref_squeeze %dma_wait3A_262 : memref<1x1x12x112xi32, #tpu.memory_space<hbm>> -> memref<12x112xi32, #tpu.memory_space<hbm>>
        tpu.wait_dma2 semaphore(%arg13 : memref<!tpu.dma_semaphore, #tpu.memory_space<semaphore_mem>>) src(%dma_wait3A_263 : memref<12x112xi32, #tpu.memory_space<hbm>>) dst(%arg7 : memref<12x112xi32, #tpu.memory_space<vmem>>)
      } else {
      }
      %add3A_104 = arith.constant 1 : i32
      %add3A_105 = arith.addi %add3A_47, %add3A_104 : i32
      %lt3A_106 = arith.constant 16 : i32
      %lt3A_107 = arith.cmpi slt, %add3A_105, %lt3A_106 : i32
      %convert_element_type3A_108 = arith.extui %lt3A_107 : i1 to i32
      %cond3A_109 = arith.constant 0 : i32
      %cond3A_110 = arith.cmpi ne, %convert_element_type3A_108, %cond3A_109 : i32
      scf.if %cond3A_110 {
        %dma_start3A_254 = arith.constant 0 : i32
        %dma_start3A_255 = arith.constant 0 : i32
        %dma_start3A_256 = tpu.memref_slice %arg7[%dma_start3A_254, %dma_start3A_255] : memref<12x112xi32, #tpu.memory_space<vmem>> -> memref<1x112xi32, #tpu.memory_space<vmem>>
        %dma_start3A_257 = tpu.memref_squeeze %dma_start3A_256 : memref<1x112xi32, #tpu.memory_space<vmem>> -> memref<112xi32, #tpu.memory_space<vmem>>
        %dma_start3A_258 = arith.constant 0 : i32
        %dma_start3A_259 = arith.constant 0 : i32
        %dma_start3A_260 = tpu.memref_slice %arg2[%dma_start3A_258, %dma_start3A_259] : memref<10000x128xf32, #tpu.memory_space<hbm>> -> memref<10000x128xf32, #tpu.memory_space<hbm>>
        tpu.enqueue_indirect_dma source(%dma_start3A_260 : memref<10000x128xf32, #tpu.memory_space<hbm>>) target(%arg8 : memref<112x128xf32, #tpu.memory_space<vmem>>) offsets(%dma_start3A_257 : memref<112xi32, #tpu.memory_space<vmem>>) semaphore(%arg14 : memref<!tpu.dma_semaphore, #tpu.memory_space<semaphore_mem>>)
      } else {
      }
      %dma_wait3A_111 = arith.constant 4 : i32
      %dma_wait3A_112 = arith.constant 0 : i32
      %dma_wait3A_113 = tpu.memref_slice %arg6[%dma_wait3A_111, %dma_wait3A_112] : memref<12x112xi32, #tpu.memory_space<vmem>> -> memref<1x112xi32, #tpu.memory_space<vmem>>
      %dma_wait3A_114 = tpu.memref_squeeze %dma_wait3A_113 : memref<1x112xi32, #tpu.memory_space<vmem>> -> memref<112xi32, #tpu.memory_space<vmem>>
      %dma_wait3A_115 = arith.constant 0 : i32
      %dma_wait3A_116 = arith.constant 0 : i32
      %dma_wait3A_117 = tpu.memref_slice %arg2[%dma_wait3A_115, %dma_wait3A_116] : memref<10000x128xf32, #tpu.memory_space<hbm>> -> memref<10000x128xf32, #tpu.memory_space<hbm>>
      tpu.wait_indirect_dma semaphore(%arg15 : memref<!tpu.dma_semaphore, #tpu.memory_space<semaphore_mem>>) src(%dma_wait3A_117 : memref<10000x128xf32, #tpu.memory_space<hbm>>) dst(%arg9 : memref<112x128xf32, #tpu.memory_space<vmem>>)
      %run_scoped3A_118 = arith.constant 10 : i32
      "tpu.region"() ({
        %run_scoped3A_254 = tpu.sem_alloc : memref<!tpu.dma_semaphore, #tpu.memory_space<semaphore_mem>>
        %dma_start3A_255 = arith.constant 0 : i32
        %dma_start3A_256 = tpu.memref_slice %arg6[%run_scoped3A_118, %dma_start3A_255] : memref<12x112xi32, #tpu.memory_space<vmem>> -> memref<1x112xi32, #tpu.memory_space<vmem>>
        %dma_start3A_257 = tpu.memref_squeeze %dma_start3A_256 : memref<1x112xi32, #tpu.memory_space<vmem>> -> memref<112xi32, #tpu.memory_space<vmem>>
        %dma_start3A_258 = arith.constant 0 : i32
        %dma_start3A_259 = arith.constant 0 : i32
        %dma_start3A_260 = tpu.memref_slice %arg11[%dma_start3A_258, %dma_start3A_259] : memref<10112x128xf32, #tpu.memory_space<vmem_shared>> -> memref<10112x128xf32, #tpu.memory_space<vmem_shared>>
        tpu.enqueue_indirect_dma source(%arg9 : memref<112x128xf32, #tpu.memory_space<vmem>>) target(%dma_start3A_260 : memref<10112x128xf32, #tpu.memory_space<vmem_shared>>) offsets(%dma_start3A_257 : memref<112xi32, #tpu.memory_space<vmem>>) semaphore(%run_scoped3A_254 : memref<!tpu.dma_semaphore, #tpu.memory_space<semaphore_mem>>) {add = true}
        %dma_wait3A_261 = arith.constant 0 : i32
        %dma_wait3A_262 = tpu.memref_slice %arg6[%run_scoped3A_118, %dma_wait3A_261] : memref<12x112xi32, #tpu.memory_space<vmem>> -> memref<1x112xi32, #tpu.memory_space<vmem>>
        %dma_wait3A_263 = tpu.memref_squeeze %dma_wait3A_262 : memref<1x112xi32, #tpu.memory_space<vmem>> -> memref<112xi32, #tpu.memory_space<vmem>>
        %dma_wait3A_264 = arith.constant 0 : i32
        %dma_wait3A_265 = arith.constant 0 : i32
        %dma_wait3A_266 = tpu.memref_slice %arg11[%dma_wait3A_264, %dma_wait3A_265] : memref<10112x128xf32, #tpu.memory_space<vmem_shared>> -> memref<10112x128xf32, #tpu.memory_space<vmem_shared>>
        tpu.wait_indirect_dma semaphore(%run_scoped3A_254 : memref<!tpu.dma_semaphore, #tpu.memory_space<semaphore_mem>>) src(%arg9 : memref<112x128xf32, #tpu.memory_space<vmem>>) dst(%dma_wait3A_266 : memref<10112x128xf32, #tpu.memory_space<vmem_shared>>)
        tpu.yield
      }) : () -> ()
      %add3A_119 = arith.constant 1 : i32
      %add3A_120 = arith.addi %add3A_47, %add3A_119 : i32
      %lt3A_121 = arith.constant 16 : i32
      %lt3A_122 = arith.cmpi slt, %add3A_120, %lt3A_121 : i32
      %convert_element_type3A_123 = arith.extui %lt3A_122 : i1 to i32
      %cond3A_124 = arith.constant 0 : i32
      %cond3A_125 = arith.cmpi ne, %convert_element_type3A_123, %cond3A_124 : i32
      scf.if %cond3A_125 {
        %dma_start3A_254 = arith.constant 1 : i32
        %dma_start3A_255 = arith.constant 0 : i32
        %dma_start3A_256 = tpu.memref_slice %arg7[%dma_start3A_254, %dma_start3A_255] : memref<12x112xi32, #tpu.memory_space<vmem>> -> memref<1x112xi32, #tpu.memory_space<vmem>>
        %dma_start3A_257 = tpu.memref_squeeze %dma_start3A_256 : memref<1x112xi32, #tpu.memory_space<vmem>> -> memref<112xi32, #tpu.memory_space<vmem>>
        %dma_start3A_258 = arith.constant 0 : i32
        %dma_start3A_259 = arith.constant 0 : i32
        %dma_start3A_260 = tpu.memref_slice %arg2[%dma_start3A_258, %dma_start3A_259] : memref<10000x128xf32, #tpu.memory_space<hbm>> -> memref<10000x128xf32, #tpu.memory_space<hbm>>
        tpu.enqueue_indirect_dma source(%dma_start3A_260 : memref<10000x128xf32, #tpu.memory_space<hbm>>) target(%arg9 : memref<112x128xf32, #tpu.memory_space<vmem>>) offsets(%dma_start3A_257 : memref<112xi32, #tpu.memory_space<vmem>>) semaphore(%arg15 : memref<!tpu.dma_semaphore, #tpu.memory_space<semaphore_mem>>)
      } else {
      }
      %dma_wait3A_126 = arith.constant 5 : i32
      %dma_wait3A_127 = arith.constant 0 : i32
      %dma_wait3A_128 = tpu.memref_slice %arg6[%dma_wait3A_126, %dma_wait3A_127] : memref<12x112xi32, #tpu.memory_space<vmem>> -> memref<1x112xi32, #tpu.memory_space<vmem>>
      %dma_wait3A_129 = tpu.memref_squeeze %dma_wait3A_128 : memref<1x112xi32, #tpu.memory_space<vmem>> -> memref<112xi32, #tpu.memory_space<vmem>>
      %dma_wait3A_130 = arith.constant 0 : i32
      %dma_wait3A_131 = arith.constant 0 : i32
      %dma_wait3A_132 = tpu.memref_slice %arg2[%dma_wait3A_130, %dma_wait3A_131] : memref<10000x128xf32, #tpu.memory_space<hbm>> -> memref<10000x128xf32, #tpu.memory_space<hbm>>
      tpu.wait_indirect_dma semaphore(%arg16 : memref<!tpu.dma_semaphore, #tpu.memory_space<semaphore_mem>>) src(%dma_wait3A_132 : memref<10000x128xf32, #tpu.memory_space<hbm>>) dst(%arg10 : memref<112x128xf32, #tpu.memory_space<vmem>>)
      %run_scoped3A_133 = arith.constant 11 : i32
      "tpu.region"() ({
        %run_scoped3A_254 = tpu.sem_alloc : memref<!tpu.dma_semaphore, #tpu.memory_space<semaphore_mem>>
        %dma_start3A_255 = arith.constant 0 : i32
        %dma_start3A_256 = tpu.memref_slice %arg6[%run_scoped3A_133, %dma_start3A_255] : memref<12x112xi32, #tpu.memory_space<vmem>> -> memref<1x112xi32, #tpu.memory_space<vmem>>
        %dma_start3A_257 = tpu.memref_squeeze %dma_start3A_256 : memref<1x112xi32, #tpu.memory_space<vmem>> -> memref<112xi32, #tpu.memory_space<vmem>>
        %dma_start3A_258 = arith.constant 0 : i32
        %dma_start3A_259 = arith.constant 0 : i32
        %dma_start3A_260 = tpu.memref_slice %arg11[%dma_start3A_258, %dma_start3A_259] : memref<10112x128xf32, #tpu.memory_space<vmem_shared>> -> memref<10112x128xf32, #tpu.memory_space<vmem_shared>>
        tpu.enqueue_indirect_dma source(%arg10 : memref<112x128xf32, #tpu.memory_space<vmem>>) target(%dma_start3A_260 : memref<10112x128xf32, #tpu.memory_space<vmem_shared>>) offsets(%dma_start3A_257 : memref<112xi32, #tpu.memory_space<vmem>>) semaphore(%run_scoped3A_254 : memref<!tpu.dma_semaphore, #tpu.memory_space<semaphore_mem>>) {add = true}
        %dma_wait3A_261 = arith.constant 0 : i32
        %dma_wait3A_262 = tpu.memref_slice %arg6[%run_scoped3A_133, %dma_wait3A_261] : memref<12x112xi32, #tpu.memory_space<vmem>> -> memref<1x112xi32, #tpu.memory_space<vmem>>
        %dma_wait3A_263 = tpu.memref_squeeze %dma_wait3A_262 : memref<1x112xi32, #tpu.memory_space<vmem>> -> memref<112xi32, #tpu.memory_space<vmem>>
        %dma_wait3A_264 = arith.constant 0 : i32
        %dma_wait3A_265 = arith.constant 0 : i32
        %dma_wait3A_266 = tpu.memref_slice %arg11[%dma_wait3A_264, %dma_wait3A_265] : memref<10112x128xf32, #tpu.memory_space<vmem_shared>> -> memref<10112x128xf32, #tpu.memory_space<vmem_shared>>
        tpu.wait_indirect_dma semaphore(%run_scoped3A_254 : memref<!tpu.dma_semaphore, #tpu.memory_space<semaphore_mem>>) src(%arg10 : memref<112x128xf32, #tpu.memory_space<vmem>>) dst(%dma_wait3A_266 : memref<10112x128xf32, #tpu.memory_space<vmem_shared>>)
        tpu.yield
      }) : () -> ()
      %add3A_134 = arith.constant 1 : i32
      %add3A_135 = arith.addi %add3A_47, %add3A_134 : i32
      %lt3A_136 = arith.constant 16 : i32
      %lt3A_137 = arith.cmpi slt, %add3A_135, %lt3A_136 : i32
      %convert_element_type3A_138 = arith.extui %lt3A_137 : i1 to i32
      %cond3A_139 = arith.constant 0 : i32
      %cond3A_140 = arith.cmpi ne, %convert_element_type3A_138, %cond3A_139 : i32
      scf.if %cond3A_140 {
        %dma_start3A_254 = arith.constant 2 : i32
        %dma_start3A_255 = arith.constant 0 : i32
        %dma_start3A_256 = tpu.memref_slice %arg7[%dma_start3A_254, %dma_start3A_255] : memref<12x112xi32, #tpu.memory_space<vmem>> -> memref<1x112xi32, #tpu.memory_space<vmem>>
        %dma_start3A_257 = tpu.memref_squeeze %dma_start3A_256 : memref<1x112xi32, #tpu.memory_space<vmem>> -> memref<112xi32, #tpu.memory_space<vmem>>
        %dma_start3A_258 = arith.constant 0 : i32
        %dma_start3A_259 = arith.constant 0 : i32
        %dma_start3A_260 = tpu.memref_slice %arg2[%dma_start3A_258, %dma_start3A_259] : memref<10000x128xf32, #tpu.memory_space<hbm>> -> memref<10000x128xf32, #tpu.memory_space<hbm>>
        tpu.enqueue_indirect_dma source(%dma_start3A_260 : memref<10000x128xf32, #tpu.memory_space<hbm>>) target(%arg10 : memref<112x128xf32, #tpu.memory_space<vmem>>) offsets(%dma_start3A_257 : memref<112xi32, #tpu.memory_space<vmem>>) semaphore(%arg16 : memref<!tpu.dma_semaphore, #tpu.memory_space<semaphore_mem>>)
      } else {
      }
      %add3A_141 = arith.constant 2 : i32
      %add3A_142 = arith.addi %add3A_47, %add3A_141 : i32
      %lt3A_143 = arith.constant 16 : i32
      %lt3A_144 = arith.cmpi slt, %add3A_142, %lt3A_143 : i32
      %convert_element_type3A_145 = arith.extui %lt3A_144 : i1 to i32
      %cond3A_146 = arith.constant 0 : i32
      %cond3A_147 = arith.cmpi ne, %convert_element_type3A_145, %cond3A_146 : i32
      scf.if %cond3A_147 {
        %add3A_254 = arith.constant 2 : i32
        %add3A_255 = arith.addi %add3A_47, %add3A_254 : i32
        %dma_start3A_256 = arith.constant 0 : i32
        %dma_start3A_257 = arith.constant 0 : i32
        %dma_start3A_258 = tpu.memref_slice %arg3[%add3A, %add3A_255, %dma_start3A_256, %dma_start3A_257] : memref<32x16x12x112xi32, #tpu.memory_space<hbm>> -> memref<1x1x12x112xi32, #tpu.memory_space<hbm>>
        %dma_start3A_259 = tpu.memref_squeeze %dma_start3A_258 : memref<1x1x12x112xi32, #tpu.memory_space<hbm>> -> memref<12x112xi32, #tpu.memory_space<hbm>>
        %dma_start3A_260 = arith.constant 0 : i32
        %dma_start3A_261 = arith.constant 0 : i32
        %dma_start3A_262 = tpu.memref_slice %arg3[%add3A, %add3A_255, %dma_start3A_260, %dma_start3A_261] : memref<32x16x12x112xi32, #tpu.memory_space<hbm>> -> memref<1x1x12x112xi32, #tpu.memory_space<hbm>>
        %dma_start3A_263 = tpu.memref_squeeze %dma_start3A_262 : memref<1x1x12x112xi32, #tpu.memory_space<hbm>> -> memref<12x112xi32, #tpu.memory_space<hbm>>
        tpu.enqueue_dma source(%dma_start3A_263 : memref<12x112xi32, #tpu.memory_space<hbm>>) target(%arg6 : memref<12x112xi32, #tpu.memory_space<vmem>>) target_semaphore(%arg12 : memref<!tpu.dma_semaphore, #tpu.memory_space<semaphore_mem>>)
      } else {
      }
      %add3A_148 = arith.constant 1 : i32
      %add3A_149 = arith.addi %add3A_45, %add3A_148 : i32
      %dma_wait3A_150 = arith.constant 0 : i32
      %dma_wait3A_151 = arith.constant 0 : i32
      %dma_wait3A_152 = tpu.memref_slice %arg7[%dma_wait3A_150, %dma_wait3A_151] : memref<12x112xi32, #tpu.memory_space<vmem>> -> memref<1x112xi32, #tpu.memory_space<vmem>>
      %dma_wait3A_153 = tpu.memref_squeeze %dma_wait3A_152 : memref<1x112xi32, #tpu.memory_space<vmem>> -> memref<112xi32, #tpu.memory_space<vmem>>
      %dma_wait3A_154 = arith.constant 0 : i32
      %dma_wait3A_155 = arith.constant 0 : i32
      %dma_wait3A_156 = tpu.memref_slice %arg2[%dma_wait3A_154, %dma_wait3A_155] : memref<10000x128xf32, #tpu.memory_space<hbm>> -> memref<10000x128xf32, #tpu.memory_space<hbm>>
      tpu.wait_indirect_dma semaphore(%arg14 : memref<!tpu.dma_semaphore, #tpu.memory_space<semaphore_mem>>) src(%dma_wait3A_156 : memref<10000x128xf32, #tpu.memory_space<hbm>>) dst(%arg8 : memref<112x128xf32, #tpu.memory_space<vmem>>)
      %run_scoped3A_157 = arith.constant 6 : i32
      "tpu.region"() ({
        %run_scoped3A_254 = tpu.sem_alloc : memref<!tpu.dma_semaphore, #tpu.memory_space<semaphore_mem>>
        %dma_start3A_255 = arith.constant 0 : i32
        %dma_start3A_256 = tpu.memref_slice %arg7[%run_scoped3A_157, %dma_start3A_255] : memref<12x112xi32, #tpu.memory_space<vmem>> -> memref<1x112xi32, #tpu.memory_space<vmem>>
        %dma_start3A_257 = tpu.memref_squeeze %dma_start3A_256 : memref<1x112xi32, #tpu.memory_space<vmem>> -> memref<112xi32, #tpu.memory_space<vmem>>
        %dma_start3A_258 = arith.constant 0 : i32
        %dma_start3A_259 = arith.constant 0 : i32
        %dma_start3A_260 = tpu.memref_slice %arg11[%dma_start3A_258, %dma_start3A_259] : memref<10112x128xf32, #tpu.memory_space<vmem_shared>> -> memref<10112x128xf32, #tpu.memory_space<vmem_shared>>
        tpu.enqueue_indirect_dma source(%arg8 : memref<112x128xf32, #tpu.memory_space<vmem>>) target(%dma_start3A_260 : memref<10112x128xf32, #tpu.memory_space<vmem_shared>>) offsets(%dma_start3A_257 : memref<112xi32, #tpu.memory_space<vmem>>) semaphore(%run_scoped3A_254 : memref<!tpu.dma_semaphore, #tpu.memory_space<semaphore_mem>>) {add = true}
        %dma_wait3A_261 = arith.constant 0 : i32
        %dma_wait3A_262 = tpu.memref_slice %arg7[%run_scoped3A_157, %dma_wait3A_261] : memref<12x112xi32, #tpu.memory_space<vmem>> -> memref<1x112xi32, #tpu.memory_space<vmem>>
        %dma_wait3A_263 = tpu.memref_squeeze %dma_wait3A_262 : memref<1x112xi32, #tpu.memory_space<vmem>> -> memref<112xi32, #tpu.memory_space<vmem>>
        %dma_wait3A_264 = arith.constant 0 : i32
        %dma_wait3A_265 = arith.constant 0 : i32
        %dma_wait3A_266 = tpu.memref_slice %arg11[%dma_wait3A_264, %dma_wait3A_265] : memref<10112x128xf32, #tpu.memory_space<vmem_shared>> -> memref<10112x128xf32, #tpu.memory_space<vmem_shared>>
        tpu.wait_indirect_dma semaphore(%run_scoped3A_254 : memref<!tpu.dma_semaphore, #tpu.memory_space<semaphore_mem>>) src(%arg8 : memref<112x128xf32, #tpu.memory_space<vmem>>) dst(%dma_wait3A_266 : memref<10112x128xf32, #tpu.memory_space<vmem_shared>>)
        tpu.yield
      }) : () -> ()
      %dma_start3A_158 = arith.constant 3 : i32
      %dma_start3A_159 = arith.constant 0 : i32
      %dma_start3A_160 = tpu.memref_slice %arg7[%dma_start3A_158, %dma_start3A_159] : memref<12x112xi32, #tpu.memory_space<vmem>> -> memref<1x112xi32, #tpu.memory_space<vmem>>
      %dma_start3A_161 = tpu.memref_squeeze %dma_start3A_160 : memref<1x112xi32, #tpu.memory_space<vmem>> -> memref<112xi32, #tpu.memory_space<vmem>>
      %dma_start3A_162 = arith.constant 0 : i32
      %dma_start3A_163 = arith.constant 0 : i32
      %dma_start3A_164 = tpu.memref_slice %arg2[%dma_start3A_162, %dma_start3A_163] : memref<10000x128xf32, #tpu.memory_space<hbm>> -> memref<10000x128xf32, #tpu.memory_space<hbm>>
      tpu.enqueue_indirect_dma source(%dma_start3A_164 : memref<10000x128xf32, #tpu.memory_space<hbm>>) target(%arg8 : memref<112x128xf32, #tpu.memory_space<vmem>>) offsets(%dma_start3A_161 : memref<112xi32, #tpu.memory_space<vmem>>) semaphore(%arg14 : memref<!tpu.dma_semaphore, #tpu.memory_space<semaphore_mem>>)
      %dma_wait3A_165 = arith.constant 1 : i32
      %dma_wait3A_166 = arith.constant 0 : i32
      %dma_wait3A_167 = tpu.memref_slice %arg7[%dma_wait3A_165, %dma_wait3A_166] : memref<12x112xi32, #tpu.memory_space<vmem>> -> memref<1x112xi32, #tpu.memory_space<vmem>>
      %dma_wait3A_168 = tpu.memref_squeeze %dma_wait3A_167 : memref<1x112xi32, #tpu.memory_space<vmem>> -> memref<112xi32, #tpu.memory_space<vmem>>
      %dma_wait3A_169 = arith.constant 0 : i32
      %dma_wait3A_170 = arith.constant 0 : i32
      %dma_wait3A_171 = tpu.memref_slice %arg2[%dma_wait3A_169, %dma_wait3A_170] : memref<10000x128xf32, #tpu.memory_space<hbm>> -> memref<10000x128xf32, #tpu.memory_space<hbm>>
      tpu.wait_indirect_dma semaphore(%arg15 : memref<!tpu.dma_semaphore, #tpu.memory_space<semaphore_mem>>) src(%dma_wait3A_171 : memref<10000x128xf32, #tpu.memory_space<hbm>>) dst(%arg9 : memref<112x128xf32, #tpu.memory_space<vmem>>)
      %run_scoped3A_172 = arith.constant 7 : i32
      "tpu.region"() ({
        %run_scoped3A_254 = tpu.sem_alloc : memref<!tpu.dma_semaphore, #tpu.memory_space<semaphore_mem>>
        %dma_start3A_255 = arith.constant 0 : i32
        %dma_start3A_256 = tpu.memref_slice %arg7[%run_scoped3A_172, %dma_start3A_255] : memref<12x112xi32, #tpu.memory_space<vmem>> -> memref<1x112xi32, #tpu.memory_space<vmem>>
        %dma_start3A_257 = tpu.memref_squeeze %dma_start3A_256 : memref<1x112xi32, #tpu.memory_space<vmem>> -> memref<112xi32, #tpu.memory_space<vmem>>
        %dma_start3A_258 = arith.constant 0 : i32
        %dma_start3A_259 = arith.constant 0 : i32
        %dma_start3A_260 = tpu.memref_slice %arg11[%dma_start3A_258, %dma_start3A_259] : memref<10112x128xf32, #tpu.memory_space<vmem_shared>> -> memref<10112x128xf32, #tpu.memory_space<vmem_shared>>
        tpu.enqueue_indirect_dma source(%arg9 : memref<112x128xf32, #tpu.memory_space<vmem>>) target(%dma_start3A_260 : memref<10112x128xf32, #tpu.memory_space<vmem_shared>>) offsets(%dma_start3A_257 : memref<112xi32, #tpu.memory_space<vmem>>) semaphore(%run_scoped3A_254 : memref<!tpu.dma_semaphore, #tpu.memory_space<semaphore_mem>>) {add = true}
        %dma_wait3A_261 = arith.constant 0 : i32
        %dma_wait3A_262 = tpu.memref_slice %arg7[%run_scoped3A_172, %dma_wait3A_261] : memref<12x112xi32, #tpu.memory_space<vmem>> -> memref<1x112xi32, #tpu.memory_space<vmem>>
        %dma_wait3A_263 = tpu.memref_squeeze %dma_wait3A_262 : memref<1x112xi32, #tpu.memory_space<vmem>> -> memref<112xi32, #tpu.memory_space<vmem>>
        %dma_wait3A_264 = arith.constant 0 : i32
        %dma_wait3A_265 = arith.constant 0 : i32
        %dma_wait3A_266 = tpu.memref_slice %arg11[%dma_wait3A_264, %dma_wait3A_265] : memref<10112x128xf32, #tpu.memory_space<vmem_shared>> -> memref<10112x128xf32, #tpu.memory_space<vmem_shared>>
        tpu.wait_indirect_dma semaphore(%run_scoped3A_254 : memref<!tpu.dma_semaphore, #tpu.memory_space<semaphore_mem>>) src(%arg9 : memref<112x128xf32, #tpu.memory_space<vmem>>) dst(%dma_wait3A_266 : memref<10112x128xf32, #tpu.memory_space<vmem_shared>>)
        tpu.yield
      }) : () -> ()
      %dma_start3A_173 = arith.constant 4 : i32
      %dma_start3A_174 = arith.constant 0 : i32
      %dma_start3A_175 = tpu.memref_slice %arg7[%dma_start3A_173, %dma_start3A_174] : memref<12x112xi32, #tpu.memory_space<vmem>> -> memref<1x112xi32, #tpu.memory_space<vmem>>
      %dma_start3A_176 = tpu.memref_squeeze %dma_start3A_175 : memref<1x112xi32, #tpu.memory_space<vmem>> -> memref<112xi32, #tpu.memory_space<vmem>>
      %dma_start3A_177 = arith.constant 0 : i32
      %dma_start3A_178 = arith.constant 0 : i32
      %dma_start3A_179 = tpu.memref_slice %arg2[%dma_start3A_177, %dma_start3A_178] : memref<10000x128xf32, #tpu.memory_space<hbm>> -> memref<10000x128xf32, #tpu.memory_space<hbm>>
      tpu.enqueue_indirect_dma source(%dma_start3A_179 : memref<10000x128xf32, #tpu.memory_space<hbm>>) target(%arg9 : memref<112x128xf32, #tpu.memory_space<vmem>>) offsets(%dma_start3A_176 : memref<112xi32, #tpu.memory_space<vmem>>) semaphore(%arg15 : memref<!tpu.dma_semaphore, #tpu.memory_space<semaphore_mem>>)
      %dma_wait3A_180 = arith.constant 2 : i32
      %dma_wait3A_181 = arith.constant 0 : i32
      %dma_wait3A_182 = tpu.memref_slice %arg7[%dma_wait3A_180, %dma_wait3A_181] : memref<12x112xi32, #tpu.memory_space<vmem>> -> memref<1x112xi32, #tpu.memory_space<vmem>>
      %dma_wait3A_183 = tpu.memref_squeeze %dma_wait3A_182 : memref<1x112xi32, #tpu.memory_space<vmem>> -> memref<112xi32, #tpu.memory_space<vmem>>
      %dma_wait3A_184 = arith.constant 0 : i32
      %dma_wait3A_185 = arith.constant 0 : i32
      %dma_wait3A_186 = tpu.memref_slice %arg2[%dma_wait3A_184, %dma_wait3A_185] : memref<10000x128xf32, #tpu.memory_space<hbm>> -> memref<10000x128xf32, #tpu.memory_space<hbm>>
      tpu.wait_indirect_dma semaphore(%arg16 : memref<!tpu.dma_semaphore, #tpu.memory_space<semaphore_mem>>) src(%dma_wait3A_186 : memref<10000x128xf32, #tpu.memory_space<hbm>>) dst(%arg10 : memref<112x128xf32, #tpu.memory_space<vmem>>)
      %run_scoped3A_187 = arith.constant 8 : i32
      "tpu.region"() ({
        %run_scoped3A_254 = tpu.sem_alloc : memref<!tpu.dma_semaphore, #tpu.memory_space<semaphore_mem>>
        %dma_start3A_255 = arith.constant 0 : i32
        %dma_start3A_256 = tpu.memref_slice %arg7[%run_scoped3A_187, %dma_start3A_255] : memref<12x112xi32, #tpu.memory_space<vmem>> -> memref<1x112xi32, #tpu.memory_space<vmem>>
        %dma_start3A_257 = tpu.memref_squeeze %dma_start3A_256 : memref<1x112xi32, #tpu.memory_space<vmem>> -> memref<112xi32, #tpu.memory_space<vmem>>
        %dma_start3A_258 = arith.constant 0 : i32
        %dma_start3A_259 = arith.constant 0 : i32
        %dma_start3A_260 = tpu.memref_slice %arg11[%dma_start3A_258, %dma_start3A_259] : memref<10112x128xf32, #tpu.memory_space<vmem_shared>> -> memref<10112x128xf32, #tpu.memory_space<vmem_shared>>
        tpu.enqueue_indirect_dma source(%arg10 : memref<112x128xf32, #tpu.memory_space<vmem>>) target(%dma_start3A_260 : memref<10112x128xf32, #tpu.memory_space<vmem_shared>>) offsets(%dma_start3A_257 : memref<112xi32, #tpu.memory_space<vmem>>) semaphore(%run_scoped3A_254 : memref<!tpu.dma_semaphore, #tpu.memory_space<semaphore_mem>>) {add = true}
        %dma_wait3A_261 = arith.constant 0 : i32
        %dma_wait3A_262 = tpu.memref_slice %arg7[%run_scoped3A_187, %dma_wait3A_261] : memref<12x112xi32, #tpu.memory_space<vmem>> -> memref<1x112xi32, #tpu.memory_space<vmem>>
        %dma_wait3A_263 = tpu.memref_squeeze %dma_wait3A_262 : memref<1x112xi32, #tpu.memory_space<vmem>> -> memref<112xi32, #tpu.memory_space<vmem>>
        %dma_wait3A_264 = arith.constant 0 : i32
        %dma_wait3A_265 = arith.constant 0 : i32
        %dma_wait3A_266 = tpu.memref_slice %arg11[%dma_wait3A_264, %dma_wait3A_265] : memref<10112x128xf32, #tpu.memory_space<vmem_shared>> -> memref<10112x128xf32, #tpu.memory_space<vmem_shared>>
        tpu.wait_indirect_dma semaphore(%run_scoped3A_254 : memref<!tpu.dma_semaphore, #tpu.memory_space<semaphore_mem>>) src(%arg10 : memref<112x128xf32, #tpu.memory_space<vmem>>) dst(%dma_wait3A_266 : memref<10112x128xf32, #tpu.memory_space<vmem_shared>>)
        tpu.yield
      }) : () -> ()
      %dma_start3A_188 = arith.constant 5 : i32
      %dma_start3A_189 = arith.constant 0 : i32
      %dma_start3A_190 = tpu.memref_slice %arg7[%dma_start3A_188, %dma_start3A_189] : memref<12x112xi32, #tpu.memory_space<vmem>> -> memref<1x112xi32, #tpu.memory_space<vmem>>
      %dma_start3A_191 = tpu.memref_squeeze %dma_start3A_190 : memref<1x112xi32, #tpu.memory_space<vmem>> -> memref<112xi32, #tpu.memory_space<vmem>>
      %dma_start3A_192 = arith.constant 0 : i32
      %dma_start3A_193 = arith.constant 0 : i32
      %dma_start3A_194 = tpu.memref_slice %arg2[%dma_start3A_192, %dma_start3A_193] : memref<10000x128xf32, #tpu.memory_space<hbm>> -> memref<10000x128xf32, #tpu.memory_space<hbm>>
      tpu.enqueue_indirect_dma source(%dma_start3A_194 : memref<10000x128xf32, #tpu.memory_space<hbm>>) target(%arg10 : memref<112x128xf32, #tpu.memory_space<vmem>>) offsets(%dma_start3A_191 : memref<112xi32, #tpu.memory_space<vmem>>) semaphore(%arg16 : memref<!tpu.dma_semaphore, #tpu.memory_space<semaphore_mem>>)
      %dma_wait3A_195 = arith.constant 3 : i32
      %dma_wait3A_196 = arith.constant 0 : i32
      %dma_wait3A_197 = tpu.memref_slice %arg7[%dma_wait3A_195, %dma_wait3A_196] : memref<12x112xi32, #tpu.memory_space<vmem>> -> memref<1x112xi32, #tpu.memory_space<vmem>>
      %dma_wait3A_198 = tpu.memref_squeeze %dma_wait3A_197 : memref<1x112xi32, #tpu.memory_space<vmem>> -> memref<112xi32, #tpu.memory_space<vmem>>
      %dma_wait3A_199 = arith.constant 0 : i32
      %dma_wait3A_200 = arith.constant 0 : i32
      %dma_wait3A_201 = tpu.memref_slice %arg2[%dma_wait3A_199, %dma_wait3A_200] : memref<10000x128xf32, #tpu.memory_space<hbm>> -> memref<10000x128xf32, #tpu.memory_space<hbm>>
      tpu.wait_indirect_dma semaphore(%arg14 : memref<!tpu.dma_semaphore, #tpu.memory_space<semaphore_mem>>) src(%dma_wait3A_201 : memref<10000x128xf32, #tpu.memory_space<hbm>>) dst(%arg8 : memref<112x128xf32, #tpu.memory_space<vmem>>)
      %run_scoped3A_202 = arith.constant 9 : i32
      "tpu.region"() ({
        %run_scoped3A_254 = tpu.sem_alloc : memref<!tpu.dma_semaphore, #tpu.memory_space<semaphore_mem>>
        %dma_start3A_255 = arith.constant 0 : i32
        %dma_start3A_256 = tpu.memref_slice %arg7[%run_scoped3A_202, %dma_start3A_255] : memref<12x112xi32, #tpu.memory_space<vmem>> -> memref<1x112xi32, #tpu.memory_space<vmem>>
        %dma_start3A_257 = tpu.memref_squeeze %dma_start3A_256 : memref<1x112xi32, #tpu.memory_space<vmem>> -> memref<112xi32, #tpu.memory_space<vmem>>
        %dma_start3A_258 = arith.constant 0 : i32
        %dma_start3A_259 = arith.constant 0 : i32
        %dma_start3A_260 = tpu.memref_slice %arg11[%dma_start3A_258, %dma_start3A_259] : memref<10112x128xf32, #tpu.memory_space<vmem_shared>> -> memref<10112x128xf32, #tpu.memory_space<vmem_shared>>
        tpu.enqueue_indirect_dma source(%arg8 : memref<112x128xf32, #tpu.memory_space<vmem>>) target(%dma_start3A_260 : memref<10112x128xf32, #tpu.memory_space<vmem_shared>>) offsets(%dma_start3A_257 : memref<112xi32, #tpu.memory_space<vmem>>) semaphore(%run_scoped3A_254 : memref<!tpu.dma_semaphore, #tpu.memory_space<semaphore_mem>>) {add = true}
        %dma_wait3A_261 = arith.constant 0 : i32
        %dma_wait3A_262 = tpu.memref_slice %arg7[%run_scoped3A_202, %dma_wait3A_261] : memref<12x112xi32, #tpu.memory_space<vmem>> -> memref<1x112xi32, #tpu.memory_space<vmem>>
        %dma_wait3A_263 = tpu.memref_squeeze %dma_wait3A_262 : memref<1x112xi32, #tpu.memory_space<vmem>> -> memref<112xi32, #tpu.memory_space<vmem>>
        %dma_wait3A_264 = arith.constant 0 : i32
        %dma_wait3A_265 = arith.constant 0 : i32
        %dma_wait3A_266 = tpu.memref_slice %arg11[%dma_wait3A_264, %dma_wait3A_265] : memref<10112x128xf32, #tpu.memory_space<vmem_shared>> -> memref<10112x128xf32, #tpu.memory_space<vmem_shared>>
        tpu.wait_indirect_dma semaphore(%run_scoped3A_254 : memref<!tpu.dma_semaphore, #tpu.memory_space<semaphore_mem>>) src(%arg8 : memref<112x128xf32, #tpu.memory_space<vmem>>) dst(%dma_wait3A_266 : memref<10112x128xf32, #tpu.memory_space<vmem_shared>>)
        tpu.yield
      }) : () -> ()
      %add3A_203 = arith.constant 1 : i32
      %add3A_204 = arith.addi %add3A_149, %add3A_203 : i32
      %lt3A_205 = arith.constant 16 : i32
      %lt3A_206 = arith.cmpi slt, %add3A_204, %lt3A_205 : i32
      %convert_element_type3A_207 = arith.extui %lt3A_206 : i1 to i32
      %cond3A_208 = arith.constant 0 : i32
      %cond3A_209 = arith.cmpi ne, %convert_element_type3A_207, %cond3A_208 : i32
      scf.if %cond3A_209 {
        %add3A_254 = arith.constant 1 : i32
        %add3A_255 = arith.addi %add3A_149, %add3A_254 : i32
        %dma_wait3A_256 = arith.constant 0 : i32
        %dma_wait3A_257 = arith.constant 0 : i32
        %dma_wait3A_258 = tpu.memref_slice %arg3[%add3A, %add3A_255, %dma_wait3A_256, %dma_wait3A_257] : memref<32x16x12x112xi32, #tpu.memory_space<hbm>> -> memref<1x1x12x112xi32, #tpu.memory_space<hbm>>
        %dma_wait3A_259 = tpu.memref_squeeze %dma_wait3A_258 : memref<1x1x12x112xi32, #tpu.memory_space<hbm>> -> memref<12x112xi32, #tpu.memory_space<hbm>>
        %dma_wait3A_260 = arith.constant 0 : i32
        %dma_wait3A_261 = arith.constant 0 : i32
        %dma_wait3A_262 = tpu.memref_slice %arg3[%add3A, %add3A_255, %dma_wait3A_260, %dma_wait3A_261] : memref<32x16x12x112xi32, #tpu.memory_space<hbm>> -> memref<1x1x12x112xi32, #tpu.memory_space<hbm>>
        %dma_wait3A_263 = tpu.memref_squeeze %dma_wait3A_262 : memref<1x1x12x112xi32, #tpu.memory_space<hbm>> -> memref<12x112xi32, #tpu.memory_space<hbm>>
        tpu.wait_dma2 semaphore(%arg12 : memref<!tpu.dma_semaphore, #tpu.memory_space<semaphore_mem>>) src(%dma_wait3A_263 : memref<12x112xi32, #tpu.memory_space<hbm>>) dst(%arg6 : memref<12x112xi32, #tpu.memory_space<vmem>>)
      } else {
      }
      %add3A_210 = arith.constant 1 : i32
      %add3A_211 = arith.addi %add3A_149, %add3A_210 : i32
      %lt3A_212 = arith.constant 16 : i32
      %lt3A_213 = arith.cmpi slt, %add3A_211, %lt3A_212 : i32
      %convert_element_type3A_214 = arith.extui %lt3A_213 : i1 to i32
      %cond3A_215 = arith.constant 0 : i32
      %cond3A_216 = arith.cmpi ne, %convert_element_type3A_214, %cond3A_215 : i32
      scf.if %cond3A_216 {
        %dma_start3A_254 = arith.constant 0 : i32
        %dma_start3A_255 = arith.constant 0 : i32
        %dma_start3A_256 = tpu.memref_slice %arg6[%dma_start3A_254, %dma_start3A_255] : memref<12x112xi32, #tpu.memory_space<vmem>> -> memref<1x112xi32, #tpu.memory_space<vmem>>
        %dma_start3A_257 = tpu.memref_squeeze %dma_start3A_256 : memref<1x112xi32, #tpu.memory_space<vmem>> -> memref<112xi32, #tpu.memory_space<vmem>>
        %dma_start3A_258 = arith.constant 0 : i32
        %dma_start3A_259 = arith.constant 0 : i32
        %dma_start3A_260 = tpu.memref_slice %arg2[%dma_start3A_258, %dma_start3A_259] : memref<10000x128xf32, #tpu.memory_space<hbm>> -> memref<10000x128xf32, #tpu.memory_space<hbm>>
        tpu.enqueue_indirect_dma source(%dma_start3A_260 : memref<10000x128xf32, #tpu.memory_space<hbm>>) target(%arg8 : memref<112x128xf32, #tpu.memory_space<vmem>>) offsets(%dma_start3A_257 : memref<112xi32, #tpu.memory_space<vmem>>) semaphore(%arg14 : memref<!tpu.dma_semaphore, #tpu.memory_space<semaphore_mem>>)
      } else {
      }
      %dma_wait3A_217 = arith.constant 4 : i32
      %dma_wait3A_218 = arith.constant 0 : i32
      %dma_wait3A_219 = tpu.memref_slice %arg7[%dma_wait3A_217, %dma_wait3A_218] : memref<12x112xi32, #tpu.memory_space<vmem>> -> memref<1x112xi32, #tpu.memory_space<vmem>>
      %dma_wait3A_220 = tpu.memref_squeeze %dma_wait3A_219 : memref<1x112xi32, #tpu.memory_space<vmem>> -> memref<112xi32, #tpu.memory_space<vmem>>
      %dma_wait3A_221 = arith.constant 0 : i32
      %dma_wait3A_222 = arith.constant 0 : i32
      %dma_wait3A_223 = tpu.memref_slice %arg2[%dma_wait3A_221, %dma_wait3A_222] : memref<10000x128xf32, #tpu.memory_space<hbm>> -> memref<10000x128xf32, #tpu.memory_space<hbm>>
      tpu.wait_indirect_dma semaphore(%arg15 : memref<!tpu.dma_semaphore, #tpu.memory_space<semaphore_mem>>) src(%dma_wait3A_223 : memref<10000x128xf32, #tpu.memory_space<hbm>>) dst(%arg9 : memref<112x128xf32, #tpu.memory_space<vmem>>)
      %run_scoped3A_224 = arith.constant 10 : i32
      "tpu.region"() ({
        %run_scoped3A_254 = tpu.sem_alloc : memref<!tpu.dma_semaphore, #tpu.memory_space<semaphore_mem>>
        %dma_start3A_255 = arith.constant 0 : i32
        %dma_start3A_256 = tpu.memref_slice %arg7[%run_scoped3A_224, %dma_start3A_255] : memref<12x112xi32, #tpu.memory_space<vmem>> -> memref<1x112xi32, #tpu.memory_space<vmem>>
        %dma_start3A_257 = tpu.memref_squeeze %dma_start3A_256 : memref<1x112xi32, #tpu.memory_space<vmem>> -> memref<112xi32, #tpu.memory_space<vmem>>
        %dma_start3A_258 = arith.constant 0 : i32
        %dma_start3A_259 = arith.constant 0 : i32
        %dma_start3A_260 = tpu.memref_slice %arg11[%dma_start3A_258, %dma_start3A_259] : memref<10112x128xf32, #tpu.memory_space<vmem_shared>> -> memref<10112x128xf32, #tpu.memory_space<vmem_shared>>
        tpu.enqueue_indirect_dma source(%arg9 : memref<112x128xf32, #tpu.memory_space<vmem>>) target(%dma_start3A_260 : memref<10112x128xf32, #tpu.memory_space<vmem_shared>>) offsets(%dma_start3A_257 : memref<112xi32, #tpu.memory_space<vmem>>) semaphore(%run_scoped3A_254 : memref<!tpu.dma_semaphore, #tpu.memory_space<semaphore_mem>>) {add = true}
        %dma_wait3A_261 = arith.constant 0 : i32
        %dma_wait3A_262 = tpu.memref_slice %arg7[%run_scoped3A_224, %dma_wait3A_261] : memref<12x112xi32, #tpu.memory_space<vmem>> -> memref<1x112xi32, #tpu.memory_space<vmem>>
        %dma_wait3A_263 = tpu.memref_squeeze %dma_wait3A_262 : memref<1x112xi32, #tpu.memory_space<vmem>> -> memref<112xi32, #tpu.memory_space<vmem>>
        %dma_wait3A_264 = arith.constant 0 : i32
        %dma_wait3A_265 = arith.constant 0 : i32
        %dma_wait3A_266 = tpu.memref_slice %arg11[%dma_wait3A_264, %dma_wait3A_265] : memref<10112x128xf32, #tpu.memory_space<vmem_shared>> -> memref<10112x128xf32, #tpu.memory_space<vmem_shared>>
        tpu.wait_indirect_dma semaphore(%run_scoped3A_254 : memref<!tpu.dma_semaphore, #tpu.memory_space<semaphore_mem>>) src(%arg9 : memref<112x128xf32, #tpu.memory_space<vmem>>) dst(%dma_wait3A_266 : memref<10112x128xf32, #tpu.memory_space<vmem_shared>>)
        tpu.yield
      }) : () -> ()
      %add3A_225 = arith.constant 1 : i32
      %add3A_226 = arith.addi %add3A_149, %add3A_225 : i32
      %lt3A_227 = arith.constant 16 : i32
      %lt3A_228 = arith.cmpi slt, %add3A_226, %lt3A_227 : i32
      %convert_element_type3A_229 = arith.extui %lt3A_228 : i1 to i32
      %cond3A_230 = arith.constant 0 : i32
      %cond3A_231 = arith.cmpi ne, %convert_element_type3A_229, %cond3A_230 : i32
      scf.if %cond3A_231 {
        %dma_start3A_254 = arith.constant 1 : i32
        %dma_start3A_255 = arith.constant 0 : i32
        %dma_start3A_256 = tpu.memref_slice %arg6[%dma_start3A_254, %dma_start3A_255] : memref<12x112xi32, #tpu.memory_space<vmem>> -> memref<1x112xi32, #tpu.memory_space<vmem>>
        %dma_start3A_257 = tpu.memref_squeeze %dma_start3A_256 : memref<1x112xi32, #tpu.memory_space<vmem>> -> memref<112xi32, #tpu.memory_space<vmem>>
        %dma_start3A_258 = arith.constant 0 : i32
        %dma_start3A_259 = arith.constant 0 : i32
        %dma_start3A_260 = tpu.memref_slice %arg2[%dma_start3A_258, %dma_start3A_259] : memref<10000x128xf32, #tpu.memory_space<hbm>> -> memref<10000x128xf32, #tpu.memory_space<hbm>>
        tpu.enqueue_indirect_dma source(%dma_start3A_260 : memref<10000x128xf32, #tpu.memory_space<hbm>>) target(%arg9 : memref<112x128xf32, #tpu.memory_space<vmem>>) offsets(%dma_start3A_257 : memref<112xi32, #tpu.memory_space<vmem>>) semaphore(%arg15 : memref<!tpu.dma_semaphore, #tpu.memory_space<semaphore_mem>>)
      } else {
      }
      %dma_wait3A_232 = arith.constant 5 : i32
      %dma_wait3A_233 = arith.constant 0 : i32
      %dma_wait3A_234 = tpu.memref_slice %arg7[%dma_wait3A_232, %dma_wait3A_233] : memref<12x112xi32, #tpu.memory_space<vmem>> -> memref<1x112xi32, #tpu.memory_space<vmem>>
      %dma_wait3A_235 = tpu.memref_squeeze %dma_wait3A_234 : memref<1x112xi32, #tpu.memory_space<vmem>> -> memref<112xi32, #tpu.memory_space<vmem>>
      %dma_wait3A_236 = arith.constant 0 : i32
      %dma_wait3A_237 = arith.constant 0 : i32
      %dma_wait3A_238 = tpu.memref_slice %arg2[%dma_wait3A_236, %dma_wait3A_237] : memref<10000x128xf32, #tpu.memory_space<hbm>> -> memref<10000x128xf32, #tpu.memory_space<hbm>>
      tpu.wait_indirect_dma semaphore(%arg16 : memref<!tpu.dma_semaphore, #tpu.memory_space<semaphore_mem>>) src(%dma_wait3A_238 : memref<10000x128xf32, #tpu.memory_space<hbm>>) dst(%arg10 : memref<112x128xf32, #tpu.memory_space<vmem>>)
      %run_scoped3A_239 = arith.constant 11 : i32
      "tpu.region"() ({
        %run_scoped3A_254 = tpu.sem_alloc : memref<!tpu.dma_semaphore, #tpu.memory_space<semaphore_mem>>
        %dma_start3A_255 = arith.constant 0 : i32
        %dma_start3A_256 = tpu.memref_slice %arg7[%run_scoped3A_239, %dma_start3A_255] : memref<12x112xi32, #tpu.memory_space<vmem>> -> memref<1x112xi32, #tpu.memory_space<vmem>>
        %dma_start3A_257 = tpu.memref_squeeze %dma_start3A_256 : memref<1x112xi32, #tpu.memory_space<vmem>> -> memref<112xi32, #tpu.memory_space<vmem>>
        %dma_start3A_258 = arith.constant 0 : i32
        %dma_start3A_259 = arith.constant 0 : i32
        %dma_start3A_260 = tpu.memref_slice %arg11[%dma_start3A_258, %dma_start3A_259] : memref<10112x128xf32, #tpu.memory_space<vmem_shared>> -> memref<10112x128xf32, #tpu.memory_space<vmem_shared>>
        tpu.enqueue_indirect_dma source(%arg10 : memref<112x128xf32, #tpu.memory_space<vmem>>) target(%dma_start3A_260 : memref<10112x128xf32, #tpu.memory_space<vmem_shared>>) offsets(%dma_start3A_257 : memref<112xi32, #tpu.memory_space<vmem>>) semaphore(%run_scoped3A_254 : memref<!tpu.dma_semaphore, #tpu.memory_space<semaphore_mem>>) {add = true}
        %dma_wait3A_261 = arith.constant 0 : i32
        %dma_wait3A_262 = tpu.memref_slice %arg7[%run_scoped3A_239, %dma_wait3A_261] : memref<12x112xi32, #tpu.memory_space<vmem>> -> memref<1x112xi32, #tpu.memory_space<vmem>>
        %dma_wait3A_263 = tpu.memref_squeeze %dma_wait3A_262 : memref<1x112xi32, #tpu.memory_space<vmem>> -> memref<112xi32, #tpu.memory_space<vmem>>
        %dma_wait3A_264 = arith.constant 0 : i32
        %dma_wait3A_265 = arith.constant 0 : i32
        %dma_wait3A_266 = tpu.memref_slice %arg11[%dma_wait3A_264, %dma_wait3A_265] : memref<10112x128xf32, #tpu.memory_space<vmem_shared>> -> memref<10112x128xf32, #tpu.memory_space<vmem_shared>>
        tpu.wait_indirect_dma semaphore(%run_scoped3A_254 : memref<!tpu.dma_semaphore, #tpu.memory_space<semaphore_mem>>) src(%arg10 : memref<112x128xf32, #tpu.memory_space<vmem>>) dst(%dma_wait3A_266 : memref<10112x128xf32, #tpu.memory_space<vmem_shared>>)
        tpu.yield
      }) : () -> ()
      %add3A_240 = arith.constant 1 : i32
      %add3A_241 = arith.addi %add3A_149, %add3A_240 : i32
      %lt3A_242 = arith.constant 16 : i32
      %lt3A_243 = arith.cmpi slt, %add3A_241, %lt3A_242 : i32
      %convert_element_type3A_244 = arith.extui %lt3A_243 : i1 to i32
      %cond3A_245 = arith.constant 0 : i32
      %cond3A_246 = arith.cmpi ne, %convert_element_type3A_244, %cond3A_245 : i32
      scf.if %cond3A_246 {
        %dma_start3A_254 = arith.constant 2 : i32
        %dma_start3A_255 = arith.constant 0 : i32
        %dma_start3A_256 = tpu.memref_slice %arg6[%dma_start3A_254, %dma_start3A_255] : memref<12x112xi32, #tpu.memory_space<vmem>> -> memref<1x112xi32, #tpu.memory_space<vmem>>
        %dma_start3A_257 = tpu.memref_squeeze %dma_start3A_256 : memref<1x112xi32, #tpu.memory_space<vmem>> -> memref<112xi32, #tpu.memory_space<vmem>>
        %dma_start3A_258 = arith.constant 0 : i32
        %dma_start3A_259 = arith.constant 0 : i32
        %dma_start3A_260 = tpu.memref_slice %arg2[%dma_start3A_258, %dma_start3A_259] : memref<10000x128xf32, #tpu.memory_space<hbm>> -> memref<10000x128xf32, #tpu.memory_space<hbm>>
        tpu.enqueue_indirect_dma source(%dma_start3A_260 : memref<10000x128xf32, #tpu.memory_space<hbm>>) target(%arg10 : memref<112x128xf32, #tpu.memory_space<vmem>>) offsets(%dma_start3A_257 : memref<112xi32, #tpu.memory_space<vmem>>) semaphore(%arg16 : memref<!tpu.dma_semaphore, #tpu.memory_space<semaphore_mem>>)
      } else {
      }
      %add3A_247 = arith.constant 2 : i32
      %add3A_248 = arith.addi %add3A_149, %add3A_247 : i32
      %lt3A_249 = arith.constant 16 : i32
      %lt3A_250 = arith.cmpi slt, %add3A_248, %lt3A_249 : i32
      %convert_element_type3A_251 = arith.extui %lt3A_250 : i1 to i32
      %cond3A_252 = arith.constant 0 : i32
      %cond3A_253 = arith.cmpi ne, %convert_element_type3A_251, %cond3A_252 : i32
      scf.if %cond3A_253 {
        %add3A_254 = arith.constant 2 : i32
        %add3A_255 = arith.addi %add3A_149, %add3A_254 : i32
        %dma_start3A_256 = arith.constant 0 : i32
        %dma_start3A_257 = arith.constant 0 : i32
        %dma_start3A_258 = tpu.memref_slice %arg3[%add3A, %add3A_255, %dma_start3A_256, %dma_start3A_257] : memref<32x16x12x112xi32, #tpu.memory_space<hbm>> -> memref<1x1x12x112xi32, #tpu.memory_space<hbm>>
        %dma_start3A_259 = tpu.memref_squeeze %dma_start3A_258 : memref<1x1x12x112xi32, #tpu.memory_space<hbm>> -> memref<12x112xi32, #tpu.memory_space<hbm>>
        %dma_start3A_260 = arith.constant 0 : i32
        %dma_start3A_261 = arith.constant 0 : i32
        %dma_start3A_262 = tpu.memref_slice %arg3[%add3A, %add3A_255, %dma_start3A_260, %dma_start3A_261] : memref<32x16x12x112xi32, #tpu.memory_space<hbm>> -> memref<1x1x12x112xi32, #tpu.memory_space<hbm>>
        %dma_start3A_263 = tpu.memref_squeeze %dma_start3A_262 : memref<1x1x12x112xi32, #tpu.memory_space<hbm>> -> memref<12x112xi32, #tpu.memory_space<hbm>>
        tpu.enqueue_dma source(%dma_start3A_263 : memref<12x112xi32, #tpu.memory_space<hbm>>) target(%arg7 : memref<12x112xi32, #tpu.memory_space<vmem>>) target_semaphore(%arg13 : memref<!tpu.dma_semaphore, #tpu.memory_space<semaphore_mem>>)
      } else {
      }
    }
    %scan3A_35 = arith.constant 8 : i32
    %barrier3A_36 = arith.constant 0 : index
    tpu.barrier barrier_id(%barrier3A_36)
    %mul3A_37 = arith.constant 632 : i32
    %mul3A_38 = arith.muli %arg1, %mul3A_37 : i32
    %mul3A_39 = arith.constant 632 : i32
    %mul3A_40 = arith.muli %arg1, %mul3A_39 : i32
    "tpu.region"() ({
      %run_scoped3A_41 = tpu.sem_alloc : memref<!tpu.dma_semaphore, #tpu.memory_space<semaphore_mem>>
      %dma_start3A_42 = arith.constant 0 : i32
      %dma_start3A_43 = tpu.memref_slice %arg5[%arg0, %mul3A_40, %dma_start3A_42] : memref<2x10112x128xf32, #tpu.memory_space<hbm>> -> memref<1x632x128xf32, #tpu.memory_space<hbm>>
      %dma_start3A_44 = tpu.memref_squeeze %dma_start3A_43 : memref<1x632x128xf32, #tpu.memory_space<hbm>> -> memref<632x128xf32, #tpu.memory_space<hbm>>
      %dma_start3A_45 = arith.constant 0 : i32
      %dma_start3A_46 = tpu.memref_slice %arg11[%mul3A_38, %dma_start3A_45] : memref<10112x128xf32, #tpu.memory_space<vmem_shared>> -> memref<632x128xf32, #tpu.memory_space<vmem_shared>>
      tpu.enqueue_dma source(%dma_start3A_46 : memref<632x128xf32, #tpu.memory_space<vmem_shared>>) target(%dma_start3A_44 : memref<632x128xf32, #tpu.memory_space<hbm>>) target_semaphore(%run_scoped3A_41 : memref<!tpu.dma_semaphore, #tpu.memory_space<semaphore_mem>>)
      %dma_wait3A = arith.constant 0 : i32
      %dma_wait3A_47 = tpu.memref_slice %arg5[%arg0, %mul3A_40, %dma_wait3A] : memref<2x10112x128xf32, #tpu.memory_space<hbm>> -> memref<1x632x128xf32, #tpu.memory_space<hbm>>
      %dma_wait3A_48 = tpu.memref_squeeze %dma_wait3A_47 : memref<1x632x128xf32, #tpu.memory_space<hbm>> -> memref<632x128xf32, #tpu.memory_space<hbm>>
      %dma_wait3A_49 = arith.constant 0 : i32
      %dma_wait3A_50 = tpu.memref_slice %arg11[%mul3A_38, %dma_wait3A_49] : memref<10112x128xf32, #tpu.memory_space<vmem_shared>> -> memref<632x128xf32, #tpu.memory_space<vmem_shared>>
      tpu.wait_dma2 semaphore(%run_scoped3A_41 : memref<!tpu.dma_semaphore, #tpu.memory_space<semaphore_mem>>) src(%dma_wait3A_50 : memref<632x128xf32, #tpu.memory_space<vmem_shared>>) dst(%dma_wait3A_48 : memref<632x128xf32, #tpu.memory_space<hbm>>)
      tpu.yield
    }) : () -> ()
    return
  }
}

module attributes {stable_mosaic.version = 14 : i64} {
  func.func @body(%arg0: i32, %arg1: memref<400x128xf32, #tpu.memory_space<vmem>>, %arg2: memref<1x400x128xf32, #tpu.memory_space<vmem>>, %arg3: memref<1x400x128xf32, #tpu.memory_space<vmem>>, %arg4: memref<128x128xf32, #tpu.memory_space<vmem>>, %arg5: memref<1x128xf32, #tpu.memory_space<vmem>>, %arg6: memref<128x128xf32, #tpu.memory_space<vmem>>, %arg7: memref<1x128xf32, #tpu.memory_space<vmem>>, %arg8: memref<400x128xf32, #tpu.memory_space<vmem>>) attributes {dimension_semantics = [#tpu.dimension_semantics<arbitrary>], iteration_bounds = array<i64: 25>, scalar_prefetch = 0 : i64, scratch_operands = 0 : i64, tpu.core_type = #tpu.core_type<tc>, window_params = [{transform_indices = @transform_0, window_bounds = array<i64: 400, 128>}, {transform_indices = @transform_1, window_bounds = array<i64: 1, 400, 128>}, {transform_indices = @transform_2, window_bounds = array<i64: 1, 400, 128>}, {pipeline_mode = #tpu.pipeline_mode<synchronous>, transform_indices = @transform_3, window_bounds = array<i64: 128, 128>}, {pipeline_mode = #tpu.pipeline_mode<synchronous>, transform_indices = @transform_4, window_bounds = array<i64: 1, 128>}, {pipeline_mode = #tpu.pipeline_mode<synchronous>, transform_indices = @transform_5, window_bounds = array<i64: 128, 128>}, {pipeline_mode = #tpu.pipeline_mode<synchronous>, transform_indices = @transform_6, window_bounds = array<i64: 1, 128>}, {transform_indices = @transform_7, window_bounds = array<i64: 400, 128>}]} {
    %get3A = arith.constant 0 : index
    %get3A_0 = arith.constant 0 : index
    %get3A_1 = vector.load %arg1[%get3A, %get3A_0] : memref<400x128xf32, #tpu.memory_space<vmem>>, vector<400x128xf32>
    %get3A_2 = arith.constant 0 : index
    %get3A_3 = arith.constant 0 : index
    %get3A_4 = arith.constant 0 : index
    %get3A_5 = vector.load %arg2[%get3A_2, %get3A_3, %get3A_4] : memref<1x400x128xf32, #tpu.memory_space<vmem>>, vector<1x400x128xf32>
    %get3A_6 = vector.shape_cast %get3A_5 : vector<1x400x128xf32> to vector<400x128xf32>
    %add3A = arith.addf %get3A_1, %get3A_6 : vector<400x128xf32>
    %get3A_7 = arith.constant 0 : index
    %get3A_8 = arith.constant 0 : index
    %get3A_9 = arith.constant 0 : index
    %get3A_10 = vector.load %arg3[%get3A_7, %get3A_8, %get3A_9] : memref<1x400x128xf32, #tpu.memory_space<vmem>>, vector<1x400x128xf32>
    %get3A_11 = vector.shape_cast %get3A_10 : vector<1x400x128xf32> to vector<400x128xf32>
    %add3A_12 = arith.addf %add3A, %get3A_11 : vector<400x128xf32>
    %get3A_13 = arith.constant 0 : index
    %get3A_14 = arith.constant 0 : index
    %get3A_15 = vector.load %arg4[%get3A_13, %get3A_14] : memref<128x128xf32, #tpu.memory_space<vmem>>, vector<128x128xf32>
    %dot_general3A = arith.constant dense<0.000000e+00> : vector<400x128xf32>
    %dot_general3A_16 = tpu.matmul %add3A_12, %get3A_15, %dot_general3A {dimension_numbers = #tpu.dot_dimension_numbers<[1], [0], [0], [1], [0, 0, 1, 1], [], []>, transpose_lhs_hint = false} : vector<400x128xf32>, vector<128x128xf32>, vector<400x128xf32> -> vector<400x128xf32>
    %get3A_17 = arith.constant 0 : index
    %get3A_18 = arith.constant 0 : index
    %get3A_19 = vector.load %arg5[%get3A_17, %get3A_18] : memref<1x128xf32, #tpu.memory_space<vmem>>, vector<1x128xf32>
    %add3A_20 = vector.broadcast %get3A_19 : vector<1x128xf32> to vector<400x128xf32>
    %add3A_21 = arith.addf %dot_general3A_16, %add3A_20 : vector<400x128xf32>
    %max3A = arith.constant 0.000000e+00 : f32
    %max3A_22 = vector.broadcast %max3A : f32 to vector<400x128xf32>
    %max3A_23 = arith.maximumf %add3A_21, %max3A_22 : vector<400x128xf32>
    %get3A_24 = arith.constant 0 : index
    %get3A_25 = arith.constant 0 : index
    %get3A_26 = vector.load %arg6[%get3A_24, %get3A_25] : memref<128x128xf32, #tpu.memory_space<vmem>>, vector<128x128xf32>
    %dot_general3A_27 = arith.constant dense<0.000000e+00> : vector<400x128xf32>
    %dot_general3A_28 = tpu.matmul %max3A_23, %get3A_26, %dot_general3A_27 {dimension_numbers = #tpu.dot_dimension_numbers<[1], [0], [0], [1], [0, 0, 1, 1], [], []>, transpose_lhs_hint = false} : vector<400x128xf32>, vector<128x128xf32>, vector<400x128xf32> -> vector<400x128xf32>
    %get3A_29 = arith.constant 0 : index
    %get3A_30 = arith.constant 0 : index
    %get3A_31 = vector.load %arg7[%get3A_29, %get3A_30] : memref<1x128xf32, #tpu.memory_space<vmem>>, vector<1x128xf32>
    %add3A_32 = vector.broadcast %get3A_31 : vector<1x128xf32> to vector<400x128xf32>
    %add3A_33 = arith.addf %dot_general3A_28, %add3A_32 : vector<400x128xf32>
    %max3A_34 = arith.constant 0.000000e+00 : f32
    %max3A_35 = vector.broadcast %max3A_34 : f32 to vector<400x128xf32>
    %max3A_36 = arith.maximumf %add3A_33, %max3A_35 : vector<400x128xf32>
    %swap3A = arith.constant 0 : index
    %swap3A_37 = arith.constant 0 : index
    %swap3A_38 = vector.load %arg8[%swap3A, %swap3A_37] : memref<400x128xf32, #tpu.memory_space<vmem>>, vector<400x128xf32>
    tpu.vector_store %arg8[%swap3A, %swap3A_37], %max3A_36 {strides = array<i32>} : memref<400x128xf32, #tpu.memory_space<vmem>>, vector<400x128xf32>,
    return
  }
  func.func @transform_0(%arg0: i32) -> (i32, i32) {
    %c0_i32 = arith.constant 0 : i32
    %c0_i32_0 = arith.constant 0 : i32
    return %arg0, %c0_i32 : i32, i32
  }
  func.func @transform_1(%arg0: i32) -> (i32, i32, i32) {
    %c0_i32 = arith.constant 0 : i32
    %c0_i32_0 = arith.constant 0 : i32
    %c0_i32_1 = arith.constant 0 : i32
    return %c0_i32, %arg0, %c0_i32_0 : i32, i32, i32
  }
  func.func @transform_2(%arg0: i32) -> (i32, i32, i32) {
    %c1_i32 = arith.constant 1 : i32
    %c0_i32 = arith.constant 0 : i32
    %c0_i32_0 = arith.constant 0 : i32
    return %c1_i32, %arg0, %c0_i32 : i32, i32, i32
  }
  func.func @transform_3(%arg0: i32) -> (i32, i32) {
    %c0_i32 = arith.constant 0 : i32
    %c0_i32_0 = arith.constant 0 : i32
    %c0_i32_1 = arith.constant 0 : i32
    return %c0_i32, %c0_i32_0 : i32, i32
  }
  func.func @transform_4(%arg0: i32) -> (i32, i32) {
    %c0_i32 = arith.constant 0 : i32
    %c0_i32_0 = arith.constant 0 : i32
    %c0_i32_1 = arith.constant 0 : i32
    return %c0_i32, %c0_i32_0 : i32, i32
  }
  func.func @transform_5(%arg0: i32) -> (i32, i32) {
    %c0_i32 = arith.constant 0 : i32
    %c0_i32_0 = arith.constant 0 : i32
    %c0_i32_1 = arith.constant 0 : i32
    return %c0_i32, %c0_i32_0 : i32, i32
  }
  func.func @transform_6(%arg0: i32) -> (i32, i32) {
    %c0_i32 = arith.constant 0 : i32
    %c0_i32_0 = arith.constant 0 : i32
    %c0_i32_1 = arith.constant 0 : i32
    return %c0_i32, %c0_i32_0 : i32, i32
  }
  func.func @transform_7(%arg0: i32) -> (i32, i32) {
    %c0_i32 = arith.constant 0 : i32
    %c0_i32_0 = arith.constant 0 : i32
    return %arg0, %c0_i32 : i32, i32
  }
}

module attributes {stable_mosaic.version = 14 : i64} {
  func.func @body(%arg0: i32, %arg1: memref<400x128xf32, #tpu.memory_space<vmem>>, %arg2: memref<1x400x128xf32, #tpu.memory_space<vmem>>, %arg3: memref<1x400x128xf32, #tpu.memory_space<vmem>>, %arg4: memref<400x1xi32, #tpu.memory_space<vmem>>, %arg5: memref<128x128xf32, #tpu.memory_space<vmem>>, %arg6: memref<1x128xf32, #tpu.memory_space<vmem>>, %arg7: memref<128x128xf32, #tpu.memory_space<vmem>>, %arg8: memref<1x128xf32, #tpu.memory_space<vmem>>, %arg9: memref<128x64xf32, #tpu.memory_space<vmem>>, %arg10: memref<1x64xf32, #tpu.memory_space<vmem>>, %arg11: memref<64x10xf32, #tpu.memory_space<vmem>>, %arg12: memref<1x10xf32, #tpu.memory_space<vmem>>, %arg13: memref<64x10xf32, #tpu.memory_space<vmem>>, %arg14: memref<64x128xf32, #tpu.memory_space<vmem>>, %arg15: memref<64x128xf32, #tpu.memory_space<vmem>>) attributes {dimension_semantics = [#tpu.dimension_semantics<arbitrary>], iteration_bounds = array<i64: 25>, scalar_prefetch = 0 : i64, scratch_operands = 2 : i64, tpu.core_type = #tpu.core_type<tc>, window_params = [{transform_indices = @transform_0, window_bounds = array<i64: 400, 128>}, {transform_indices = @transform_1, window_bounds = array<i64: 1, 400, 128>}, {transform_indices = @transform_2, window_bounds = array<i64: 1, 400, 128>}, {transform_indices = @transform_3, window_bounds = array<i64: 400, 1>}, {pipeline_mode = #tpu.pipeline_mode<synchronous>, transform_indices = @transform_4, window_bounds = array<i64: 128, 128>}, {pipeline_mode = #tpu.pipeline_mode<synchronous>, transform_indices = @transform_5, window_bounds = array<i64: 1, 128>}, {pipeline_mode = #tpu.pipeline_mode<synchronous>, transform_indices = @transform_6, window_bounds = array<i64: 128, 128>}, {pipeline_mode = #tpu.pipeline_mode<synchronous>, transform_indices = @transform_7, window_bounds = array<i64: 1, 128>}, {pipeline_mode = #tpu.pipeline_mode<synchronous>, transform_indices = @transform_8, window_bounds = array<i64: 128, 64>}, {pipeline_mode = #tpu.pipeline_mode<synchronous>, transform_indices = @transform_9, window_bounds = array<i64: 1, 64>}, {pipeline_mode = #tpu.pipeline_mode<synchronous>, transform_indices = @transform_10, window_bounds = array<i64: 64, 10>}, {pipeline_mode = #tpu.pipeline_mode<synchronous>, transform_indices = @transform_11, window_bounds = array<i64: 1, 10>}, {pipeline_mode = #tpu.pipeline_mode<synchronous>, transform_indices = @transform_12, window_bounds = array<i64: 64, 10>}]} {
    %eq3A = arith.constant 0 : i32
    %eq3A_0 = arith.cmpi eq, %arg0, %eq3A : i32
    %convert_element_type3A = arith.extui %eq3A_0 : i1 to i32
    %cond3A = arith.constant 0 : i32
    %cond3A_1 = arith.cmpi ne, %convert_element_type3A, %cond3A : i32
    scf.if %cond3A_1 {
      %broadcast_in_dim3A_67 = arith.constant 0.000000e+00 : f32
      %broadcast_in_dim3A_68 = vector.broadcast %broadcast_in_dim3A_67 : f32 to vector<64x128xf32>
      %swap3A_69 = arith.constant 0 : index
      %swap3A_70 = arith.constant 0 : index
      %swap3A_71 = vector.load %arg14[%swap3A_69, %swap3A_70] : memref<64x128xf32, #tpu.memory_space<vmem>>, vector<64x128xf32>
      tpu.vector_store %arg14[%swap3A_69, %swap3A_70], %broadcast_in_dim3A_68 {strides = array<i32>} : memref<64x128xf32, #tpu.memory_space<vmem>>, vector<64x128xf32>,
      %broadcast_in_dim3A_72 = arith.constant 0.000000e+00 : f32
      %broadcast_in_dim3A_73 = vector.broadcast %broadcast_in_dim3A_72 : f32 to vector<64x128xf32>
      %swap3A_74 = arith.constant 0 : index
      %swap3A_75 = arith.constant 0 : index
      %swap3A_76 = vector.load %arg15[%swap3A_74, %swap3A_75] : memref<64x128xf32, #tpu.memory_space<vmem>>, vector<64x128xf32>
      tpu.vector_store %arg15[%swap3A_74, %swap3A_75], %broadcast_in_dim3A_73 {strides = array<i32>} : memref<64x128xf32, #tpu.memory_space<vmem>>, vector<64x128xf32>,
    } else {
    }
    %get3A = arith.constant 0 : index
    %get3A_2 = arith.constant 0 : index
    %get3A_3 = vector.load %arg1[%get3A, %get3A_2] : memref<400x128xf32, #tpu.memory_space<vmem>>, vector<400x128xf32>
    %get3A_4 = arith.constant 0 : index
    %get3A_5 = arith.constant 0 : index
    %get3A_6 = arith.constant 0 : index
    %get3A_7 = vector.load %arg2[%get3A_4, %get3A_5, %get3A_6] : memref<1x400x128xf32, #tpu.memory_space<vmem>>, vector<1x400x128xf32>
    %get3A_8 = vector.shape_cast %get3A_7 : vector<1x400x128xf32> to vector<400x128xf32>
    %add3A = arith.addf %get3A_3, %get3A_8 : vector<400x128xf32>
    %get3A_9 = arith.constant 0 : index
    %get3A_10 = arith.constant 0 : index
    %get3A_11 = arith.constant 0 : index
    %get3A_12 = vector.load %arg3[%get3A_9, %get3A_10, %get3A_11] : memref<1x400x128xf32, #tpu.memory_space<vmem>>, vector<1x400x128xf32>
    %get3A_13 = vector.shape_cast %get3A_12 : vector<1x400x128xf32> to vector<400x128xf32>
    %add3A_14 = arith.addf %add3A, %get3A_13 : vector<400x128xf32>
    %get3A_15 = arith.constant 0 : index
    %get3A_16 = arith.constant 0 : index
    %get3A_17 = vector.load %arg5[%get3A_15, %get3A_16] : memref<128x128xf32, #tpu.memory_space<vmem>>, vector<128x128xf32>
    %dot_general3A = arith.constant dense<0.000000e+00> : vector<400x128xf32>
    %dot_general3A_18 = tpu.matmul %add3A_14, %get3A_17, %dot_general3A {dimension_numbers = #tpu.dot_dimension_numbers<[1], [0], [0], [1], [0, 0, 1, 1], [], []>, transpose_lhs_hint = false} : vector<400x128xf32>, vector<128x128xf32>, vector<400x128xf32> -> vector<400x128xf32>
    %get3A_19 = arith.constant 0 : index
    %get3A_20 = arith.constant 0 : index
    %get3A_21 = vector.load %arg6[%get3A_19, %get3A_20] : memref<1x128xf32, #tpu.memory_space<vmem>>, vector<1x128xf32>
    %add3A_22 = vector.broadcast %get3A_21 : vector<1x128xf32> to vector<400x128xf32>
    %add3A_23 = arith.addf %dot_general3A_18, %add3A_22 : vector<400x128xf32>
    %max3A = arith.constant 0.000000e+00 : f32
    %max3A_24 = vector.broadcast %max3A : f32 to vector<400x128xf32>
    %max3A_25 = arith.maximumf %add3A_23, %max3A_24 : vector<400x128xf32>
    %get3A_26 = arith.constant 0 : index
    %get3A_27 = arith.constant 0 : index
    %get3A_28 = vector.load %arg7[%get3A_26, %get3A_27] : memref<128x128xf32, #tpu.memory_space<vmem>>, vector<128x128xf32>
    %dot_general3A_29 = arith.constant dense<0.000000e+00> : vector<400x128xf32>
    %dot_general3A_30 = tpu.matmul %max3A_25, %get3A_28, %dot_general3A_29 {dimension_numbers = #tpu.dot_dimension_numbers<[1], [0], [0], [1], [0, 0, 1, 1], [], []>, transpose_lhs_hint = false} : vector<400x128xf32>, vector<128x128xf32>, vector<400x128xf32> -> vector<400x128xf32>
    %get3A_31 = arith.constant 0 : index
    %get3A_32 = arith.constant 0 : index
    %get3A_33 = vector.load %arg8[%get3A_31, %get3A_32] : memref<1x128xf32, #tpu.memory_space<vmem>>, vector<1x128xf32>
    %add3A_34 = vector.broadcast %get3A_33 : vector<1x128xf32> to vector<400x128xf32>
    %add3A_35 = arith.addf %dot_general3A_30, %add3A_34 : vector<400x128xf32>
    %iota3A = tpu.iota {dimensions = array<i32: 1>} : vector<1x64xi32>
    %get3A_36 = arith.constant 0 : index
    %get3A_37 = arith.constant 0 : index
    %get3A_38 = vector.load %arg4[%get3A_36, %get3A_37] : memref<400x1xi32, #tpu.memory_space<vmem>>, vector<400x1xi32>
    %eq3A_39 = vector.broadcast %get3A_38 : vector<400x1xi32> to vector<400x64xi32>
    %eq3A_40 = vector.broadcast %iota3A : vector<1x64xi32> to vector<400x64xi32>
    %eq3A_41 = arith.cmpi eq, %eq3A_39, %eq3A_40 : vector<400x64xi32>
    %convert_element_type3A_42 = arith.extui %eq3A_41 : vector<400x64xi1> to vector<400x64xi32>
    %convert_element_type3A_43 = arith.sitofp %convert_element_type3A_42 : vector<400x64xi32> to vector<400x64xf32>
    %get3A_44 = arith.constant 0 : index
    %get3A_45 = arith.constant 0 : index
    %get3A_46 = vector.load %arg14[%get3A_44, %get3A_45] : memref<64x128xf32, #tpu.memory_space<vmem>>, vector<64x128xf32>
    %dot_general3A_47 = arith.constant dense<0.000000e+00> : vector<64x128xf32>
    %dot_general3A_48 = tpu.matmul %convert_element_type3A_43, %add3A_35, %dot_general3A_47 {dimension_numbers = #tpu.dot_dimension_numbers<[0], [0], [1], [1], [0, 1, 1, 1], [], []>, transpose_lhs_hint = false} : vector<400x64xf32>, vector<400x128xf32>, vector<64x128xf32> -> vector<64x128xf32>
    %add3A_49 = arith.addf %get3A_46, %dot_general3A_48 : vector<64x128xf32>
    %swap3A = arith.constant 0 : index
    %swap3A_50 = arith.constant 0 : index
    %swap3A_51 = vector.load %arg14[%swap3A, %swap3A_50] : memref<64x128xf32, #tpu.memory_space<vmem>>, vector<64x128xf32>
    tpu.vector_store %arg14[%swap3A, %swap3A_50], %add3A_49 {strides = array<i32>} : memref<64x128xf32, #tpu.memory_space<vmem>>, vector<64x128xf32>,
    %get3A_52 = arith.constant 0 : index
    %get3A_53 = arith.constant 0 : index
    %get3A_54 = vector.load %arg15[%get3A_52, %get3A_53] : memref<64x128xf32, #tpu.memory_space<vmem>>, vector<64x128xf32>
    %broadcast_in_dim3A = arith.constant 1.000000e+00 : f32
    %broadcast_in_dim3A_55 = vector.broadcast %broadcast_in_dim3A : f32 to vector<400x128xf32>
    %dot_general3A_56 = arith.constant dense<0.000000e+00> : vector<64x128xf32>
    %dot_general3A_57 = tpu.matmul %convert_element_type3A_43, %broadcast_in_dim3A_55, %dot_general3A_56 {dimension_numbers = #tpu.dot_dimension_numbers<[0], [0], [1], [1], [0, 1, 1, 1], [], []>, transpose_lhs_hint = false} : vector<400x64xf32>, vector<400x128xf32>, vector<64x128xf32> -> vector<64x128xf32>
    %add3A_58 = arith.addf %get3A_54, %dot_general3A_57 : vector<64x128xf32>
    %swap3A_59 = arith.constant 0 : index
    %swap3A_60 = arith.constant 0 : index
    %swap3A_61 = vector.load %arg15[%swap3A_59, %swap3A_60] : memref<64x128xf32, #tpu.memory_space<vmem>>, vector<64x128xf32>
    tpu.vector_store %arg15[%swap3A_59, %swap3A_60], %add3A_58 {strides = array<i32>} : memref<64x128xf32, #tpu.memory_space<vmem>>, vector<64x128xf32>,
    %eq3A_62 = arith.constant 24 : i32
    %eq3A_63 = arith.cmpi eq, %arg0, %eq3A_62 : i32
    %convert_element_type3A_64 = arith.extui %eq3A_63 : i1 to i32
    %cond3A_65 = arith.constant 0 : i32
    %cond3A_66 = arith.cmpi ne, %convert_element_type3A_64, %cond3A_65 : i32
    scf.if %cond3A_66 {
      %get3A_67 = arith.constant 0 : index
      %get3A_68 = arith.constant 0 : index
      %get3A_69 = vector.load %arg14[%get3A_67, %get3A_68] : memref<64x128xf32, #tpu.memory_space<vmem>>, vector<64x128xf32>
      %get3A_70 = arith.constant 0 : index
      %get3A_71 = arith.constant 0 : index
      %get3A_72 = vector.load %arg15[%get3A_70, %get3A_71] : memref<64x128xf32, #tpu.memory_space<vmem>>, vector<64x128xf32>
      %max3A_73 = arith.constant 1.000000e+00 : f32
      %max3A_74 = vector.broadcast %max3A_73 : f32 to vector<64x128xf32>
      %max3A_75 = arith.maximumf %get3A_72, %max3A_74 : vector<64x128xf32>
      %div3A = arith.divf %get3A_69, %max3A_75 : vector<64x128xf32>
      %get3A_76 = arith.constant 0 : index
      %get3A_77 = arith.constant 0 : index
      %get3A_78 = vector.load %arg9[%get3A_76, %get3A_77] : memref<128x64xf32, #tpu.memory_space<vmem>>, vector<128x64xf32>
      %dot_general3A_79 = arith.constant dense<0.000000e+00> : vector<64x64xf32>
      %dot_general3A_80 = tpu.matmul %div3A, %get3A_78, %dot_general3A_79 {dimension_numbers = #tpu.dot_dimension_numbers<[1], [0], [0], [1], [0, 0, 1, 1], [], []>, transpose_lhs_hint = false} : vector<64x128xf32>, vector<128x64xf32>, vector<64x64xf32> -> vector<64x64xf32>
      %get3A_81 = arith.constant 0 : index
      %get3A_82 = arith.constant 0 : index
      %get3A_83 = vector.load %arg10[%get3A_81, %get3A_82] : memref<1x64xf32, #tpu.memory_space<vmem>>, vector<1x64xf32>
      %add3A_84 = vector.broadcast %get3A_83 : vector<1x64xf32> to vector<64x64xf32>
      %add3A_85 = arith.addf %dot_general3A_80, %add3A_84 : vector<64x64xf32>
      %get3A_86 = arith.constant 0 : index
      %get3A_87 = arith.constant 0 : index
      %get3A_88 = vector.load %arg11[%get3A_86, %get3A_87] : memref<64x10xf32, #tpu.memory_space<vmem>>, vector<64x10xf32>
      %dot_general3A_89 = arith.constant dense<0.000000e+00> : vector<64x10xf32>
      %dot_general3A_90 = tpu.matmul %add3A_85, %get3A_88, %dot_general3A_89 {dimension_numbers = #tpu.dot_dimension_numbers<[1], [0], [0], [1], [0, 0, 1, 1], [], []>, transpose_lhs_hint = false} : vector<64x64xf32>, vector<64x10xf32>, vector<64x10xf32> -> vector<64x10xf32>
      %get3A_91 = arith.constant 0 : index
      %get3A_92 = arith.constant 0 : index
      %get3A_93 = vector.load %arg12[%get3A_91, %get3A_92] : memref<1x10xf32, #tpu.memory_space<vmem>>, vector<1x10xf32>
      %add3A_94 = vector.broadcast %get3A_93 : vector<1x10xf32> to vector<64x10xf32>
      %add3A_95 = arith.addf %dot_general3A_90, %add3A_94 : vector<64x10xf32>
      %swap3A_96 = arith.constant 0 : index
      %swap3A_97 = arith.constant 0 : index
      %swap3A_98 = vector.load %arg13[%swap3A_96, %swap3A_97] : memref<64x10xf32, #tpu.memory_space<vmem>>, vector<64x10xf32>
      tpu.vector_store %arg13[%swap3A_96, %swap3A_97], %add3A_95 {strides = array<i32>} : memref<64x10xf32, #tpu.memory_space<vmem>>, vector<64x10xf32>,
    } else {
    }
    return
  }
  func.func @transform_0(%arg0: i32) -> (i32, i32) {
    %c0_i32 = arith.constant 0 : i32
    %c0_i32_0 = arith.constant 0 : i32
    return %arg0, %c0_i32 : i32, i32
  }
  func.func @transform_1(%arg0: i32) -> (i32, i32, i32) {
    %c0_i32 = arith.constant 0 : i32
    %c0_i32_0 = arith.constant 0 : i32
    %c0_i32_1 = arith.constant 0 : i32
    return %c0_i32, %arg0, %c0_i32_0 : i32, i32, i32
  }
  func.func @transform_2(%arg0: i32) -> (i32, i32, i32) {
    %c1_i32 = arith.constant 1 : i32
    %c0_i32 = arith.constant 0 : i32
    %c0_i32_0 = arith.constant 0 : i32
    return %c1_i32, %arg0, %c0_i32 : i32, i32, i32
  }
  func.func @transform_3(%arg0: i32) -> (i32, i32) {
    %c0_i32 = arith.constant 0 : i32
    %c0_i32_0 = arith.constant 0 : i32
    return %arg0, %c0_i32 : i32, i32
  }
  func.func @transform_4(%arg0: i32) -> (i32, i32) {
    %c0_i32 = arith.constant 0 : i32
    %c0_i32_0 = arith.constant 0 : i32
    %c0_i32_1 = arith.constant 0 : i32
    return %c0_i32, %c0_i32_0 : i32, i32
  }
  func.func @transform_5(%arg0: i32) -> (i32, i32) {
    %c0_i32 = arith.constant 0 : i32
    %c0_i32_0 = arith.constant 0 : i32
    %c0_i32_1 = arith.constant 0 : i32
    return %c0_i32, %c0_i32_0 : i32, i32
  }
  func.func @transform_6(%arg0: i32) -> (i32, i32) {
    %c0_i32 = arith.constant 0 : i32
    %c0_i32_0 = arith.constant 0 : i32
    %c0_i32_1 = arith.constant 0 : i32
    return %c0_i32, %c0_i32_0 : i32, i32
  }
  func.func @transform_7(%arg0: i32) -> (i32, i32) {
    %c0_i32 = arith.constant 0 : i32
    %c0_i32_0 = arith.constant 0 : i32
    %c0_i32_1 = arith.constant 0 : i32
    return %c0_i32, %c0_i32_0 : i32, i32
  }
  func.func @transform_8(%arg0: i32) -> (i32, i32) {
    %c0_i32 = arith.constant 0 : i32
    %c0_i32_0 = arith.constant 0 : i32
    %c0_i32_1 = arith.constant 0 : i32
    return %c0_i32, %c0_i32_0 : i32, i32
  }
  func.func @transform_9(%arg0: i32) -> (i32, i32) {
    %c0_i32 = arith.constant 0 : i32
    %c0_i32_0 = arith.constant 0 : i32
    %c0_i32_1 = arith.constant 0 : i32
    return %c0_i32, %c0_i32_0 : i32, i32
  }
  func.func @transform_10(%arg0: i32) -> (i32, i32) {
    %c0_i32 = arith.constant 0 : i32
    %c0_i32_0 = arith.constant 0 : i32
    %c0_i32_1 = arith.constant 0 : i32
    return %c0_i32, %c0_i32_0 : i32, i32
  }
  func.func @transform_11(%arg0: i32) -> (i32, i32) {
    %c0_i32 = arith.constant 0 : i32
    %c0_i32_0 = arith.constant 0 : i32
    %c0_i32_1 = arith.constant 0 : i32
    return %c0_i32, %c0_i32_0 : i32, i32
  }
  func.func @transform_12(%arg0: i32) -> (i32, i32) {
    %c0_i32 = arith.constant 0 : i32
    %c0_i32_0 = arith.constant 0 : i32
    %c0_i32_1 = arith.constant 0 : i32
    return %c0_i32, %c0_i32_0 : i32, i32
  }
}

</mosaic_0001>

<sc_bundles>
// kernel: kernel.6.cloned.1.call-start
scs
__scs_entry_jumppad:
0x0: {  	(pc) =	sbr.rel $0x88, $3  }
0x1: {  	(tag) =	ssettag $0x0;
	lr =	simm.s32 $0x1  }
0x2: {  	[smem:$0x3F92] =	sst lr;
	_ =	strace $0xD0000000  }
0x3: {  	_ = 	snop  }
0x4: {  	_ = 	snop  }
0x5: {  	_ = 	snop  }
0x6: {  	_ = 	snop  }
0x7: {  	_ = 	snop  }
__scs_overlays_trampoline_lowered:
0x8: {  	[smem:$0x3FA1] =	sst s0  }
0x9: {  	[smem:$0x3FA2] =	sst s1  }
0xa: {  	[smem:$0x3FA3] =	sst s2  }
0xb: {  	[smem:$0x3FA4] =	sst s3  }
0xc: {  	[smem:$0x3FA5] =	sst s4  }
0xd: {  	[smem:$0x3FA6] =	sst s5  }
0xe: {  	[smem:$0x3FA7] =	sst s6  }
0xf: {  	[smem:$0x3FA8] =	sst s7  }
0x10: {  	[smem:$0x3FA9] =	sst s8  }
0x11: {  	[smem:$0x3FAA] =	sst s9;
	s0 =	simm.s32 @!p0 $0x0  }
0x12: {  	s1 =	sld [smem:$0x3F90];
	s0 =	simm.s32 @p0 $0x1  }
0x13: {  	[smem:$0x3FAB] =	sst s0;
	s0 =	simm.s32 @!p1 $0x0  }
0x14: {  	s2 =	sld [smem:$0x3F8F];
	s0 =	simm.s32 @p1 $0x1  }
0x15: {  	[smem:$0x3FAC] =	sst s0;
	s0 =	simm.s32 @!p2 $0x0  }
0x16: {  	s3 =	sld [smem:$0x3FDB];
	s0 =	simm.s32 @p2 $0x1  }
0x17: {  	s4 =	simm.s32 $0x1BF5;
	[smem:$0x3FAE] =	sst s0  }
0x18: {  	s0 =	sld [smem:$0x3F91];
	_ =	swait.ge [sflag:s4], $0x0  }
0x19: {  	s7 =	sld [smem:$0x3F92]  }
0x1a: {  	s8 =	sadd.s32 $0xFFFFE003, lr  }
0x1b: {  	s9 =	sadd.s32 $0xFFFFFEF7, lr;
	s5 =	simm.s32 $0xFFFFFFFF;
	p2 =	slt.u32 s8, $0xFFFFF086  }
0x1c: {  	p1 =	slt.u32 s9, $0xF7A;
	s5 =	simm.s32 @!p2 $0x0  }
0x1d: {  	s5 =	simm.s32 @p1 $0x1;
	p0 =	seq.s32 s7, s2  }
0x1e: {  	s7 =	smul.u32 @!p0 $0xF7A, s2;
	p2 =	seq.s32 @!p0 s5, $0x0  }
0x1f: {  	s9 =	smul.u32 $0xF7A, s1;
	s8 =	simm.s32 @!p0 $0x1BF5;
	p2 =	por !p2, p0  }
0x20: {  	[sflag:s8] =	ssyncset.s32 @!p0 $0xFFFFF086;
	s6 =	sadd.s32 @!p0 s3, s7;
	s7 =	simm.s32 @!p0 $0x108  }
0x21: {  	s3 =	sadd.s32 s3, s9;
	s6 =	sadd.s32 @!p0 $0x88, s6;
	s7 =	simm.s32 @p2 $0x1082  }
0x22: {  	[simem:s7], [sflag:s8] =	dma.local @!p0 [hbm:s6], $0xF7A  }
0x23: {  	s9 =	sor.u32 $0xD0000000, s2;
	s6 =	simm.s32 $0x108;
	_ =	swait.ge @!p0 [sflag:s8], $0x0  }
0x24: {  	s3 =	sadd.s32 $0x88, s3;
	s6 =	simm.s32 @!p1 $0x1082;
	[sflag:s4] =	ssyncset.s32 $0xFFFFF086  }
0x25: {  	[simem:s6], [sflag:s4] =	dma.local [hbm:s3], $0xF7A  }
0x26: {  	[smem:$0x3F92] =	sst s1;
	(tag) =	ssettag s2;
	_ =	strace s9  }
0x27: {  	s1 =	sld [smem:$0x3FA2]  }
0x28: {  	s2 =	sld [smem:$0x3FA3]  }
0x29: {  	s4 =	sld [smem:$0x3FA5]  }
0x2a: {  	p0 =	seq.s32 s5, $0x0;
	s5 =	sld [smem:$0x3FA6]  }
0x2b: {  	s6 =	sld [smem:$0x3FA7]  }
0x2c: {  	s7 =	sld [smem:$0x3FA8]  }
0x2d: {  	s3 =	simm.s32 $0x108;
	s8 =	sld [smem:$0x3FA9]  }
0x2e: {  	s3 =	simm.s32 @!p0 $0x1082;
	s9 =	sld [smem:$0x3FAA]  }
0x2f: {  	lr =	sadd.s32 s0, s3;
	s0 =	sld [smem:$0x3FA1]  }
0x30: {  	s3 =	sld [smem:$0x3FA4]  }
0x31: {  	[smem:$0x3FAD] =	sst s10  }
0x32: {  	s10 =	sld [smem:$0x3FAB];
	_ =	sdelay $0x3  }
0x33: {  	p0 =	seq.s32 s10, $0x1;
	s10 =	sld [smem:$0x3FAD];
	_ =	sdelay $0x3  }
0x34: {  	[smem:$0x3FAD] =	sst s10  }
0x35: {  	s10 =	sld [smem:$0x3FAC];
	_ =	sdelay $0x3  }
0x36: {  	p1 =	seq.s32 s10, $0x1;
	s10 =	sld [smem:$0x3FAD];
	_ =	sdelay $0x3  }
0x37: {  	[smem:$0x3FAD] =	sst s10  }
0x38: {  	s10 =	sld [smem:$0x3FAE]  }
0x39: {  	_ = 	snop;
	(pc) =	sbr.ind lr, $3  }
0x3a: {  	_ = 	snop  }
0x3b: {  	_ = 	snop  }
0x3c: {  	p2 =	seq.s32 s10, $0x1;
	s10 =	sld [smem:$0x3FAD]  }
0x3d: {  	_ =	shalt  }
0x3e: {  	_ =	shalt  }
0x3f: {  	_ =	shalt  }
0x40: {  	_ =	shalt  }
0x41: {  	_ =	shalt  }
0x42: {  	_ =	shalt  }
0x43: {  	_ =	shalt  }
0x44: {  	_ =	shalt  }
0x45: {  	_ =	shalt  }
0x46: {  	_ =	shalt  }
0x47: {  	_ =	shalt  }
0x48: {  	_ =	shalt  }
0x49: {  	_ =	shalt  }
0x4a: {  	_ =	shalt  }
0x4b: {  	_ =	shalt  }
0x4c: {  	_ =	shalt  }
0x4d: {  	_ =	shalt  }
0x4e: {  	_ =	shalt  }
0x4f: {  	_ =	shalt  }
0x50: {  	_ =	shalt  }
0x51: {  	_ =	shalt  }
0x52: {  	_ =	shalt  }
0x53: {  	_ =	shalt  }
0x54: {  	_ =	shalt  }
0x55: {  	_ =	shalt  }
0x56: {  	_ =	shalt  }
0x57: {  	_ =	shalt  }
0x58: {  	_ =	shalt  }
0x59: {  	_ =	shalt  }
0x5a: {  	_ =	shalt  }
0x5b: {  	_ =	shalt  }
0x5c: {  	_ =	shalt  }
0x5d: {  	_ =	shalt  }
0x5e: {  	_ =	shalt  }
0x5f: {  	_ =	shalt  }
0x60: {  	_ =	shalt  }
0x61: {  	_ =	shalt  }
0x62: {  	_ =	shalt  }
0x63: {  	_ =	shalt  }
0x64: {  	_ =	shalt  }
0x65: {  	_ =	shalt  }
0x66: {  	_ =	shalt  }
0x67: {  	_ =	shalt  }
0x68: {  	_ =	shalt  }
0x69: {  	_ =	shalt  }
0x6a: {  	_ =	shalt  }
0x6b: {  	_ =	shalt  }
0x6c: {  	_ =	shalt  }
0x6d: {  	_ =	shalt  }
0x6e: {  	_ =	shalt  }
0x6f: {  	_ =	shalt  }
0x70: {  	_ =	shalt  }
0x71: {  	_ =	shalt  }
0x72: {  	_ =	shalt  }
0x73: {  	_ =	shalt  }
0x74: {  	_ =	shalt  }
0x75: {  	_ =	shalt  }
0x76: {  	_ =	shalt  }
0x77: {  	_ =	shalt  }
0x78: {  	_ =	shalt  }
0x79: {  	_ =	shalt  }
0x7a: {  	_ =	shalt  }
0x7b: {  	_ =	shalt  }
0x7c: {  	_ =	shalt  }
0x7d: {  	_ =	shalt  }
0x7e: {  	_ =	shalt  }
0x7f: {  	_ =	shalt  }
0x80: {  	_ =	shalt  }
0x81: {  	_ =	shalt  }
0x82: {  	_ =	shalt  }
0x83: {  	_ =	shalt  }
0x84: {  	_ =	shalt  }
0x85: {  	_ =	shalt  }
0x86: {  	_ =	shalt  }
0x87: {  	_ =	shalt  }
.Lfunc_end0:
.L_simem_size_0:
called_computation_lowered:
.L_overlay_start_0:
0x88: {  	s2 =	sld [smem:$0x3FD9]  }
0x89: {  	s3 =	sld [smem:$0x3FFE];
	_ =	sdelay $0x1  }
0x8a: {  	s1 =	srdreg.scid  }
0x8b: {  	s0 =	sand.u32 $0x1, s1  }
0x8c: {  	s17 =	sshll.u32 s0, $0xA;
	s2 =	sadd.s32 s3, s2  }
0x8d: {  	s2 =	sadd.s32 s2, s17  }
0x8e: {  	[smem:$0x3FB9] =	sst s2  }
0x8f: {  	_ = 	snop  }
0x90: {  	s2 =	sld [smem:$0x3FC9];
	(tm) =	ssettm $0x1  }
0x91: {  	s18 =	sld [smem:$0x3FFB];
	_ =	sdelay $0x3  }
0x92: {  	_ =	strace s18  }
0x93: {  	s3 =	sld [smem:$0x3FFC];
	_ =	sdelay $0x3  }
0x94: {  	_ =	strace s3  }
0x95: {  	s3 =	sld [smem:$0x3FFD];
	_ =	sdelay $0x3  }
0x96: {  	_ =	strace s3  }
0x97: {  	_ =	strace $0x8FFFFFFF  }
0x98: {  	s19 =	sld [smem:$0x3FDB];
	_ =	sdelay $0x1  }
0x99: {  	s4 =	simm.s32 $_scs_section_size  }
0x9a: {  	s5 =	simm.s32 $_size__tile_overlayer_lowered;
	s6 =	simm.s32 $_tile_overlayer_lowered  }
0x9b: {  	s22 =	simm.s32 $0x1BFF;
	s21 =	sshll.u32 s6, $0x1;
	s3 =	sadd.s32 s4, s19  }
0x9c: {  	s7 =	simm.s32 $0x0;
	s20 =	sshll.u32 s5, $0x1;
	s5 =	sadd.s32 s21, s3  }
0x9d: {  	[timem:s7], [sflag:s22] =	dma.local [hbm:s5], s20  }
0x9e: {  	_ =	swait.ge [sflag:s22], s20  }
0x9f: {  	s4 =	ssub.s32 $0x0, s20;
	[sflag:s22] =	ssyncset.done $0x0  }
0xa0: {  	[sflag:s22] =	ssyncadd.s32 s4;
	_ =	sdelay $0x1  }
0xa1: {  	s23 =	simm.s32 $0x1B8B  }
0xa2: {  	_ =	swait.ge [sflag:s23], $0x1  }
0xa3: {  	[sflag:s23] =	ssyncset.done $0x0  }
0xa4: {  	s25 =	simm.s32 $0x1B8E;
	s24 =	sld [smem:$0x3FFE];
	[sflag:s23] =	ssyncadd.s32 $0xFFFFFFFF  }
0xa5: {  	s26 =	simm.s32 $execute0_lowered;
	[smem:$0x3FD2] =	sst s25  }
0xa6: {  	s5 =	sshll.u32 s26, $0x1;
	_ =	strace $0x80000046;
	[dreg:$0x1] =	wrdreg $0xFFFFFFFF  }
0xa7: {  	s28 =	simm.s32 $_size_execute0_lowered;
	s3 =	sadd.s32 s3, s5;
	[dreg:$0x0] =	wrdreg $0x0  }
0xa8: {  	s5 =	sshll.u32 s28, $0x1;
	[dreg:$0x2] =	wrdreg s3  }
0xa9: {  	[dreg:$0x3] =	wrdreg s5  }
0xaa: {  	[dreg:$0x4] =	wrdreg $0xC0  }
0xab: {  	_ =	task [dreg:s7], $0x5FFFF  }
0xac: {  	[dreg:$0x1] =	wrdreg $0xFFFFFFFF  }
0xad: {  	[dreg:$0x0] =	wrdreg $0x60  }
0xae: {  	[dreg:$0x2] =	wrdreg s2  }
0xaf: {  	[dreg:$0x3] =	wrdreg s24  }
0xb0: {  	[dreg:$0x4] =	wrdreg $0xB8000  }
0xb1: {  	[dreg:$0x5] =	wrdreg $0x9  }
0xb2: {  	_ =	task.clear_ibuf [dreg:s7], $0x6FFFF;
	_ =	strace $0x90000046  }
0xb3: {  	s29 =	simm.s32 $0x9;
	_ =	strace $0x80000048  }
0xb4: {  	_ =	swait.ge [sflag:s29], $0x1  }
0xb5: {  	[sflag:s29] =	ssyncadd.s32 $0xFFFFFFFF  }
0xb6: {  	_ =	strace $0x90000048  }
0xb7: {  	_ =	sfence  }
0xb8: {  	s30 =	sld [smem:$0x0];
	_ =	sdelay $0x2  }
0xb9: {  	s31 =	sshll.u32 s1, $0xD;
	s1 =	sshrl.u32 s1, $0x2  }
0xba: {  	s3 =	sand.u32 $0x4000, s31;
	s1 =	sadd.s32 s1, s30  }
0xbb: {  	s0 =	sor.u32 s3, s0;
	s1 =	sshll.u32 s1, $0x11  }
0xbc: {  	s0 =	sor.u32 s1, s0  }
0xbd: {  	s0 =	sadd.s32 $0x8F2B, s0  }
0xbe: {  	[sflag:s0] =	ssyncadd.remote.s32 $0x1  }
0xbf: {  	_ =	sfence.sel $0xFFFF  }
0xc0: {  	[dreg:$0x0] =	wrdreg $0xFFFFFFFF;
	(pc) =	sbr.abs _section_cstart, $3  }
0xc1: {  	[dreg:$0x1] =	wrdreg $0xFFFFFFFF  }
0xc2: {  	_ =	task.clear_ibuf [dreg:s7], $0x2FFFF;
	_ =	strace $0x9FFFFFFF  }
0xc3: {  	(tm) =	ssettm $0x7FFFFFFF  }
tec
execute0_lowered:
.L_overlay_start_1:
0x0: {  	(tag) =	ssettag $0x1  }
0x1: {  	s1 =	rddreg [dreg:$0x0]  }
0x2: {  	s0 =	rddreg [dreg:$0x1]  }
0x3: {  	s2 =	rddreg [dreg:$0x2]  }
0x4: {  	s3 =	srdreg.scid;
	s5 =	simm.s32 $0x0;
	s10 =	stileid.u32  }
0x5: {  	s14 =	simm.s32 $0x6;
	s15 =	simm.s32 $0x800;
	s16 =	simm.s32 $0x70  }
0x6: {  	s17 =	simm.s32 $0x1000;
	s29 =	simm.s32 $0x5;
	s13 =	simm.s32 $0xA00  }
0x7: {  	s28 =	simm.s32 $0x0;
	s3 =	sand.u32 $0x1, s3;
	[smem:$0x7FF] =	sst s5  }
0x8: {  	s19 =	smul.u32 $0x13C00, s10;
	s6 =	sadd.s32 $0x2A00, s0;
	s7 =	sadd.s32 $0x22A00, s0  }
0x9: {  	s8 =	smul.u32 $0x4F000, s10;
	s9 =	sshll.u32 s10, $0xF;
	s24 =	sshll.u32 s10, $0x6  }
0xa: {  	s10 =	simm.s32 $0x980;
	s4 =	smul.u32 $0x13C000, s3;
	_ =	strace $0x80000047  }
0xb: {  	s20 =	ssub.s32 $0x2, s3;
	[dreg:$0x4] =	wrdreg s7;
	s3 =	sshll.u32 s3, $0x13  }
0xc: {  	s18 =	sor.u32 $0x1C06, s24;
	s24 =	simm.s32 $0xD80;
	s21 =	sshrl.u32 s20, $0x1  }
0xd: {  	s3 =	sor.u32 s9, s3;
	s23 =	sshrl.u32 s8, $0x2;
	s8 =	simm.s32 $0x580  }
0xe: {  	s9 =	simm.s32 $0x900;
	[dreg:$0x5] =	wrdreg s18;
	s4 =	sadd.s32 s19, s4  }
0xf: {  	s22 =	ssub.s32 s20, s21;
	s25 =	sshrl.u32 s3, $0x3;
	s5 =	sadd.s32 s23, s2  }
0x10: {  	s30 =	sor.u32 $0x1800, s3;
	s3 =	sor.u32 $0x1000, s3;
	s19 =	simm.s32 $0x4800  }
0x11: {  	s21 =	simm.s32 $0x8000;
	s20 =	simm.s32 $0xA80;
	s23 =	simm.s32 $0xC80  }
0x12: {  	s4 =	sshrl.u32 s4, $0x3;
	s26 =	sadd.s32 s6, s25;
	s31 =	sshrl.u32 s30, $0x3  }
0x13: {  	s3 =	sshrl.u32 s3, $0x3;
	s25 =	simm.s32 $0x4;
	s0 =	sadd.s32 s4, s0  }
0x14: {  	[dreg:$0x6] =	wrdreg s26;
	s7 =	sadd.s32 $0x100, s26;
	s4 =	smax.u32 s22, $0x1  }
.Ltmp0:
0x15: {  	s11 =	sadd.s32 s31, s6;
	s12 =	sadd.s32 s3, s6;
	(pc) =	sbr.rel .LBB2_1-.Ltmp0, $4  }
0x16: {  	s26 =	sshrl.u32 s5, $0x3;
	s22 =	simm.s32 $0x3;
	[dreg:$0x7] =	wrdreg s7  }
0x17: {  	s3 =	simm.s32 $0x2;
	s5 =	simm.s32 $0x880;
	[dreg:$0x9] =	wrdreg s4  }
0x18: {  	s6 =	simm.s32 $0xB80;
	s0 =	sadd.s32 $0x25200, s0;
	[dreg:$0xa] =	wrdreg s26  }
0x19: {  	s7 =	simm.s32 $0xB00;
	s4 =	simm.s32 $0xC00;
	[dreg:$0x8] =	wrdreg s0  }
.LBB2_4:
0x1a: {  	[bflag:$0x0] =	sbarrier.arrive $0xFFFF  }
0x1b: {  	s18 =	rddreg [dreg:$0x5]  }
0x1c: {  	s0 =	rddreg [dreg:$0x8]  }
0x1d: {  	s26 =	rddreg [dreg:$0xa]  }
0x1e: {  	[hbm:s0], [sflag:s18] =	dma.local [spmem:s26], $0x2780  }
0x1f: {  	_ =	swait.ge [sflag:s14], $0x2780  }
0x20: {  	s28 =	rddreg [dreg:$0xb]  }
0x21: {  	s31 =	rddreg [dreg:$0x9];
	s28 =	sadd.s32 $0x1, s28  }
0x22: {  	p0 =	sne.s32 s28, s31  }
.Ltmp1:
0x23: {  	_ = 	snop;
	(pc) =	sbr.rel @!p0 .LBB2_5-.Ltmp1, $3  }
0x24: {  	_ =	sdelay $0x1  }
0x25: {  	[sflag:s14] =	ssyncset.done $0x0  }
0x26: {  	[sflag:s14] =	ssyncadd.s32 $0xFFFFD880  }
.LBB2_1:
0x27: {  	[dreg:$0xb] =	wrdreg s28  }
0x28: {  	s0 =	rddreg [dreg:$0x4]  }
0x29: {  	[spmem:s26], [sflag:s18] =	dma.local [hbm:s0], $0x2780  }
0x2a: {  	_ =	swait.ge [sflag:s14], $0x2780  }
0x2b: {  	[sflag:s14] =	ssyncset.done $0x0  }
0x2c: {  	s31 =	simm.s32 $0x0;
	s26 =	rddreg [dreg:$0x6];
	[sflag:s14] =	ssyncadd.s32 $0xFFFFD880  }
0x2d: {  	[tilespmem:s31], [sflag:$0x6] =	stream.linear.gather [hbm4b:s26+s31], $0x600, $0x38;
	[tilespmem:$0x1F400] =	vst v63  }
0x2e: {  	_ =	swait.ge [sflag:s14], $0x600  }
0x2f: {  	[sflag:s14] =	ssyncset.done $0x0  }
0x30: {  	s28 =	rddreg [dreg:$0x7];
	[sflag:s14] =	ssyncadd.s32 $0xFFFFFA00  }
0x31: {  	[tilespmem:s15], [sflag:$0x2] =	stream.linear.gather [hbm4b:s28+s31], $0x600, $0x38;
	[tilespmem:$0x1F400] =	vst v63  }
0x32: {  	[bflag:$0x0] =	sbarrier.arrive $0xFFFF  }
0x33: {  	[tilespmem:s17], [sflag:$0x3] =	stream.indirect.gather [hbm4b:s1+s16], $0x80, s31, s16, $0xb8;
	[tilespmem:$0x1F400] =	vst v63  }
0x34: {  	s30 =	simm.s32 $0x80  }
0x35: {  	[tilespmem:s19], [sflag:$0x4] =	stream.indirect.gather [hbm4b:s1+s16], $0x80, s30, s16, $0xb8;
	[tilespmem:$0x1F400] =	vst v63  }
0x36: {  	s18 =	simm.s32 $0x0;
	s26 =	simm.s32 $0x0;
	s31 =	simm.s32 $0x100  }
0x37: {  	[tilespmem:s21], [sflag:$0x5] =	stream.indirect.gather [hbm4b:s1+s16], $0x80, s31, s16, $0xb8;
	[tilespmem:$0x1F400] =	vst v63  }
.LBB2_2:
0x38: {  	_ =	swait.ge [sflag:s22], $0x3800  }
0x39: {  	[sflag:s22] =	ssyncset.done $0x0  }
0x3a: {  	s0 =	simm.s32 $0x300;
	[sflag:s22] =	ssyncadd.s32 $0xFFFFC800  }
0x3b: {  	[spmem:s2] =	stream.indirect.scatter.add.f32 [tilespmem:s17], [sflag:$0x6], $0x80, s0, s16, $0xb8;
	[tilespmem:$0x1F400] =	vst v63  }
0x3c: {  	_ =	swait.ge [sflag:s14], $0x3800  }
0x3d: {  	[sflag:s14] =	ssyncset.done $0x0  }
0x3e: {  	s31 =	simm.s32 $0x180;
	[sflag:s14] =	ssyncadd.s32 $0xFFFFC800  }
0x3f: {  	[tilespmem:s17], [sflag:$0x3] =	stream.indirect.gather [hbm4b:s1+s16], $0x80, s31, s16, $0xb8;
	[tilespmem:$0x1F400] =	vst v63  }
0x40: {  	_ =	swait.ge [sflag:s25], $0x3800  }
0x41: {  	[sflag:s25] =	ssyncset.done $0x0  }
0x42: {  	s28 =	simm.s32 $0x380;
	[sflag:s25] =	ssyncadd.s32 $0xFFFFC800  }
0x43: {  	[spmem:s2] =	stream.indirect.scatter.add.f32 [tilespmem:s19], [sflag:$0x6], $0x80, s28, s16, $0xb8;
	[tilespmem:$0x1F400] =	vst v63  }
0x44: {  	_ =	swait.ge [sflag:s14], $0x3800  }
0x45: {  	[sflag:s14] =	ssyncset.done $0x0  }
0x46: {  	s30 =	simm.s32 $0x200;
	[sflag:s14] =	ssyncadd.s32 $0xFFFFC800  }
0x47: {  	[tilespmem:s19], [sflag:$0x4] =	stream.indirect.gather [hbm4b:s1+s16], $0x80, s30, s16, $0xb8;
	[tilespmem:$0x1F400] =	vst v63  }
0x48: {  	_ =	swait.ge [sflag:s29], $0x3800  }
0x49: {  	[sflag:s29] =	ssyncset.done $0x0  }
0x4a: {  	s31 =	simm.s32 $0x400;
	[sflag:s29] =	ssyncadd.s32 $0xFFFFC800  }
0x4b: {  	[spmem:s2] =	stream.indirect.scatter.add.f32 [tilespmem:s21], [sflag:$0x6], $0x80, s31, s16, $0xb8;
	[tilespmem:$0x1F400] =	vst v63  }
0x4c: {  	_ =	swait.ge [sflag:s14], $0x3800  }
0x4d: {  	[sflag:s14] =	ssyncset.done $0x0  }
0x4e: {  	s28 =	simm.s32 $0x280;
	[sflag:s14] =	ssyncadd.s32 $0xFFFFC800  }
0x4f: {  	[tilespmem:s21], [sflag:$0x5] =	stream.indirect.gather [hbm4b:s1+s16], $0x80, s28, s16, $0xb8;
	[tilespmem:$0x1F400] =	vst v63  }
0x50: {  	_ =	swait.ge [sflag:s22], $0x3800  }
0x51: {  	[sflag:s22] =	ssyncset.done $0x0  }
0x52: {  	s30 =	simm.s32 $0x480;
	[sflag:s22] =	ssyncadd.s32 $0xFFFFC800  }
0x53: {  	[spmem:s2] =	stream.indirect.scatter.add.f32 [tilespmem:s17], [sflag:$0x6], $0x80, s30, s16, $0xb8;
	[tilespmem:$0x1F400] =	vst v63  }
0x54: {  	_ =	swait.ge [sflag:s14], $0x3800  }
0x55: {  	[sflag:s14] =	ssyncset.done $0x0  }
0x56: {  	[sflag:s14] =	ssyncadd.s32 $0xFFFFC800  }
0x57: {  	_ =	swait.ge [sflag:s3], $0x600  }
0x58: {  	[sflag:s3] =	ssyncset.done $0x0  }
0x59: {  	[sflag:s3] =	ssyncadd.s32 $0xFFFFFA00  }
0x5a: {  	[tilespmem:s17], [sflag:$0x3] =	stream.indirect.gather [hbm4b:s1+s16], $0x80, s15, s16, $0xb8;
	[tilespmem:$0x1F400] =	vst v63  }
0x5b: {  	_ =	swait.ge [sflag:s25], $0x3800  }
0x5c: {  	[sflag:s25] =	ssyncset.done $0x0  }
0x5d: {  	s31 =	simm.s32 $0x500;
	[sflag:s25] =	ssyncadd.s32 $0xFFFFC800  }
0x5e: {  	[spmem:s2] =	stream.indirect.scatter.add.f32 [tilespmem:s19], [sflag:$0x6], $0x80, s31, s16, $0xb8;
	[tilespmem:$0x1F400] =	vst v63  }
0x5f: {  	_ =	swait.ge [sflag:s14], $0x3800  }
0x60: {  	[sflag:s14] =	ssyncset.done $0x0  }
0x61: {  	[sflag:s14] =	ssyncadd.s32 $0xFFFFC800  }
0x62: {  	[tilespmem:s19], [sflag:$0x4] =	stream.indirect.gather [hbm4b:s1+s16], $0x80, s5, s16, $0xb8;
	[tilespmem:$0x1F400] =	vst v63  }
0x63: {  	_ =	swait.ge [sflag:s29], $0x3800  }
0x64: {  	[sflag:s29] =	ssyncset.done $0x0  }
0x65: {  	[sflag:s29] =	ssyncadd.s32 $0xFFFFC800  }
0x66: {  	[spmem:s2] =	stream.indirect.scatter.add.f32 [tilespmem:s21], [sflag:$0x6], $0x80, s8, s16, $0xb8;
	[tilespmem:$0x1F400] =	vst v63  }
0x67: {  	_ =	swait.ge [sflag:s14], $0x3800  }
0x68: {  	[sflag:s14] =	ssyncset.done $0x0  }
0x69: {  	p0 =	seq.s32 s26, $0xE00;
	[sflag:s14] =	ssyncadd.s32 $0xFFFFC800  }
0x6a: {  	[tilespmem:s21], [sflag:$0x5] =	stream.indirect.gather [hbm4b:s1+s16], $0x80, s9, s16, $0xb8;
	[tilespmem:$0x1F400] =	vst v63  }
0x6b: {  	s28 =	sadd.s32 @!p0 s26, s12;
	s30 =	simm.s32 @!p0 $0x0  }
0x6c: {  	[tilespmem:s30], [sflag:$0x1] =	stream.linear.gather @!p0 [hbm4b:s28+s30], $0x600, $0x38;
	[tilespmem:$0x1F400] =	vst v63  }
0x6d: {  	_ =	swait.ge [sflag:s22], $0x3800  }
0x6e: {  	[sflag:s22] =	ssyncset.done $0x0  }
0x6f: {  	[sflag:s22] =	ssyncadd.s32 $0xFFFFC800  }
0x70: {  	[spmem:s2] =	stream.indirect.scatter.add.f32 [tilespmem:s17], [sflag:$0x6], $0x80, s7, s16, $0xb8;
	[tilespmem:$0x1F400] =	vst v63  }
0x71: {  	_ =	swait.ge [sflag:s14], $0x3800  }
0x72: {  	[sflag:s14] =	ssyncset.done $0x0  }
0x73: {  	[sflag:s14] =	ssyncadd.s32 $0xFFFFC800  }
0x74: {  	[tilespmem:s17], [sflag:$0x3] =	stream.indirect.gather [hbm4b:s1+s16], $0x80, s10, s16, $0xb8;
	[tilespmem:$0x1F400] =	vst v63  }
0x75: {  	_ =	swait.ge [sflag:s25], $0x3800  }
0x76: {  	[sflag:s25] =	ssyncset.done $0x0  }
0x77: {  	[sflag:s25] =	ssyncadd.s32 $0xFFFFC800  }
0x78: {  	[spmem:s2] =	stream.indirect.scatter.add.f32 [tilespmem:s19], [sflag:$0x6], $0x80, s6, s16, $0xb8;
	[tilespmem:$0x1F400] =	vst v63  }
0x79: {  	_ =	swait.ge [sflag:s14], $0x3800  }
0x7a: {  	[sflag:s14] =	ssyncset.done $0x0  }
0x7b: {  	[sflag:s14] =	ssyncadd.s32 $0xFFFFC800  }
0x7c: {  	[tilespmem:s19], [sflag:$0x4] =	stream.indirect.gather [hbm4b:s1+s16], $0x80, s13, s16, $0xb8;
	[tilespmem:$0x1F400] =	vst v63  }
0x7d: {  	_ =	swait.ge [sflag:s29], $0x3800  }
0x7e: {  	[sflag:s29] =	ssyncset.done $0x0  }
0x7f: {  	[sflag:s29] =	ssyncadd.s32 $0xFFFFC800  }
0x80: {  	[spmem:s2] =	stream.indirect.scatter.add.f32 [tilespmem:s21], [sflag:$0x6], $0x80, s4, s16, $0xb8;
	[tilespmem:$0x1F400] =	vst v63  }
0x81: {  	_ =	swait.ge [sflag:s14], $0x3800  }
0x82: {  	[sflag:s14] =	ssyncset.done $0x0  }
0x83: {  	[sflag:s14] =	ssyncadd.s32 $0xFFFFC800  }
0x84: {  	[tilespmem:s21], [sflag:$0x5] =	stream.indirect.gather [hbm4b:s1+s16], $0x80, s20, s16, $0xb8;
	[tilespmem:$0x1F400] =	vst v63  }
0x85: {  	_ =	swait.ge [sflag:s22], $0x3800  }
0x86: {  	[sflag:s22] =	ssyncset.done $0x0  }
0x87: {  	[sflag:s22] =	ssyncadd.s32 $0xFFFFC800  }
0x88: {  	[spmem:s2] =	stream.indirect.scatter.add.f32 [tilespmem:s17], [sflag:$0x6], $0x80, s23, s16, $0xb8;
	[tilespmem:$0x1F400] =	vst v63  }
0x89: {  	_ =	swait.ge [sflag:s14], $0x3800  }
0x8a: {  	[sflag:s14] =	ssyncset.done $0x0  }
0x8b: {  	s28 =	simm.s32 @p0 $0x4;
	[sflag:s14] =	ssyncadd.s32 $0xFFFFC800  }
0x8c: {  	_ =	swait.ge @p0 [sflag:s28], $0x3800  }
0x8d: {  	s0 =	simm.s32 @p0 $0x4800;
	[sflag:s28] =	ssyncset.done @p0 $0x0  }
0x8e: {  	s31 =	simm.s32 @p0 $0xD00;
	[sflag:s28] =	ssyncadd.s32 @p0 $0xFFFFC800;
	s28 =	simm.s32 @p0 $0x70  }
0x8f: {  	[spmem:s2] =	stream.indirect.scatter.add.f32 @p0 [tilespmem:s0], [sflag:$0x6], $0x80, s31, s28, $0xb8;
	[tilespmem:$0x1F400] =	vst v63  }
0x90: {  	s0 =	simm.s32 @p0 $0x6  }
0x91: {  	_ =	swait.ge @p0 [sflag:s0], $0x3800  }
0x92: {  	[sflag:s0] =	ssyncset.done @p0 $0x0  }
0x93: {  	[sflag:s0] =	ssyncadd.s32 @p0 $0xFFFFC800;
	s0 =	simm.s32 @!p0 $0x1  }
0x94: {  	_ =	swait.ge @!p0 [sflag:s0], $0x600  }
0x95: {  	[sflag:s0] =	ssyncset.done @!p0 $0x0  }
0x96: {  	s28 =	simm.s32 @!p0 $0x1000;
	[sflag:s0] =	ssyncadd.s32 @!p0 $0xFFFFFA00;
	s0 =	simm.s32 @!p0 $0x70  }
0x97: {  	[tilespmem:s28], [sflag:$0x3] =	stream.indirect.gather @!p0 [hbm4b:s1+s0], $0x80, s30, s0, $0xb8;
	[tilespmem:$0x1F400] =	vst v63  }
0x98: {  	s28 =	simm.s32 @!p0 $0x4  }
0x99: {  	_ =	swait.ge @!p0 [sflag:s28], $0x3800  }
0x9a: {  	[sflag:s28] =	ssyncset.done @!p0 $0x0  }
0x9b: {  	s30 =	simm.s32 @!p0 $0x4800;
	[sflag:s28] =	ssyncadd.s32 @!p0 $0xFFFFC800;
	s28 =	simm.s32 @!p0 $0xD00  }
0x9c: {  	[spmem:s2] =	stream.indirect.scatter.add.f32 @!p0 [tilespmem:s30], [sflag:$0x6], $0x80, s28, s0, $0xb8;
	[tilespmem:$0x1F400] =	vst v63  }
0x9d: {  	s28 =	simm.s32 @!p0 $0x6  }
0x9e: {  	_ =	swait.ge @!p0 [sflag:s28], $0x3800  }
0x9f: {  	[sflag:s28] =	ssyncset.done @!p0 $0x0  }
0xa0: {  	[sflag:s28] =	ssyncadd.s32 @!p0 $0xFFFFC800;
	s28 =	simm.s32 @!p0 $0x80  }
0xa1: {  	[tilespmem:s30], [sflag:$0x4] =	stream.indirect.gather @!p0 [hbm4b:s1+s0], $0x80, s28, s0, $0xb8;
	[tilespmem:$0x1F400] =	vst v63  }
0xa2: {  	_ =	swait.ge [sflag:s29], $0x3800  }
0xa3: {  	[sflag:s29] =	ssyncset.done $0x0  }
.Ltmp2:
0xa4: {  	[sflag:s29] =	ssyncadd.s32 $0xFFFFC800;
	(pc) =	sbr.rel @p0 .LBB2_4-.Ltmp2, $4  }
0xa5: {  	[spmem:s2] =	stream.indirect.scatter.add.f32 [tilespmem:s21], [sflag:$0x6], $0x80, s24, s16, $0xb8;
	[tilespmem:$0x1F400] =	vst v63  }
0xa6: {  	_ =	swait.ge [sflag:s14], $0x3800  }
0xa7: {  	[sflag:s14] =	ssyncset.done $0x0  }
0xa8: {  	[sflag:s14] =	ssyncadd.s32 $0xFFFFC800  }
.Ltmp3:
0xa9: {  	(pc) =	sbr.rel .LBB2_2-.Ltmp3, $4  }
0xaa: {  	s0 =	simm.s32 $0x100  }
0xab: {  	[tilespmem:s21], [sflag:$0x5] =	stream.indirect.gather [hbm4b:s1+s16], $0x80, s0, s16, $0xb8;
	[tilespmem:$0x1F400] =	vst v63  }
0xac: {  	s31 =	sadd.s32 s26, s11;
	s26 =	sadd.s32 $0x200, s26  }
0xad: {  	[tilespmem:s15], [sflag:$0x2] =	stream.linear.gather [hbm4b:s31+s18], $0x600, $0x38;
	[tilespmem:$0x1F400] =	vst v63  }
.LBB2_5:
0xae: {  	_ =	sfence.sel $0x180000  }
0xaf: {  	[bflag:$0x0] =	sbarrier.arrive $0xFFFF  }
0xb0: {  	_ =	strace $0x90000047  }
0xb1: {  	s0 =	stileid.u32;
	[bflag:$0x2] =	sbarrier.arrive $0xFFFF  }
0xb2: {  	p0 =	sne.s32 s0, $0x0;
	s0 =	rddreg [dreg:$0x3]  }
0xb3: {  	s0 =	sadd.s32 @!p0 $0x100000, s0  }
0xb4: {  	[sflag:s0] =	ssyncadd.tile.s32 @!p0 $0x1;
	_ =	shalt  }
.Lfunc_end2:
_tile_overlayer_lowered:
.L_overlay_start_2:
0xb5: {  	(tag) =	ssettag $0x2  }
0xb6: {  	s0 =	rddreg [dreg:$0x0];
	s2 =	stileid.u32  }
0xb7: {  	s1 =	rddreg [dreg:$0x1];
	p0 =	sne.s32 s2, $0x0  }
0xb8: {  	s3 =	rddreg [dreg:$0x2];
	[bflag:$0x3] =	sbarrier.arrive $0xFFFF;
	s2 =	simm.s32 @!p0 $0x1C06  }
0xb9: {  	[timem:s3], [sflag:s2] =	dma.local @!p0 [hbm:s0], s1  }
0xba: {  	s0 =	simm.s32 @!p0 $0x6  }
0xbb: {  	_ =	swait.ge @!p0 [sflag:s0], s1  }
0xbc: {  	s1 =	ssub.s32 @!p0 $0x0, s1;
	[sflag:s0] =	ssyncset.done @!p0 $0x0  }
0xbd: {  	[sflag:s0] =	ssyncadd.s32 @!p0 s1  }
0xbe: {  	[bflag:$0x3] =	sbarrier.arrive $0xFFFF  }
0xbf: {  	_ =	shalt  }

// kernel: kernel.9.cloned.1.call-start
scs
__scs_entry_jumppad:
0x0: {  	(pc) =	sbr.rel $0x88, $3  }
0x1: {  	(tag) =	ssettag $0x0;
	lr =	simm.s32 $0x1  }
0x2: {  	[smem:$0x3F92] =	sst lr;
	_ =	strace $0xD0000000  }
0x3: {  	_ = 	snop  }
0x4: {  	_ = 	snop  }
0x5: {  	_ = 	snop  }
0x6: {  	_ = 	snop  }
0x7: {  	_ = 	snop  }
__scs_overlays_trampoline_lowered:
0x8: {  	[smem:$0x3FA1] =	sst s0  }
0x9: {  	[smem:$0x3FA2] =	sst s1  }
0xa: {  	[smem:$0x3FA3] =	sst s2  }
0xb: {  	[smem:$0x3FA4] =	sst s3  }
0xc: {  	[smem:$0x3FA5] =	sst s4  }
0xd: {  	[smem:$0x3FA6] =	sst s5  }
0xe: {  	[smem:$0x3FA7] =	sst s6  }
0xf: {  	[smem:$0x3FA8] =	sst s7  }
0x10: {  	[smem:$0x3FA9] =	sst s8  }
0x11: {  	[smem:$0x3FAA] =	sst s9;
	s0 =	simm.s32 @!p0 $0x0  }
0x12: {  	s1 =	sld [smem:$0x3F90];
	s0 =	simm.s32 @p0 $0x1  }
0x13: {  	[smem:$0x3FAB] =	sst s0;
	s0 =	simm.s32 @!p1 $0x0  }
0x14: {  	s2 =	sld [smem:$0x3F8F];
	s0 =	simm.s32 @p1 $0x1  }
0x15: {  	[smem:$0x3FAC] =	sst s0;
	s0 =	simm.s32 @!p2 $0x0  }
0x16: {  	s3 =	sld [smem:$0x3FDB];
	s0 =	simm.s32 @p2 $0x1  }
0x17: {  	s4 =	simm.s32 $0x1BF5;
	[smem:$0x3FAE] =	sst s0  }
0x18: {  	s0 =	sld [smem:$0x3F91];
	_ =	swait.ge [sflag:s4], $0x0  }
0x19: {  	s7 =	sld [smem:$0x3F92]  }
0x1a: {  	s8 =	sadd.s32 $0xFFFFE003, lr  }
0x1b: {  	s9 =	sadd.s32 $0xFFFFFEF7, lr;
	s5 =	simm.s32 $0xFFFFFFFF;
	p2 =	slt.u32 s8, $0xFFFFF086  }
0x1c: {  	p1 =	slt.u32 s9, $0xF7A;
	s5 =	simm.s32 @!p2 $0x0  }
0x1d: {  	s5 =	simm.s32 @p1 $0x1;
	p0 =	seq.s32 s7, s2  }
0x1e: {  	s7 =	smul.u32 @!p0 $0xF7A, s2;
	p2 =	seq.s32 @!p0 s5, $0x0  }
0x1f: {  	s9 =	smul.u32 $0xF7A, s1;
	s8 =	simm.s32 @!p0 $0x1BF5;
	p2 =	por !p2, p0  }
0x20: {  	[sflag:s8] =	ssyncset.s32 @!p0 $0xFFFFF086;
	s6 =	sadd.s32 @!p0 s3, s7;
	s7 =	simm.s32 @!p0 $0x108  }
0x21: {  	s3 =	sadd.s32 s3, s9;
	s6 =	sadd.s32 @!p0 $0x88, s6;
	s7 =	simm.s32 @p2 $0x1082  }
0x22: {  	[simem:s7], [sflag:s8] =	dma.local @!p0 [hbm:s6], $0xF7A  }
0x23: {  	s9 =	sor.u32 $0xD0000000, s2;
	s6 =	simm.s32 $0x108;
	_ =	swait.ge @!p0 [sflag:s8], $0x0  }
0x24: {  	s3 =	sadd.s32 $0x88, s3;
	s6 =	simm.s32 @!p1 $0x1082;
	[sflag:s4] =	ssyncset.s32 $0xFFFFF086  }
0x25: {  	[simem:s6], [sflag:s4] =	dma.local [hbm:s3], $0xF7A  }
0x26: {  	[smem:$0x3F92] =	sst s1;
	(tag) =	ssettag s2;
	_ =	strace s9  }
0x27: {  	s1 =	sld [smem:$0x3FA2]  }
0x28: {  	s2 =	sld [smem:$0x3FA3]  }
0x29: {  	s4 =	sld [smem:$0x3FA5]  }
0x2a: {  	p0 =	seq.s32 s5, $0x0;
	s5 =	sld [smem:$0x3FA6]  }
0x2b: {  	s6 =	sld [smem:$0x3FA7]  }
0x2c: {  	s7 =	sld [smem:$0x3FA8]  }
0x2d: {  	s3 =	simm.s32 $0x108;
	s8 =	sld [smem:$0x3FA9]  }
0x2e: {  	s3 =	simm.s32 @!p0 $0x1082;
	s9 =	sld [smem:$0x3FAA]  }
0x2f: {  	lr =	sadd.s32 s0, s3;
	s0 =	sld [smem:$0x3FA1]  }
0x30: {  	s3 =	sld [smem:$0x3FA4]  }
0x31: {  	[smem:$0x3FAD] =	sst s10  }
0x32: {  	s10 =	sld [smem:$0x3FAB];
	_ =	sdelay $0x3  }
0x33: {  	p0 =	seq.s32 s10, $0x1;
	s10 =	sld [smem:$0x3FAD];
	_ =	sdelay $0x3  }
0x34: {  	[smem:$0x3FAD] =	sst s10  }
0x35: {  	s10 =	sld [smem:$0x3FAC];
	_ =	sdelay $0x3  }
0x36: {  	p1 =	seq.s32 s10, $0x1;
	s10 =	sld [smem:$0x3FAD];
	_ =	sdelay $0x3  }
0x37: {  	[smem:$0x3FAD] =	sst s10  }
0x38: {  	s10 =	sld [smem:$0x3FAE]  }
0x39: {  	_ = 	snop;
	(pc) =	sbr.ind lr, $3  }
0x3a: {  	_ = 	snop  }
0x3b: {  	_ = 	snop  }
0x3c: {  	p2 =	seq.s32 s10, $0x1;
	s10 =	sld [smem:$0x3FAD]  }
0x3d: {  	_ =	shalt  }
0x3e: {  	_ =	shalt  }
0x3f: {  	_ =	shalt  }
0x40: {  	_ =	shalt  }
0x41: {  	_ =	shalt  }
0x42: {  	_ =	shalt  }
0x43: {  	_ =	shalt  }
0x44: {  	_ =	shalt  }
0x45: {  	_ =	shalt  }
0x46: {  	_ =	shalt  }
0x47: {  	_ =	shalt  }
0x48: {  	_ =	shalt  }
0x49: {  	_ =	shalt  }
0x4a: {  	_ =	shalt  }
0x4b: {  	_ =	shalt  }
0x4c: {  	_ =	shalt  }
0x4d: {  	_ =	shalt  }
0x4e: {  	_ =	shalt  }
0x4f: {  	_ =	shalt  }
0x50: {  	_ =	shalt  }
0x51: {  	_ =	shalt  }
0x52: {  	_ =	shalt  }
0x53: {  	_ =	shalt  }
0x54: {  	_ =	shalt  }
0x55: {  	_ =	shalt  }
0x56: {  	_ =	shalt  }
0x57: {  	_ =	shalt  }
0x58: {  	_ =	shalt  }
0x59: {  	_ =	shalt  }
0x5a: {  	_ =	shalt  }
0x5b: {  	_ =	shalt  }
0x5c: {  	_ =	shalt  }
0x5d: {  	_ =	shalt  }
0x5e: {  	_ =	shalt  }
0x5f: {  	_ =	shalt  }
0x60: {  	_ =	shalt  }
0x61: {  	_ =	shalt  }
0x62: {  	_ =	shalt  }
0x63: {  	_ =	shalt  }
0x64: {  	_ =	shalt  }
0x65: {  	_ =	shalt  }
0x66: {  	_ =	shalt  }
0x67: {  	_ =	shalt  }
0x68: {  	_ =	shalt  }
0x69: {  	_ =	shalt  }
0x6a: {  	_ =	shalt  }
0x6b: {  	_ =	shalt  }
0x6c: {  	_ =	shalt  }
0x6d: {  	_ =	shalt  }
0x6e: {  	_ =	shalt  }
0x6f: {  	_ =	shalt  }
0x70: {  	_ =	shalt  }
0x71: {  	_ =	shalt  }
0x72: {  	_ =	shalt  }
0x73: {  	_ =	shalt  }
0x74: {  	_ =	shalt  }
0x75: {  	_ =	shalt  }
0x76: {  	_ =	shalt  }
0x77: {  	_ =	shalt  }
0x78: {  	_ =	shalt  }
0x79: {  	_ =	shalt  }
0x7a: {  	_ =	shalt  }
0x7b: {  	_ =	shalt  }
0x7c: {  	_ =	shalt  }
0x7d: {  	_ =	shalt  }
0x7e: {  	_ =	shalt  }
0x7f: {  	_ =	shalt  }
0x80: {  	_ =	shalt  }
0x81: {  	_ =	shalt  }
0x82: {  	_ =	shalt  }
0x83: {  	_ =	shalt  }
0x84: {  	_ =	shalt  }
0x85: {  	_ =	shalt  }
0x86: {  	_ =	shalt  }
0x87: {  	_ =	shalt  }
.Lfunc_end0:
.L_simem_size_0:
called_computation.1_lowered:
.L_overlay_start_0:
0x88: {  	s2 =	sld [smem:$0x3FD9]  }
0x89: {  	s3 =	sld [smem:$0x3FFE];
	_ =	sdelay $0x1  }
0x8a: {  	s1 =	srdreg.scid  }
0x8b: {  	s0 =	sand.u32 $0x1, s1  }
0x8c: {  	s16 =	sshll.u32 s0, $0xA;
	s2 =	sadd.s32 s3, s2  }
0x8d: {  	s2 =	sadd.s32 s2, s16  }
0x8e: {  	[smem:$0x3FB9] =	sst s2  }
0x8f: {  	_ = 	snop  }
0x90: {  	(tm) =	ssettm $0x1  }
0x91: {  	s17 =	sld [smem:$0x3FFB];
	_ =	sdelay $0x3  }
0x92: {  	_ =	strace s17  }
0x93: {  	s2 =	sld [smem:$0x3FFC];
	_ =	sdelay $0x3  }
0x94: {  	_ =	strace s2  }
0x95: {  	s2 =	sld [smem:$0x3FFD];
	_ =	sdelay $0x3  }
0x96: {  	_ =	strace s2  }
0x97: {  	_ =	strace $0x8FFFFFFF  }
0x98: {  	s18 =	sld [smem:$0x3FDB];
	_ =	sdelay $0x1  }
0x99: {  	s19 =	simm.s32 $_scs_section_size  }
0x9a: {  	s4 =	simm.s32 $_size__tile_overlayer_lowered;
	s5 =	simm.s32 $_tile_overlayer_lowered  }
0x9b: {  	s22 =	simm.s32 $0x1BFF;
	s21 =	sshll.u32 s5, $0x1;
	s2 =	sadd.s32 s19, s18  }
0x9c: {  	s6 =	simm.s32 $0x0;
	s20 =	sshll.u32 s4, $0x1;
	s4 =	sadd.s32 s21, s2  }
0x9d: {  	[timem:s6], [sflag:s22] =	dma.local [hbm:s4], s20  }
0x9e: {  	_ =	swait.ge [sflag:s22], s20  }
0x9f: {  	s3 =	ssub.s32 $0x0, s20;
	[sflag:s22] =	ssyncset.done $0x0  }
0xa0: {  	[sflag:s22] =	ssyncadd.s32 s3;
	_ =	sdelay $0x1  }
0xa1: {  	s23 =	simm.s32 $0x1B8B  }
0xa2: {  	_ =	swait.ge [sflag:s23], $0x1  }
0xa3: {  	[sflag:s23] =	ssyncset.done $0x0  }
0xa4: {  	s25 =	simm.s32 $0x1B8E;
	s24 =	sld [smem:$0x3FFE];
	[sflag:s23] =	ssyncadd.s32 $0xFFFFFFFF  }
0xa5: {  	s26 =	simm.s32 $execute0_lowered;
	[smem:$0x3FD2] =	sst s25  }
0xa6: {  	s4 =	sshll.u32 s26, $0x1;
	_ =	strace $0x80000049;
	[dreg:$0x1] =	wrdreg $0xFFFFFFFF  }
0xa7: {  	s28 =	simm.s32 $_size_execute0_lowered;
	s2 =	sadd.s32 s2, s4;
	[dreg:$0x0] =	wrdreg $0x0  }
0xa8: {  	s4 =	sshll.u32 s28, $0x1;
	[dreg:$0x2] =	wrdreg s2  }
0xa9: {  	[dreg:$0x3] =	wrdreg s4  }
0xaa: {  	[dreg:$0x4] =	wrdreg $0xC0  }
0xab: {  	_ =	task [dreg:s6], $0x5FFFF  }
0xac: {  	[dreg:$0x1] =	wrdreg $0xFFFFFFFF  }
0xad: {  	[dreg:$0x0] =	wrdreg $0x60  }
0xae: {  	[dreg:$0x2] =	wrdreg s24  }
0xaf: {  	[dreg:$0x3] =	wrdreg $0xB8000  }
0xb0: {  	[dreg:$0x4] =	wrdreg $0x9  }
0xb1: {  	_ =	task.clear_ibuf [dreg:s6], $0x5FFFF;
	_ =	strace $0x90000049  }
0xb2: {  	s29 =	simm.s32 $0x9;
	_ =	strace $0x8000004B  }
0xb3: {  	_ =	swait.ge [sflag:s29], $0x1  }
0xb4: {  	[sflag:s29] =	ssyncadd.s32 $0xFFFFFFFF  }
0xb5: {  	_ =	strace $0x9000004B  }
0xb6: {  	_ =	sfence  }
0xb7: {  	s30 =	sld [smem:$0x0];
	_ =	sdelay $0x2  }
0xb8: {  	s31 =	sshll.u32 s1, $0xD;
	s1 =	sshrl.u32 s1, $0x2  }
0xb9: {  	s3 =	sand.u32 $0x4000, s31;
	s1 =	sadd.s32 s1, s30  }
0xba: {  	s0 =	sor.u32 s3, s0;
	s1 =	sshll.u32 s1, $0x11  }
0xbb: {  	s0 =	sor.u32 s1, s0  }
0xbc: {  	s0 =	sadd.s32 $0x8F2B, s0  }
0xbd: {  	[sflag:s0] =	ssyncadd.remote.s32 $0x1  }
0xbe: {  	_ =	sfence.sel $0xFFFF  }
0xbf: {  	[dreg:$0x0] =	wrdreg $0xFFFFFFFF;
	(pc) =	sbr.abs _section_cstart, $3  }
0xc0: {  	[dreg:$0x1] =	wrdreg $0xFFFFFFFF  }
0xc1: {  	_ =	task.clear_ibuf [dreg:s6], $0x2FFFF;
	_ =	strace $0x9FFFFFFF  }
0xc2: {  	(tm) =	ssettm $0x7FFFFFFF  }
0xc3: {  	_ =	shalt  }
tec
execute0_lowered:
.L_overlay_start_1:
0x0: {  	(tag) =	ssettag $0x1  }
0x1: {  	s0 =	rddreg [dreg:$0x0]  }
0x2: {  	s1 =	rddreg [dreg:$0x1];
	s2 =	srdreg.scid  }
0x3: {  	s4 =	simm.s32 $0x0;
	s10 =	stileid.u32;
	s14 =	simm.s32 $0x6  }
0x4: {  	s15 =	simm.s32 $0x800;
	s16 =	simm.s32 $0x70;
	s17 =	simm.s32 $0x1000  }
0x5: {  	s19 =	simm.s32 $0x4800;
	s29 =	simm.s32 $0x5;
	s13 =	simm.s32 $0xA00  }
0x6: {  	s28 =	simm.s32 $0x0;
	s2 =	sand.u32 $0x1, s2;
	[smem:$0x7FF] =	sst s4  }
0x7: {  	s5 =	smul.u32 $0x13C00, s10;
	s4 =	sadd.s32 $0x25200, s0;
	s6 =	sadd.s32 $0x2A00, s0  }
0x8: {  	s7 =	sadd.s32 $0x22A00, s0;
	s8 =	smul.u32 $0x4F000, s10;
	s9 =	sshll.u32 s10, $0xF  }
0x9: {  	s24 =	sshll.u32 s10, $0x6;
	s10 =	simm.s32 $0x980;
	s3 =	smul.u32 $0x13C000, s2  }
0xa: {  	_ =	strace $0x8000004A;
	s20 =	ssub.s32 $0x2, s2;
	[dreg:$0x3] =	wrdreg s7  }
0xb: {  	s2 =	sshll.u32 s2, $0x13;
	s18 =	sor.u32 $0x1C06, s24;
	s24 =	simm.s32 $0xD80  }
0xc: {  	s21 =	sshrl.u32 s20, $0x1;
	s2 =	sor.u32 s9, s2;
	s23 =	sshrl.u32 s8, $0x2  }
0xd: {  	s8 =	simm.s32 $0x580;
	s9 =	simm.s32 $0x900;
	[dreg:$0x4] =	wrdreg s18  }
0xe: {  	s3 =	sadd.s32 s5, s3;
	s22 =	ssub.s32 s20, s21;
	s25 =	sshrl.u32 s2, $0x3  }
0xf: {  	s5 =	sadd.s32 s23, s1;
	s30 =	sor.u32 $0x1800, s2;
	s2 =	sor.u32 $0x1000, s2  }
0x10: {  	s21 =	simm.s32 $0x8000;
	s20 =	simm.s32 $0xA80;
	s23 =	simm.s32 $0xC80  }
0x11: {  	s3 =	sshrl.u32 s3, $0x3;
	s26 =	sadd.s32 s6, s25;
	s31 =	sshrl.u32 s30, $0x3  }
0x12: {  	s2 =	sshrl.u32 s2, $0x3;
	s25 =	simm.s32 $0x4;
	s0 =	sadd.s32 s3, s0  }
0x13: {  	[dreg:$0x5] =	wrdreg s26;
	s7 =	sadd.s32 $0x100, s26;
	s3 =	smax.u32 s22, $0x1  }
.Ltmp0:
0x14: {  	s11 =	sadd.s32 s31, s6;
	s12 =	sadd.s32 s2, s6;
	(pc) =	sbr.rel .LBB2_1-.Ltmp0, $4  }
0x15: {  	s26 =	sshrl.u32 s5, $0x3;
	s22 =	simm.s32 $0x3;
	[dreg:$0x6] =	wrdreg s7  }
0x16: {  	s2 =	simm.s32 $0x2;
	s5 =	simm.s32 $0x880;
	[dreg:$0x8] =	wrdreg s3  }
0x17: {  	s6 =	simm.s32 $0xB80;
	s0 =	sadd.s32 $0x4C400, s0;
	[dreg:$0x9] =	wrdreg s26  }
0x18: {  	s7 =	simm.s32 $0xB00;
	s3 =	simm.s32 $0xC00;
	[dreg:$0x7] =	wrdreg s0  }
.LBB2_4:
0x19: {  	[bflag:$0x0] =	sbarrier.arrive $0xFFFF  }
0x1a: {  	s18 =	rddreg [dreg:$0x4]  }
0x1b: {  	s0 =	rddreg [dreg:$0x7]  }
0x1c: {  	s26 =	rddreg [dreg:$0x9]  }
0x1d: {  	[hbm:s0], [sflag:s18] =	dma.local [spmem:s26], $0x2780  }
0x1e: {  	_ =	swait.ge [sflag:s14], $0x2780  }
0x1f: {  	s28 =	rddreg [dreg:$0xa]  }
0x20: {  	s31 =	rddreg [dreg:$0x8];
	s28 =	sadd.s32 $0x1, s28  }
0x21: {  	p0 =	sne.s32 s28, s31  }
.Ltmp1:
0x22: {  	_ = 	snop;
	(pc) =	sbr.rel @!p0 .LBB2_5-.Ltmp1, $3  }
0x23: {  	_ =	sdelay $0x1  }
0x24: {  	[sflag:s14] =	ssyncset.done $0x0  }
0x25: {  	[sflag:s14] =	ssyncadd.s32 $0xFFFFD880  }
.LBB2_1:
0x26: {  	[dreg:$0xa] =	wrdreg s28  }
0x27: {  	s0 =	rddreg [dreg:$0x3]  }
0x28: {  	[spmem:s26], [sflag:s18] =	dma.local [hbm:s0], $0x2780  }
0x29: {  	_ =	swait.ge [sflag:s14], $0x2780  }
0x2a: {  	[sflag:s14] =	ssyncset.done $0x0  }
0x2b: {  	s31 =	simm.s32 $0x0;
	s26 =	rddreg [dreg:$0x5];
	[sflag:s14] =	ssyncadd.s32 $0xFFFFD880  }
0x2c: {  	[tilespmem:s31], [sflag:$0x6] =	stream.linear.gather [hbm4b:s26+s31], $0x600, $0x38;
	[tilespmem:$0x1F400] =	vst v63  }
0x2d: {  	_ =	swait.ge [sflag:s14], $0x600  }
0x2e: {  	[sflag:s14] =	ssyncset.done $0x0  }
0x2f: {  	s28 =	rddreg [dreg:$0x6];
	[sflag:s14] =	ssyncadd.s32 $0xFFFFFA00  }
0x30: {  	[tilespmem:s15], [sflag:$0x2] =	stream.linear.gather [hbm4b:s28+s31], $0x600, $0x38;
	[tilespmem:$0x1F400] =	vst v63  }
0x31: {  	[bflag:$0x0] =	sbarrier.arrive $0xFFFF  }
0x32: {  	[tilespmem:s17], [sflag:$0x3] =	stream.indirect.gather [hbm4b:s4+s16], $0x80, s31, s16, $0xb8;
	[tilespmem:$0x1F400] =	vst v63  }
0x33: {  	s30 =	simm.s32 $0x80  }
0x34: {  	[tilespmem:s19], [sflag:$0x4] =	stream.indirect.gather [hbm4b:s4+s16], $0x80, s30, s16, $0xb8;
	[tilespmem:$0x1F400] =	vst v63  }
0x35: {  	s18 =	simm.s32 $0x0;
	s26 =	simm.s32 $0x0;
	s31 =	simm.s32 $0x100  }
0x36: {  	[tilespmem:s21], [sflag:$0x5] =	stream.indirect.gather [hbm4b:s4+s16], $0x80, s31, s16, $0xb8;
	[tilespmem:$0x1F400] =	vst v63  }
.LBB2_2:
0x37: {  	_ =	swait.ge [sflag:s22], $0x3800  }
0x38: {  	[sflag:s22] =	ssyncset.done $0x0  }
0x39: {  	s0 =	simm.s32 $0x300;
	[sflag:s22] =	ssyncadd.s32 $0xFFFFC800  }
0x3a: {  	[spmem:s1] =	stream.indirect.scatter.add.f32 [tilespmem:s17], [sflag:$0x6], $0x80, s0, s16, $0xb8;
	[tilespmem:$0x1F400] =	vst v63  }
0x3b: {  	_ =	swait.ge [sflag:s14], $0x3800  }
0x3c: {  	[sflag:s14] =	ssyncset.done $0x0  }
0x3d: {  	s31 =	simm.s32 $0x180;
	[sflag:s14] =	ssyncadd.s32 $0xFFFFC800  }
0x3e: {  	[tilespmem:s17], [sflag:$0x3] =	stream.indirect.gather [hbm4b:s4+s16], $0x80, s31, s16, $0xb8;
	[tilespmem:$0x1F400] =	vst v63  }
0x3f: {  	_ =	swait.ge [sflag:s25], $0x3800  }
0x40: {  	[sflag:s25] =	ssyncset.done $0x0  }
0x41: {  	s28 =	simm.s32 $0x380;
	[sflag:s25] =	ssyncadd.s32 $0xFFFFC800  }
0x42: {  	[spmem:s1] =	stream.indirect.scatter.add.f32 [tilespmem:s19], [sflag:$0x6], $0x80, s28, s16, $0xb8;
	[tilespmem:$0x1F400] =	vst v63  }
0x43: {  	_ =	swait.ge [sflag:s14], $0x3800  }
0x44: {  	[sflag:s14] =	ssyncset.done $0x0  }
0x45: {  	s30 =	simm.s32 $0x200;
	[sflag:s14] =	ssyncadd.s32 $0xFFFFC800  }
0x46: {  	[tilespmem:s19], [sflag:$0x4] =	stream.indirect.gather [hbm4b:s4+s16], $0x80, s30, s16, $0xb8;
	[tilespmem:$0x1F400] =	vst v63  }
0x47: {  	_ =	swait.ge [sflag:s29], $0x3800  }
0x48: {  	[sflag:s29] =	ssyncset.done $0x0  }
0x49: {  	s31 =	simm.s32 $0x400;
	[sflag:s29] =	ssyncadd.s32 $0xFFFFC800  }
0x4a: {  	[spmem:s1] =	stream.indirect.scatter.add.f32 [tilespmem:s21], [sflag:$0x6], $0x80, s31, s16, $0xb8;
	[tilespmem:$0x1F400] =	vst v63  }
0x4b: {  	_ =	swait.ge [sflag:s14], $0x3800  }
0x4c: {  	[sflag:s14] =	ssyncset.done $0x0  }
0x4d: {  	s28 =	simm.s32 $0x280;
	[sflag:s14] =	ssyncadd.s32 $0xFFFFC800  }
0x4e: {  	[tilespmem:s21], [sflag:$0x5] =	stream.indirect.gather [hbm4b:s4+s16], $0x80, s28, s16, $0xb8;
	[tilespmem:$0x1F400] =	vst v63  }
0x4f: {  	_ =	swait.ge [sflag:s22], $0x3800  }
0x50: {  	[sflag:s22] =	ssyncset.done $0x0  }
0x51: {  	s30 =	simm.s32 $0x480;
	[sflag:s22] =	ssyncadd.s32 $0xFFFFC800  }
0x52: {  	[spmem:s1] =	stream.indirect.scatter.add.f32 [tilespmem:s17], [sflag:$0x6], $0x80, s30, s16, $0xb8;
	[tilespmem:$0x1F400] =	vst v63  }
0x53: {  	_ =	swait.ge [sflag:s14], $0x3800  }
0x54: {  	[sflag:s14] =	ssyncset.done $0x0  }
0x55: {  	[sflag:s14] =	ssyncadd.s32 $0xFFFFC800  }
0x56: {  	_ =	swait.ge [sflag:s2], $0x600  }
0x57: {  	[sflag:s2] =	ssyncset.done $0x0  }
0x58: {  	[sflag:s2] =	ssyncadd.s32 $0xFFFFFA00  }
0x59: {  	[tilespmem:s17], [sflag:$0x3] =	stream.indirect.gather [hbm4b:s4+s16], $0x80, s15, s16, $0xb8;
	[tilespmem:$0x1F400] =	vst v63  }
0x5a: {  	_ =	swait.ge [sflag:s25], $0x3800  }
0x5b: {  	[sflag:s25] =	ssyncset.done $0x0  }
0x5c: {  	s31 =	simm.s32 $0x500;
	[sflag:s25] =	ssyncadd.s32 $0xFFFFC800  }
0x5d: {  	[spmem:s1] =	stream.indirect.scatter.add.f32 [tilespmem:s19], [sflag:$0x6], $0x80, s31, s16, $0xb8;
	[tilespmem:$0x1F400] =	vst v63  }
0x5e: {  	_ =	swait.ge [sflag:s14], $0x3800  }
0x5f: {  	[sflag:s14] =	ssyncset.done $0x0  }
0x60: {  	[sflag:s14] =	ssyncadd.s32 $0xFFFFC800  }
0x61: {  	[tilespmem:s19], [sflag:$0x4] =	stream.indirect.gather [hbm4b:s4+s16], $0x80, s5, s16, $0xb8;
	[tilespmem:$0x1F400] =	vst v63  }
0x62: {  	_ =	swait.ge [sflag:s29], $0x3800  }
0x63: {  	[sflag:s29] =	ssyncset.done $0x0  }
0x64: {  	[sflag:s29] =	ssyncadd.s32 $0xFFFFC800  }
0x65: {  	[spmem:s1] =	stream.indirect.scatter.add.f32 [tilespmem:s21], [sflag:$0x6], $0x80, s8, s16, $0xb8;
	[tilespmem:$0x1F400] =	vst v63  }
0x66: {  	_ =	swait.ge [sflag:s14], $0x3800  }
0x67: {  	[sflag:s14] =	ssyncset.done $0x0  }
0x68: {  	p0 =	seq.s32 s26, $0xE00;
	[sflag:s14] =	ssyncadd.s32 $0xFFFFC800  }
0x69: {  	[tilespmem:s21], [sflag:$0x5] =	stream.indirect.gather [hbm4b:s4+s16], $0x80, s9, s16, $0xb8;
	[tilespmem:$0x1F400] =	vst v63  }
0x6a: {  	s28 =	sadd.s32 @!p0 s26, s12;
	s30 =	simm.s32 @!p0 $0x0  }
0x6b: {  	[tilespmem:s30], [sflag:$0x1] =	stream.linear.gather @!p0 [hbm4b:s28+s30], $0x600, $0x38;
	[tilespmem:$0x1F400] =	vst v63  }
0x6c: {  	_ =	swait.ge [sflag:s22], $0x3800  }
0x6d: {  	[sflag:s22] =	ssyncset.done $0x0  }
0x6e: {  	[sflag:s22] =	ssyncadd.s32 $0xFFFFC800  }
0x6f: {  	[spmem:s1] =	stream.indirect.scatter.add.f32 [tilespmem:s17], [sflag:$0x6], $0x80, s7, s16, $0xb8;
	[tilespmem:$0x1F400] =	vst v63  }
0x70: {  	_ =	swait.ge [sflag:s14], $0x3800  }
0x71: {  	[sflag:s14] =	ssyncset.done $0x0  }
0x72: {  	[sflag:s14] =	ssyncadd.s32 $0xFFFFC800  }
0x73: {  	[tilespmem:s17], [sflag:$0x3] =	stream.indirect.gather [hbm4b:s4+s16], $0x80, s10, s16, $0xb8;
	[tilespmem:$0x1F400] =	vst v63  }
0x74: {  	_ =	swait.ge [sflag:s25], $0x3800  }
0x75: {  	[sflag:s25] =	ssyncset.done $0x0  }
0x76: {  	[sflag:s25] =	ssyncadd.s32 $0xFFFFC800  }
0x77: {  	[spmem:s1] =	stream.indirect.scatter.add.f32 [tilespmem:s19], [sflag:$0x6], $0x80, s6, s16, $0xb8;
	[tilespmem:$0x1F400] =	vst v63  }
0x78: {  	_ =	swait.ge [sflag:s14], $0x3800  }
0x79: {  	[sflag:s14] =	ssyncset.done $0x0  }
0x7a: {  	[sflag:s14] =	ssyncadd.s32 $0xFFFFC800  }
0x7b: {  	[tilespmem:s19], [sflag:$0x4] =	stream.indirect.gather [hbm4b:s4+s16], $0x80, s13, s16, $0xb8;
	[tilespmem:$0x1F400] =	vst v63  }
0x7c: {  	_ =	swait.ge [sflag:s29], $0x3800  }
0x7d: {  	[sflag:s29] =	ssyncset.done $0x0  }
0x7e: {  	[sflag:s29] =	ssyncadd.s32 $0xFFFFC800  }
0x7f: {  	[spmem:s1] =	stream.indirect.scatter.add.f32 [tilespmem:s21], [sflag:$0x6], $0x80, s3, s16, $0xb8;
	[tilespmem:$0x1F400] =	vst v63  }
0x80: {  	_ =	swait.ge [sflag:s14], $0x3800  }
0x81: {  	[sflag:s14] =	ssyncset.done $0x0  }
0x82: {  	[sflag:s14] =	ssyncadd.s32 $0xFFFFC800  }
0x83: {  	[tilespmem:s21], [sflag:$0x5] =	stream.indirect.gather [hbm4b:s4+s16], $0x80, s20, s16, $0xb8;
	[tilespmem:$0x1F400] =	vst v63  }
0x84: {  	_ =	swait.ge [sflag:s22], $0x3800  }
0x85: {  	[sflag:s22] =	ssyncset.done $0x0  }
0x86: {  	[sflag:s22] =	ssyncadd.s32 $0xFFFFC800  }
0x87: {  	[spmem:s1] =	stream.indirect.scatter.add.f32 [tilespmem:s17], [sflag:$0x6], $0x80, s23, s16, $0xb8;
	[tilespmem:$0x1F400] =	vst v63  }
0x88: {  	_ =	swait.ge [sflag:s14], $0x3800  }
0x89: {  	[sflag:s14] =	ssyncset.done $0x0  }
0x8a: {  	s28 =	simm.s32 @p0 $0x4;
	[sflag:s14] =	ssyncadd.s32 $0xFFFFC800  }
0x8b: {  	_ =	swait.ge @p0 [sflag:s28], $0x3800  }
0x8c: {  	s0 =	simm.s32 @p0 $0x4800;
	[sflag:s28] =	ssyncset.done @p0 $0x0  }
0x8d: {  	s31 =	simm.s32 @p0 $0xD00;
	[sflag:s28] =	ssyncadd.s32 @p0 $0xFFFFC800;
	s28 =	simm.s32 @p0 $0x70  }
0x8e: {  	[spmem:s1] =	stream.indirect.scatter.add.f32 @p0 [tilespmem:s0], [sflag:$0x6], $0x80, s31, s28, $0xb8;
	[tilespmem:$0x1F400] =	vst v63  }
0x8f: {  	s0 =	simm.s32 @p0 $0x6  }
0x90: {  	_ =	swait.ge @p0 [sflag:s0], $0x3800  }
0x91: {  	[sflag:s0] =	ssyncset.done @p0 $0x0  }
0x92: {  	[sflag:s0] =	ssyncadd.s32 @p0 $0xFFFFC800;
	s0 =	simm.s32 @!p0 $0x1  }
0x93: {  	_ =	swait.ge @!p0 [sflag:s0], $0x600  }
0x94: {  	[sflag:s0] =	ssyncset.done @!p0 $0x0  }
0x95: {  	s28 =	simm.s32 @!p0 $0x1000;
	[sflag:s0] =	ssyncadd.s32 @!p0 $0xFFFFFA00;
	s0 =	simm.s32 @!p0 $0x70  }
0x96: {  	[tilespmem:s28], [sflag:$0x3] =	stream.indirect.gather @!p0 [hbm4b:s4+s0], $0x80, s30, s0, $0xb8;
	[tilespmem:$0x1F400] =	vst v63  }
0x97: {  	s28 =	simm.s32 @!p0 $0x4  }
0x98: {  	_ =	swait.ge @!p0 [sflag:s28], $0x3800  }
0x99: {  	[sflag:s28] =	ssyncset.done @!p0 $0x0  }
0x9a: {  	s30 =	simm.s32 @!p0 $0x4800;
	[sflag:s28] =	ssyncadd.s32 @!p0 $0xFFFFC800;
	s28 =	simm.s32 @!p0 $0xD00  }
0x9b: {  	[spmem:s1] =	stream.indirect.scatter.add.f32 @!p0 [tilespmem:s30], [sflag:$0x6], $0x80, s28, s0, $0xb8;
	[tilespmem:$0x1F400] =	vst v63  }
0x9c: {  	s28 =	simm.s32 @!p0 $0x6  }
0x9d: {  	_ =	swait.ge @!p0 [sflag:s28], $0x3800  }
0x9e: {  	[sflag:s28] =	ssyncset.done @!p0 $0x0  }
0x9f: {  	[sflag:s28] =	ssyncadd.s32 @!p0 $0xFFFFC800;
	s28 =	simm.s32 @!p0 $0x80  }
0xa0: {  	[tilespmem:s30], [sflag:$0x4] =	stream.indirect.gather @!p0 [hbm4b:s4+s0], $0x80, s28, s0, $0xb8;
	[tilespmem:$0x1F400] =	vst v63  }
0xa1: {  	_ =	swait.ge [sflag:s29], $0x3800  }
0xa2: {  	[sflag:s29] =	ssyncset.done $0x0  }
.Ltmp2:
0xa3: {  	[sflag:s29] =	ssyncadd.s32 $0xFFFFC800;
	(pc) =	sbr.rel @p0 .LBB2_4-.Ltmp2, $4  }
0xa4: {  	[spmem:s1] =	stream.indirect.scatter.add.f32 [tilespmem:s21], [sflag:$0x6], $0x80, s24, s16, $0xb8;
	[tilespmem:$0x1F400] =	vst v63  }
0xa5: {  	_ =	swait.ge [sflag:s14], $0x3800  }
0xa6: {  	[sflag:s14] =	ssyncset.done $0x0  }
0xa7: {  	[sflag:s14] =	ssyncadd.s32 $0xFFFFC800  }
.Ltmp3:
0xa8: {  	(pc) =	sbr.rel .LBB2_2-.Ltmp3, $4  }
0xa9: {  	s0 =	simm.s32 $0x100  }
0xaa: {  	[tilespmem:s21], [sflag:$0x5] =	stream.indirect.gather [hbm4b:s4+s16], $0x80, s0, s16, $0xb8;
	[tilespmem:$0x1F400] =	vst v63  }
0xab: {  	s31 =	sadd.s32 s26, s11;
	s26 =	sadd.s32 $0x200, s26  }
0xac: {  	[tilespmem:s15], [sflag:$0x2] =	stream.linear.gather [hbm4b:s31+s18], $0x600, $0x38;
	[tilespmem:$0x1F400] =	vst v63  }
.LBB2_5:
0xad: {  	_ =	sfence.sel $0x180000  }
0xae: {  	[bflag:$0x0] =	sbarrier.arrive $0xFFFF  }
0xaf: {  	_ =	strace $0x9000004A  }
0xb0: {  	s0 =	stileid.u32;
	[bflag:$0x2] =	sbarrier.arrive $0xFFFF  }
0xb1: {  	p0 =	sne.s32 s0, $0x0;
	s0 =	rddreg [dreg:$0x2]  }
0xb2: {  	s0 =	sadd.s32 @!p0 $0x100000, s0  }
0xb3: {  	[sflag:s0] =	ssyncadd.tile.s32 @!p0 $0x1;
	_ =	shalt  }
.Lfunc_end2:
_tile_overlayer_lowered:
.L_overlay_start_2:
0xb4: {  	(tag) =	ssettag $0x2  }
0xb5: {  	s0 =	rddreg [dreg:$0x0];
	s2 =	stileid.u32  }
0xb6: {  	s1 =	rddreg [dreg:$0x1];
	p0 =	sne.s32 s2, $0x0  }
0xb7: {  	s3 =	rddreg [dreg:$0x2];
	[bflag:$0x3] =	sbarrier.arrive $0xFFFF;
	s2 =	simm.s32 @!p0 $0x1C06  }
0xb8: {  	[timem:s3], [sflag:s2] =	dma.local @!p0 [hbm:s0], s1  }
0xb9: {  	s0 =	simm.s32 @!p0 $0x6  }
0xba: {  	_ =	swait.ge @!p0 [sflag:s0], s1  }
0xbb: {  	s1 =	ssub.s32 @!p0 $0x0, s1;
	[sflag:s0] =	ssyncset.done @!p0 $0x0  }
0xbc: {  	[sflag:s0] =	ssyncadd.s32 @!p0 s1  }
0xbd: {  	[bflag:$0x3] =	sbarrier.arrive $0xFFFF  }
0xbe: {  	_ =	shalt  }

</sc_bundles>
